<compile_context>
chip_gen: v7x
topology: tpu7x:2x2x1
jax: 0.10.2.dev20260603
libtpu: 0.0.44.dev20260713+nightly
codegen_flags: <defaults>
</compile_context>

<pallas_src>
import functools

import jax
import jax.numpy as jnp
from jax import lax
from jax.experimental import pallas as pl
from jax.experimental.pallas import tpu as pltpu
from jax.experimental.pallas import tpu_sc as plsc

NC = 2
NS = 16
NW = NC * NS

G = 40
RPC = 4


@functools.partial(jax.jit, static_argnames=("b", "l", "d"))
def _emb_lookup(x, pos_enc, table, b, l, d):
    chunks_per_w = b // (RPC * NW)
    ng = RPC * l // G

    mesh = plsc.VectorSubcoreMesh(
        core_axis_name="c", subcore_axis_name="s", num_cores=NC, num_subcores=NS
    )

    @functools.partial(
        pl.kernel,
        out_type=jax.ShapeDtypeStruct((b, l, 2 * d), jnp.float32),
        mesh=mesh,
        scratch_types=[
            pltpu.VMEM((2, RPC, l), jnp.int32),
            pltpu.VMEM((2, RPC, l, d), jnp.float32),
            pltpu.VMEM((l, d), jnp.float32),
            pltpu.SemaphoreType.DMA,
            pltpu.SemaphoreType.DMA,
            pltpu.SemaphoreType.DMA,
            pltpu.SemaphoreType.DMA,
        ],
        compiler_params=pltpu.CompilerParams(use_tc_tiling_on_sc=False),
    )
    def k(x_hbm, pos_hbm, table_hbm, out_hbm, idx_v, rows_v, pos_v,
          gsem0, gsem1, ssem0, ssem1):
        gsem = (gsem0, gsem1)
        ssem = (ssem0, ssem1)
        wid = lax.axis_index("s") * NC + lax.axis_index("c")
        base_chunk = wid * chunks_per_w
        pltpu.sync_copy(pos_hbm.at[0, pl.ds(0, l)], pos_v)

        def gather_descs(buf):
            descs = []
            for j in range(ng):
                rep, half = divmod(j, l // G)
                sl = pl.ds(half * G, G)
                descs.append(
                    pltpu.make_async_copy(
                        table_hbm.at[idx_v.at[buf, rep, sl]],
                        rows_v.at[buf, rep, sl],
                        gsem[buf],
                    )
                )
            return descs

        def issue_chunk(buf, cid):
            pltpu.sync_copy(x_hbm.at[pl.ds(cid * RPC, RPC)], idx_v.at[buf])
            for cp in gather_descs(buf):
                cp.start()

        def scatter_desc(buf, cid):
            return pltpu.make_async_copy(
                rows_v.at[buf],
                out_hbm.at[pl.ds(cid * RPC, RPC), :, pl.ds(0, d)],
                ssem[buf],
            )

        issue_chunk(0, base_chunk)

        def pair_body(t, carry):
            for buf in range(2):
                c = 2 * t + buf
                cid = base_chunk + c
                for cp in gather_descs(buf):
                    cp.wait()
                nxt = 1 - buf

                @pl.when(c >= 1)
                def _():
                    scatter_desc(nxt, cid - 1).wait()

                @pl.when(c + 1 < chunks_per_w)
                def _():
                    issue_chunk(nxt, cid + 1)

                def add_body(rr, carry2):
                    for rep in range(RPC):
                        for kk in range(d // 16):
                            sl = pl.ds(kk * 16, 16)
                            rows_v[buf, rep, rr, sl] = (
                                rows_v[buf, rep, rr, sl] + pos_v[rr, sl]
                            )
                    return carry2

                lax.fori_loop(0, l, add_body, 0)
                scatter_desc(buf, cid).start()
            return carry

        lax.fori_loop(0, chunks_per_w // 2, pair_body, 0)
        scatter_desc(1, base_chunk + chunks_per_w - 1).wait()

    return k(x, pos_enc, table)


def kernel(x, table, pos_enc):
    b, l = x.shape
    _, d = table.shape
    assert b % (RPC * NW) == 0 and (b // (RPC * NW)) % 2 == 0
    assert l % G == 0 and d % 16 == 0 and pos_enc.shape[1] >= l
    out = _emb_lookup(x, pos_enc, table, b, l, d)
    return out[:, :, :d]

# --- scband reference (transcript-rebuilt; emitter-appended) ---
"""Pipeline reference for scband-embeddings-5514738008240 (READ-ONLY COPY).

The authoritative reference and input builder live on the scoring server;
editing this copy changes nothing except your own understanding.
"""

import jax, jax.numpy as jnp
import numpy as np

VOCAB = 1000000
EMBED_DIM = 64
MAX_LEN = 512
B = 4096
L = 200

def setup_inputs(seed: int = 0) -> dict:
    key = jax.random.key(seed)
    k1, k2 = jax.random.split(key, 2)
    x = jax.random.randint(k1, (B, L), 0, VOCAB, dtype=jnp.int64) if jax.config.jax_enable_x64 else jax.random.randint(k1, (B, L), 0, VOCAB, dtype=jnp.int32)
    table = jax.random.normal(k2, (VOCAB, EMBED_DIM), dtype=jnp.float32)
    pos_enc = jnp.zeros((1, MAX_LEN, EMBED_DIM), dtype=jnp.float32)
    return {"x": x, "table": table, "pos_enc": pos_enc}

def reference(x, table, pos_enc):
    seq_len = x.shape[1]
    emb = jnp.take(table, x, axis=0)  # [B, L, D] embedding gather
    out = emb + pos_enc[:, :seq_len, :]
    return out

if __name__ == "__main__":
    import jax
    _d = setup_inputs()
    print(jax.jit(kernel)(*tuple(_d.values())))

</pallas_src>

<mosaic_0001>
#map = affine_map<(d0, d1) -> (0, 0)>
#map1 = affine_map<(d0, d1) -> (0, 0, 0)>
module attributes {stable_mosaic.version = 14 : i64} {
  func.func @k(%arg0: i32, %arg1: i32, %arg2: memref<4096x200xi32, #tpu.memory_space<hbm>>, %arg3: memref<1x512x64xf32, #tpu.memory_space<hbm>>, %arg4: memref<1000000x64xf32, #tpu.memory_space<hbm>>, %arg5: memref<4096x200x128xf32, #tpu.memory_space<hbm>>, %arg6: memref<2x4x200xi32, #tpu.memory_space<vmem>>, %arg7: memref<2x4x200x64xf32, #tpu.memory_space<vmem>>, %arg8: memref<200x64xf32, #tpu.memory_space<vmem>>, %arg9: memref<!tpu.dma_semaphore, #tpu.memory_space<semaphore_mem>>, %arg10: memref<!tpu.dma_semaphore, #tpu.memory_space<semaphore_mem>>, %arg11: memref<!tpu.dma_semaphore, #tpu.memory_space<semaphore_mem>>, %arg12: memref<!tpu.dma_semaphore, #tpu.memory_space<semaphore_mem>>) attributes {dimension_semantics = [#tpu.dimension_semantics<core_parallel>, #tpu.dimension_semantics<subcore_parallel>], iteration_bounds = array<i64: 2, 16>, scalar_prefetch = 0 : i64, scratch_operands = 7 : i64, tpu.core_type = #tpu.core_type<sc_vector_subcore>, window_params = [{transform_indices = #map}, {transform_indices = #map1}, {transform_indices = #map}, {transform_indices = #map1}]} {
    %mul3A = arith.constant 2 : i32
    %mul3A_0 = arith.muli %arg1, %mul3A : i32
    %add3A = arith.addi %mul3A_0, %arg0 : i32
    %mul3A_1 = arith.constant 32 : i32
    %mul3A_2 = arith.muli %add3A, %mul3A_1 : i32
    %run_scoped3A = arith.constant 0 : i32
    "tpu.region"() ({
      %run_scoped3A_311 = tpu.sem_alloc : memref<!tpu.dma_semaphore, #tpu.memory_space<semaphore_mem>>
      %dma_start3A_312 = arith.constant 0 : i32
      %dma_start3A_313 = arith.constant 0 : i32
      %dma_start3A_314 = tpu.memref_slice %arg3[%run_scoped3A, %dma_start3A_312, %dma_start3A_313] : memref<1x512x64xf32, #tpu.memory_space<hbm>> -> memref<1x200x64xf32, #tpu.memory_space<hbm>>
      %dma_start3A_315 = tpu.memref_squeeze %dma_start3A_314 : memref<1x200x64xf32, #tpu.memory_space<hbm>> -> memref<200x64xf32, #tpu.memory_space<hbm>>
      %dma_start3A_316 = arith.constant 0 : i32
      %dma_start3A_317 = arith.constant 0 : i32
      %dma_start3A_318 = tpu.memref_slice %arg3[%run_scoped3A, %dma_start3A_316, %dma_start3A_317] : memref<1x512x64xf32, #tpu.memory_space<hbm>> -> memref<1x200x64xf32, #tpu.memory_space<hbm>>
      %dma_start3A_319 = tpu.memref_squeeze %dma_start3A_318 : memref<1x200x64xf32, #tpu.memory_space<hbm>> -> memref<200x64xf32, #tpu.memory_space<hbm>>
      tpu.enqueue_dma source(%dma_start3A_319 : memref<200x64xf32, #tpu.memory_space<hbm>>) target(%arg8 : memref<200x64xf32, #tpu.memory_space<vmem>>) target_semaphore(%run_scoped3A_311 : memref<!tpu.dma_semaphore, #tpu.memory_space<semaphore_mem>>)
      %dma_wait3A_320 = arith.constant 0 : i32
      %dma_wait3A_321 = arith.constant 0 : i32
      %dma_wait3A_322 = tpu.memref_slice %arg3[%run_scoped3A, %dma_wait3A_320, %dma_wait3A_321] : memref<1x512x64xf32, #tpu.memory_space<hbm>> -> memref<1x200x64xf32, #tpu.memory_space<hbm>>
      %dma_wait3A_323 = tpu.memref_squeeze %dma_wait3A_322 : memref<1x200x64xf32, #tpu.memory_space<hbm>> -> memref<200x64xf32, #tpu.memory_space<hbm>>
      %dma_wait3A_324 = arith.constant 0 : i32
      %dma_wait3A_325 = arith.constant 0 : i32
      %dma_wait3A_326 = tpu.memref_slice %arg3[%run_scoped3A, %dma_wait3A_324, %dma_wait3A_325] : memref<1x512x64xf32, #tpu.memory_space<hbm>> -> memref<1x200x64xf32, #tpu.memory_space<hbm>>
      %dma_wait3A_327 = tpu.memref_squeeze %dma_wait3A_326 : memref<1x200x64xf32, #tpu.memory_space<hbm>> -> memref<200x64xf32, #tpu.memory_space<hbm>>
      tpu.wait_dma2 semaphore(%run_scoped3A_311 : memref<!tpu.dma_semaphore, #tpu.memory_space<semaphore_mem>>) src(%dma_wait3A_327 : memref<200x64xf32, #tpu.memory_space<hbm>>) dst(%arg8 : memref<200x64xf32, #tpu.memory_space<vmem>>)
      tpu.yield
    }) : () -> ()
    %mul3A_3 = arith.constant 4 : i32
    %mul3A_4 = arith.muli %mul3A_2, %mul3A_3 : i32
    %run_scoped3A_5 = arith.constant 0 : i32
    "tpu.region"() ({
      %run_scoped3A_311 = tpu.sem_alloc : memref<!tpu.dma_semaphore, #tpu.memory_space<semaphore_mem>>
      %dma_start3A_312 = arith.constant 0 : i32
      %dma_start3A_313 = arith.constant 0 : i32
      %dma_start3A_314 = tpu.memref_slice %arg6[%run_scoped3A_5, %dma_start3A_312, %dma_start3A_313] : memref<2x4x200xi32, #tpu.memory_space<vmem>> -> memref<1x4x200xi32, #tpu.memory_space<vmem>>
      %dma_start3A_315 = tpu.memref_squeeze %dma_start3A_314 : memref<1x4x200xi32, #tpu.memory_space<vmem>> -> memref<4x200xi32, #tpu.memory_space<vmem>>
      %dma_start3A_316 = arith.constant 0 : i32
      %dma_start3A_317 = tpu.memref_slice %arg2[%mul3A_4, %dma_start3A_316] : memref<4096x200xi32, #tpu.memory_space<hbm>> -> memref<4x200xi32, #tpu.memory_space<hbm>>
      %dma_start3A_318 = arith.constant 0 : i32
      %dma_start3A_319 = arith.constant 0 : i32
      %dma_start3A_320 = tpu.memref_slice %arg6[%run_scoped3A_5, %dma_start3A_318, %dma_start3A_319] : memref<2x4x200xi32, #tpu.memory_space<vmem>> -> memref<1x4x200xi32, #tpu.memory_space<vmem>>
      %dma_start3A_321 = tpu.memref_squeeze %dma_start3A_320 : memref<1x4x200xi32, #tpu.memory_space<vmem>> -> memref<4x200xi32, #tpu.memory_space<vmem>>
      %dma_start3A_322 = arith.constant 0 : i32
      %dma_start3A_323 = tpu.memref_slice %arg2[%mul3A_4, %dma_start3A_322] : memref<4096x200xi32, #tpu.memory_space<hbm>> -> memref<4x200xi32, #tpu.memory_space<hbm>>
      tpu.enqueue_dma source(%dma_start3A_323 : memref<4x200xi32, #tpu.memory_space<hbm>>) target(%dma_start3A_321 : memref<4x200xi32, #tpu.memory_space<vmem>>) target_semaphore(%run_scoped3A_311 : memref<!tpu.dma_semaphore, #tpu.memory_space<semaphore_mem>>)
      %dma_wait3A_324 = arith.constant 0 : i32
      %dma_wait3A_325 = arith.constant 0 : i32
      %dma_wait3A_326 = tpu.memref_slice %arg6[%run_scoped3A_5, %dma_wait3A_324, %dma_wait3A_325] : memref<2x4x200xi32, #tpu.memory_space<vmem>> -> memref<1x4x200xi32, #tpu.memory_space<vmem>>
      %dma_wait3A_327 = tpu.memref_squeeze %dma_wait3A_326 : memref<1x4x200xi32, #tpu.memory_space<vmem>> -> memref<4x200xi32, #tpu.memory_space<vmem>>
      %dma_wait3A_328 = arith.constant 0 : i32
      %dma_wait3A_329 = tpu.memref_slice %arg2[%mul3A_4, %dma_wait3A_328] : memref<4096x200xi32, #tpu.memory_space<hbm>> -> memref<4x200xi32, #tpu.memory_space<hbm>>
      %dma_wait3A_330 = arith.constant 0 : i32
      %dma_wait3A_331 = arith.constant 0 : i32
      %dma_wait3A_332 = tpu.memref_slice %arg6[%run_scoped3A_5, %dma_wait3A_330, %dma_wait3A_331] : memref<2x4x200xi32, #tpu.memory_space<vmem>> -> memref<1x4x200xi32, #tpu.memory_space<vmem>>
      %dma_wait3A_333 = tpu.memref_squeeze %dma_wait3A_332 : memref<1x4x200xi32, #tpu.memory_space<vmem>> -> memref<4x200xi32, #tpu.memory_space<vmem>>
      %dma_wait3A_334 = arith.constant 0 : i32
      %dma_wait3A_335 = tpu.memref_slice %arg2[%mul3A_4, %dma_wait3A_334] : memref<4096x200xi32, #tpu.memory_space<hbm>> -> memref<4x200xi32, #tpu.memory_space<hbm>>
      tpu.wait_dma2 semaphore(%run_scoped3A_311 : memref<!tpu.dma_semaphore, #tpu.memory_space<semaphore_mem>>) src(%dma_wait3A_335 : memref<4x200xi32, #tpu.memory_space<hbm>>) dst(%dma_wait3A_333 : memref<4x200xi32, #tpu.memory_space<vmem>>)
      tpu.yield
    }) : () -> ()
    %dma_start3A = arith.constant 0 : i32
    %dma_start3A_6 = arith.constant 0 : i32
    %dma_start3A_7 = arith.constant 0 : i32
    %dma_start3A_8 = arith.constant 0 : i32
    %dma_start3A_9 = arith.constant 0 : i32
    %dma_start3A_10 = arith.constant 0 : i32
    %dma_start3A_11 = tpu.memref_slice %arg7[%dma_start3A_7, %dma_start3A_8, %dma_start3A_9, %dma_start3A_10] : memref<2x4x200x64xf32, #tpu.memory_space<vmem>> -> memref<1x1x40x64xf32, #tpu.memory_space<vmem>>
    %dma_start3A_12 = tpu.memref_squeeze %dma_start3A_11 : memref<1x1x40x64xf32, #tpu.memory_space<vmem>> -> memref<40x64xf32, #tpu.memory_space<vmem>>
    %dma_start3A_13 = arith.constant 0 : i32
    %dma_start3A_14 = tpu.memref_slice %arg6[%dma_start3A, %dma_start3A_6, %dma_start3A_13] : memref<2x4x200xi32, #tpu.memory_space<vmem>> -> memref<1x1x40xi32, #tpu.memory_space<vmem>>
    %dma_start3A_15 = tpu.memref_squeeze %dma_start3A_14 : memref<1x1x40xi32, #tpu.memory_space<vmem>> -> memref<40xi32, #tpu.memory_space<vmem>>
    %dma_start3A_16 = arith.constant 0 : i32
    %dma_start3A_17 = arith.constant 0 : i32
    %dma_start3A_18 = tpu.memref_slice %arg4[%dma_start3A_16, %dma_start3A_17] : memref<1000000x64xf32, #tpu.memory_space<hbm>> -> memref<1000000x64xf32, #tpu.memory_space<hbm>>
    tpu.enqueue_indirect_dma source(%dma_start3A_18 : memref<1000000x64xf32, #tpu.memory_space<hbm>>) target(%dma_start3A_12 : memref<40x64xf32, #tpu.memory_space<vmem>>) offsets(%dma_start3A_15 : memref<40xi32, #tpu.memory_space<vmem>>) semaphore(%arg9 : memref<!tpu.dma_semaphore, #tpu.memory_space<semaphore_mem>>)
    %dma_start3A_19 = arith.constant 0 : i32
    %dma_start3A_20 = arith.constant 0 : i32
    %dma_start3A_21 = arith.constant 0 : i32
    %dma_start3A_22 = arith.constant 0 : i32
    %dma_start3A_23 = arith.constant 40 : i32
    %dma_start3A_24 = arith.constant 0 : i32
    %dma_start3A_25 = tpu.memref_slice %arg7[%dma_start3A_21, %dma_start3A_22, %dma_start3A_23, %dma_start3A_24] : memref<2x4x200x64xf32, #tpu.memory_space<vmem>> -> memref<1x1x40x64xf32, #tpu.memory_space<vmem>>
    %dma_start3A_26 = tpu.memref_squeeze %dma_start3A_25 : memref<1x1x40x64xf32, #tpu.memory_space<vmem>> -> memref<40x64xf32, #tpu.memory_space<vmem>>
    %dma_start3A_27 = arith.constant 40 : i32
    %dma_start3A_28 = tpu.memref_slice %arg6[%dma_start3A_19, %dma_start3A_20, %dma_start3A_27] : memref<2x4x200xi32, #tpu.memory_space<vmem>> -> memref<1x1x40xi32, #tpu.memory_space<vmem>>
    %dma_start3A_29 = tpu.memref_squeeze %dma_start3A_28 : memref<1x1x40xi32, #tpu.memory_space<vmem>> -> memref<40xi32, #tpu.memory_space<vmem>>
    %dma_start3A_30 = arith.constant 0 : i32
    %dma_start3A_31 = arith.constant 0 : i32
    %dma_start3A_32 = tpu.memref_slice %arg4[%dma_start3A_30, %dma_start3A_31] : memref<1000000x64xf32, #tpu.memory_space<hbm>> -> memref<1000000x64xf32, #tpu.memory_space<hbm>>
    tpu.enqueue_indirect_dma source(%dma_start3A_32 : memref<1000000x64xf32, #tpu.memory_space<hbm>>) target(%dma_start3A_26 : memref<40x64xf32, #tpu.memory_space<vmem>>) offsets(%dma_start3A_29 : memref<40xi32, #tpu.memory_space<vmem>>) semaphore(%arg9 : memref<!tpu.dma_semaphore, #tpu.memory_space<semaphore_mem>>)
    %dma_start3A_33 = arith.constant 0 : i32
    %dma_start3A_34 = arith.constant 0 : i32
    %dma_start3A_35 = arith.constant 0 : i32
    %dma_start3A_36 = arith.constant 0 : i32
    %dma_start3A_37 = arith.constant 80 : i32
    %dma_start3A_38 = arith.constant 0 : i32
    %dma_start3A_39 = tpu.memref_slice %arg7[%dma_start3A_35, %dma_start3A_36, %dma_start3A_37, %dma_start3A_38] : memref<2x4x200x64xf32, #tpu.memory_space<vmem>> -> memref<1x1x40x64xf32, #tpu.memory_space<vmem>>
    %dma_start3A_40 = tpu.memref_squeeze %dma_start3A_39 : memref<1x1x40x64xf32, #tpu.memory_space<vmem>> -> memref<40x64xf32, #tpu.memory_space<vmem>>
    %dma_start3A_41 = arith.constant 80 : i32
    %dma_start3A_42 = tpu.memref_slice %arg6[%dma_start3A_33, %dma_start3A_34, %dma_start3A_41] : memref<2x4x200xi32, #tpu.memory_space<vmem>> -> memref<1x1x40xi32, #tpu.memory_space<vmem>>
    %dma_start3A_43 = tpu.memref_squeeze %dma_start3A_42 : memref<1x1x40xi32, #tpu.memory_space<vmem>> -> memref<40xi32, #tpu.memory_space<vmem>>
    %dma_start3A_44 = arith.constant 0 : i32
    %dma_start3A_45 = arith.constant 0 : i32
    %dma_start3A_46 = tpu.memref_slice %arg4[%dma_start3A_44, %dma_start3A_45] : memref<1000000x64xf32, #tpu.memory_space<hbm>> -> memref<1000000x64xf32, #tpu.memory_space<hbm>>
    tpu.enqueue_indirect_dma source(%dma_start3A_46 : memref<1000000x64xf32, #tpu.memory_space<hbm>>) target(%dma_start3A_40 : memref<40x64xf32, #tpu.memory_space<vmem>>) offsets(%dma_start3A_43 : memref<40xi32, #tpu.memory_space<vmem>>) semaphore(%arg9 : memref<!tpu.dma_semaphore, #tpu.memory_space<semaphore_mem>>)
    %dma_start3A_47 = arith.constant 0 : i32
    %dma_start3A_48 = arith.constant 0 : i32
    %dma_start3A_49 = arith.constant 0 : i32
    %dma_start3A_50 = arith.constant 0 : i32
    %dma_start3A_51 = arith.constant 120 : i32
    %dma_start3A_52 = arith.constant 0 : i32
    %dma_start3A_53 = tpu.memref_slice %arg7[%dma_start3A_49, %dma_start3A_50, %dma_start3A_51, %dma_start3A_52] : memref<2x4x200x64xf32, #tpu.memory_space<vmem>> -> memref<1x1x40x64xf32, #tpu.memory_space<vmem>>
    %dma_start3A_54 = tpu.memref_squeeze %dma_start3A_53 : memref<1x1x40x64xf32, #tpu.memory_space<vmem>> -> memref<40x64xf32, #tpu.memory_space<vmem>>
    %dma_start3A_55 = arith.constant 120 : i32
    %dma_start3A_56 = tpu.memref_slice %arg6[%dma_start3A_47, %dma_start3A_48, %dma_start3A_55] : memref<2x4x200xi32, #tpu.memory_space<vmem>> -> memref<1x1x40xi32, #tpu.memory_space<vmem>>
    %dma_start3A_57 = tpu.memref_squeeze %dma_start3A_56 : memref<1x1x40xi32, #tpu.memory_space<vmem>> -> memref<40xi32, #tpu.memory_space<vmem>>
    %dma_start3A_58 = arith.constant 0 : i32
    %dma_start3A_59 = arith.constant 0 : i32
    %dma_start3A_60 = tpu.memref_slice %arg4[%dma_start3A_58, %dma_start3A_59] : memref<1000000x64xf32, #tpu.memory_space<hbm>> -> memref<1000000x64xf32, #tpu.memory_space<hbm>>
    tpu.enqueue_indirect_dma source(%dma_start3A_60 : memref<1000000x64xf32, #tpu.memory_space<hbm>>) target(%dma_start3A_54 : memref<40x64xf32, #tpu.memory_space<vmem>>) offsets(%dma_start3A_57 : memref<40xi32, #tpu.memory_space<vmem>>) semaphore(%arg9 : memref<!tpu.dma_semaphore, #tpu.memory_space<semaphore_mem>>)
    %dma_start3A_61 = arith.constant 0 : i32
    %dma_start3A_62 = arith.constant 0 : i32
    %dma_start3A_63 = arith.constant 0 : i32
    %dma_start3A_64 = arith.constant 0 : i32
    %dma_start3A_65 = arith.constant 160 : i32
    %dma_start3A_66 = arith.constant 0 : i32
    %dma_start3A_67 = tpu.memref_slice %arg7[%dma_start3A_63, %dma_start3A_64, %dma_start3A_65, %dma_start3A_66] : memref<2x4x200x64xf32, #tpu.memory_space<vmem>> -> memref<1x1x40x64xf32, #tpu.memory_space<vmem>>
    %dma_start3A_68 = tpu.memref_squeeze %dma_start3A_67 : memref<1x1x40x64xf32, #tpu.memory_space<vmem>> -> memref<40x64xf32, #tpu.memory_space<vmem>>
    %dma_start3A_69 = arith.constant 160 : i32
    %dma_start3A_70 = tpu.memref_slice %arg6[%dma_start3A_61, %dma_start3A_62, %dma_start3A_69] : memref<2x4x200xi32, #tpu.memory_space<vmem>> -> memref<1x1x40xi32, #tpu.memory_space<vmem>>
    %dma_start3A_71 = tpu.memref_squeeze %dma_start3A_70 : memref<1x1x40xi32, #tpu.memory_space<vmem>> -> memref<40xi32, #tpu.memory_space<vmem>>
    %dma_start3A_72 = arith.constant 0 : i32
    %dma_start3A_73 = arith.constant 0 : i32
    %dma_start3A_74 = tpu.memref_slice %arg4[%dma_start3A_72, %dma_start3A_73] : memref<1000000x64xf32, #tpu.memory_space<hbm>> -> memref<1000000x64xf32, #tpu.memory_space<hbm>>
    tpu.enqueue_indirect_dma source(%dma_start3A_74 : memref<1000000x64xf32, #tpu.memory_space<hbm>>) target(%dma_start3A_68 : memref<40x64xf32, #tpu.memory_space<vmem>>) offsets(%dma_start3A_71 : memref<40xi32, #tpu.memory_space<vmem>>) semaphore(%arg9 : memref<!tpu.dma_semaphore, #tpu.memory_space<semaphore_mem>>)
    %dma_start3A_75 = arith.constant 0 : i32
    %dma_start3A_76 = arith.constant 1 : i32
    %dma_start3A_77 = arith.constant 0 : i32
    %dma_start3A_78 = arith.constant 1 : i32
    %dma_start3A_79 = arith.constant 0 : i32
    %dma_start3A_80 = arith.constant 0 : i32
    %dma_start3A_81 = tpu.memref_slice %arg7[%dma_start3A_77, %dma_start3A_78, %dma_start3A_79, %dma_start3A_80] : memref<2x4x200x64xf32, #tpu.memory_space<vmem>> -> memref<1x1x40x64xf32, #tpu.memory_space<vmem>>
    %dma_start3A_82 = tpu.memref_squeeze %dma_start3A_81 : memref<1x1x40x64xf32, #tpu.memory_space<vmem>> -> memref<40x64xf32, #tpu.memory_space<vmem>>
    %dma_start3A_83 = arith.constant 0 : i32
    %dma_start3A_84 = tpu.memref_slice %arg6[%dma_start3A_75, %dma_start3A_76, %dma_start3A_83] : memref<2x4x200xi32, #tpu.memory_space<vmem>> -> memref<1x1x40xi32, #tpu.memory_space<vmem>>
    %dma_start3A_85 = tpu.memref_squeeze %dma_start3A_84 : memref<1x1x40xi32, #tpu.memory_space<vmem>> -> memref<40xi32, #tpu.memory_space<vmem>>
    %dma_start3A_86 = arith.constant 0 : i32
    %dma_start3A_87 = arith.constant 0 : i32
    %dma_start3A_88 = tpu.memref_slice %arg4[%dma_start3A_86, %dma_start3A_87] : memref<1000000x64xf32, #tpu.memory_space<hbm>> -> memref<1000000x64xf32, #tpu.memory_space<hbm>>
    tpu.enqueue_indirect_dma source(%dma_start3A_88 : memref<1000000x64xf32, #tpu.memory_space<hbm>>) target(%dma_start3A_82 : memref<40x64xf32, #tpu.memory_space<vmem>>) offsets(%dma_start3A_85 : memref<40xi32, #tpu.memory_space<vmem>>) semaphore(%arg9 : memref<!tpu.dma_semaphore, #tpu.memory_space<semaphore_mem>>)
    %dma_start3A_89 = arith.constant 0 : i32
    %dma_start3A_90 = arith.constant 1 : i32
    %dma_start3A_91 = arith.constant 0 : i32
    %dma_start3A_92 = arith.constant 1 : i32
    %dma_start3A_93 = arith.constant 40 : i32
    %dma_start3A_94 = arith.constant 0 : i32
    %dma_start3A_95 = tpu.memref_slice %arg7[%dma_start3A_91, %dma_start3A_92, %dma_start3A_93, %dma_start3A_94] : memref<2x4x200x64xf32, #tpu.memory_space<vmem>> -> memref<1x1x40x64xf32, #tpu.memory_space<vmem>>
    %dma_start3A_96 = tpu.memref_squeeze %dma_start3A_95 : memref<1x1x40x64xf32, #tpu.memory_space<vmem>> -> memref<40x64xf32, #tpu.memory_space<vmem>>
    %dma_start3A_97 = arith.constant 40 : i32
    %dma_start3A_98 = tpu.memref_slice %arg6[%dma_start3A_89, %dma_start3A_90, %dma_start3A_97] : memref<2x4x200xi32, #tpu.memory_space<vmem>> -> memref<1x1x40xi32, #tpu.memory_space<vmem>>
    %dma_start3A_99 = tpu.memref_squeeze %dma_start3A_98 : memref<1x1x40xi32, #tpu.memory_space<vmem>> -> memref<40xi32, #tpu.memory_space<vmem>>
    %dma_start3A_100 = arith.constant 0 : i32
    %dma_start3A_101 = arith.constant 0 : i32
    %dma_start3A_102 = tpu.memref_slice %arg4[%dma_start3A_100, %dma_start3A_101] : memref<1000000x64xf32, #tpu.memory_space<hbm>> -> memref<1000000x64xf32, #tpu.memory_space<hbm>>
    tpu.enqueue_indirect_dma source(%dma_start3A_102 : memref<1000000x64xf32, #tpu.memory_space<hbm>>) target(%dma_start3A_96 : memref<40x64xf32, #tpu.memory_space<vmem>>) offsets(%dma_start3A_99 : memref<40xi32, #tpu.memory_space<vmem>>) semaphore(%arg9 : memref<!tpu.dma_semaphore, #tpu.memory_space<semaphore_mem>>)
    %dma_start3A_103 = arith.constant 0 : i32
    %dma_start3A_104 = arith.constant 1 : i32
    %dma_start3A_105 = arith.constant 0 : i32
    %dma_start3A_106 = arith.constant 1 : i32
    %dma_start3A_107 = arith.constant 80 : i32
    %dma_start3A_108 = arith.constant 0 : i32
    %dma_start3A_109 = tpu.memref_slice %arg7[%dma_start3A_105, %dma_start3A_106, %dma_start3A_107, %dma_start3A_108] : memref<2x4x200x64xf32, #tpu.memory_space<vmem>> -> memref<1x1x40x64xf32, #tpu.memory_space<vmem>>
    %dma_start3A_110 = tpu.memref_squeeze %dma_start3A_109 : memref<1x1x40x64xf32, #tpu.memory_space<vmem>> -> memref<40x64xf32, #tpu.memory_space<vmem>>
    %dma_start3A_111 = arith.constant 80 : i32
    %dma_start3A_112 = tpu.memref_slice %arg6[%dma_start3A_103, %dma_start3A_104, %dma_start3A_111] : memref<2x4x200xi32, #tpu.memory_space<vmem>> -> memref<1x1x40xi32, #tpu.memory_space<vmem>>
    %dma_start3A_113 = tpu.memref_squeeze %dma_start3A_112 : memref<1x1x40xi32, #tpu.memory_space<vmem>> -> memref<40xi32, #tpu.memory_space<vmem>>
    %dma_start3A_114 = arith.constant 0 : i32
    %dma_start3A_115 = arith.constant 0 : i32
    %dma_start3A_116 = tpu.memref_slice %arg4[%dma_start3A_114, %dma_start3A_115] : memref<1000000x64xf32, #tpu.memory_space<hbm>> -> memref<1000000x64xf32, #tpu.memory_space<hbm>>
    tpu.enqueue_indirect_dma source(%dma_start3A_116 : memref<1000000x64xf32, #tpu.memory_space<hbm>>) target(%dma_start3A_110 : memref<40x64xf32, #tpu.memory_space<vmem>>) offsets(%dma_start3A_113 : memref<40xi32, #tpu.memory_space<vmem>>) semaphore(%arg9 : memref<!tpu.dma_semaphore, #tpu.memory_space<semaphore_mem>>)
    %dma_start3A_117 = arith.constant 0 : i32
    %dma_start3A_118 = arith.constant 1 : i32
    %dma_start3A_119 = arith.constant 0 : i32
    %dma_start3A_120 = arith.constant 1 : i32
    %dma_start3A_121 = arith.constant 120 : i32
    %dma_start3A_122 = arith.constant 0 : i32
    %dma_start3A_123 = tpu.memref_slice %arg7[%dma_start3A_119, %dma_start3A_120, %dma_start3A_121, %dma_start3A_122] : memref<2x4x200x64xf32, #tpu.memory_space<vmem>> -> memref<1x1x40x64xf32, #tpu.memory_space<vmem>>
    %dma_start3A_124 = tpu.memref_squeeze %dma_start3A_123 : memref<1x1x40x64xf32, #tpu.memory_space<vmem>> -> memref<40x64xf32, #tpu.memory_space<vmem>>
    %dma_start3A_125 = arith.constant 120 : i32
    %dma_start3A_126 = tpu.memref_slice %arg6[%dma_start3A_117, %dma_start3A_118, %dma_start3A_125] : memref<2x4x200xi32, #tpu.memory_space<vmem>> -> memref<1x1x40xi32, #tpu.memory_space<vmem>>
    %dma_start3A_127 = tpu.memref_squeeze %dma_start3A_126 : memref<1x1x40xi32, #tpu.memory_space<vmem>> -> memref<40xi32, #tpu.memory_space<vmem>>
    %dma_start3A_128 = arith.constant 0 : i32
    %dma_start3A_129 = arith.constant 0 : i32
    %dma_start3A_130 = tpu.memref_slice %arg4[%dma_start3A_128, %dma_start3A_129] : memref<1000000x64xf32, #tpu.memory_space<hbm>> -> memref<1000000x64xf32, #tpu.memory_space<hbm>>
    tpu.enqueue_indirect_dma source(%dma_start3A_130 : memref<1000000x64xf32, #tpu.memory_space<hbm>>) target(%dma_start3A_124 : memref<40x64xf32, #tpu.memory_space<vmem>>) offsets(%dma_start3A_127 : memref<40xi32, #tpu.memory_space<vmem>>) semaphore(%arg9 : memref<!tpu.dma_semaphore, #tpu.memory_space<semaphore_mem>>)
    %dma_start3A_131 = arith.constant 0 : i32
    %dma_start3A_132 = arith.constant 1 : i32
    %dma_start3A_133 = arith.constant 0 : i32
    %dma_start3A_134 = arith.constant 1 : i32
    %dma_start3A_135 = arith.constant 160 : i32
    %dma_start3A_136 = arith.constant 0 : i32
    %dma_start3A_137 = tpu.memref_slice %arg7[%dma_start3A_133, %dma_start3A_134, %dma_start3A_135, %dma_start3A_136] : memref<2x4x200x64xf32, #tpu.memory_space<vmem>> -> memref<1x1x40x64xf32, #tpu.memory_space<vmem>>
    %dma_start3A_138 = tpu.memref_squeeze %dma_start3A_137 : memref<1x1x40x64xf32, #tpu.memory_space<vmem>> -> memref<40x64xf32, #tpu.memory_space<vmem>>
    %dma_start3A_139 = arith.constant 160 : i32
    %dma_start3A_140 = tpu.memref_slice %arg6[%dma_start3A_131, %dma_start3A_132, %dma_start3A_139] : memref<2x4x200xi32, #tpu.memory_space<vmem>> -> memref<1x1x40xi32, #tpu.memory_space<vmem>>
    %dma_start3A_141 = tpu.memref_squeeze %dma_start3A_140 : memref<1x1x40xi32, #tpu.memory_space<vmem>> -> memref<40xi32, #tpu.memory_space<vmem>>
    %dma_start3A_142 = arith.constant 0 : i32
    %dma_start3A_143 = arith.constant 0 : i32
    %dma_start3A_144 = tpu.memref_slice %arg4[%dma_start3A_142, %dma_start3A_143] : memref<1000000x64xf32, #tpu.memory_space<hbm>> -> memref<1000000x64xf32, #tpu.memory_space<hbm>>
    tpu.enqueue_indirect_dma source(%dma_start3A_144 : memref<1000000x64xf32, #tpu.memory_space<hbm>>) target(%dma_start3A_138 : memref<40x64xf32, #tpu.memory_space<vmem>>) offsets(%dma_start3A_141 : memref<40xi32, #tpu.memory_space<vmem>>) semaphore(%arg9 : memref<!tpu.dma_semaphore, #tpu.memory_space<semaphore_mem>>)
    %dma_start3A_145 = arith.constant 0 : i32
    %dma_start3A_146 = arith.constant 2 : i32
    %dma_start3A_147 = arith.constant 0 : i32
    %dma_start3A_148 = arith.constant 2 : i32
    %dma_start3A_149 = arith.constant 0 : i32
    %dma_start3A_150 = arith.constant 0 : i32
    %dma_start3A_151 = tpu.memref_slice %arg7[%dma_start3A_147, %dma_start3A_148, %dma_start3A_149, %dma_start3A_150] : memref<2x4x200x64xf32, #tpu.memory_space<vmem>> -> memref<1x1x40x64xf32, #tpu.memory_space<vmem>>
    %dma_start3A_152 = tpu.memref_squeeze %dma_start3A_151 : memref<1x1x40x64xf32, #tpu.memory_space<vmem>> -> memref<40x64xf32, #tpu.memory_space<vmem>>
    %dma_start3A_153 = arith.constant 0 : i32
    %dma_start3A_154 = tpu.memref_slice %arg6[%dma_start3A_145, %dma_start3A_146, %dma_start3A_153] : memref<2x4x200xi32, #tpu.memory_space<vmem>> -> memref<1x1x40xi32, #tpu.memory_space<vmem>>
    %dma_start3A_155 = tpu.memref_squeeze %dma_start3A_154 : memref<1x1x40xi32, #tpu.memory_space<vmem>> -> memref<40xi32, #tpu.memory_space<vmem>>
    %dma_start3A_156 = arith.constant 0 : i32
    %dma_start3A_157 = arith.constant 0 : i32
    %dma_start3A_158 = tpu.memref_slice %arg4[%dma_start3A_156, %dma_start3A_157] : memref<1000000x64xf32, #tpu.memory_space<hbm>> -> memref<1000000x64xf32, #tpu.memory_space<hbm>>
    tpu.enqueue_indirect_dma source(%dma_start3A_158 : memref<1000000x64xf32, #tpu.memory_space<hbm>>) target(%dma_start3A_152 : memref<40x64xf32, #tpu.memory_space<vmem>>) offsets(%dma_start3A_155 : memref<40xi32, #tpu.memory_space<vmem>>) semaphore(%arg9 : memref<!tpu.dma_semaphore, #tpu.memory_space<semaphore_mem>>)
    %dma_start3A_159 = arith.constant 0 : i32
    %dma_start3A_160 = arith.constant 2 : i32
    %dma_start3A_161 = arith.constant 0 : i32
    %dma_start3A_162 = arith.constant 2 : i32
    %dma_start3A_163 = arith.constant 40 : i32
    %dma_start3A_164 = arith.constant 0 : i32
    %dma_start3A_165 = tpu.memref_slice %arg7[%dma_start3A_161, %dma_start3A_162, %dma_start3A_163, %dma_start3A_164] : memref<2x4x200x64xf32, #tpu.memory_space<vmem>> -> memref<1x1x40x64xf32, #tpu.memory_space<vmem>>
    %dma_start3A_166 = tpu.memref_squeeze %dma_start3A_165 : memref<1x1x40x64xf32, #tpu.memory_space<vmem>> -> memref<40x64xf32, #tpu.memory_space<vmem>>
    %dma_start3A_167 = arith.constant 40 : i32
    %dma_start3A_168 = tpu.memref_slice %arg6[%dma_start3A_159, %dma_start3A_160, %dma_start3A_167] : memref<2x4x200xi32, #tpu.memory_space<vmem>> -> memref<1x1x40xi32, #tpu.memory_space<vmem>>
    %dma_start3A_169 = tpu.memref_squeeze %dma_start3A_168 : memref<1x1x40xi32, #tpu.memory_space<vmem>> -> memref<40xi32, #tpu.memory_space<vmem>>
    %dma_start3A_170 = arith.constant 0 : i32
    %dma_start3A_171 = arith.constant 0 : i32
    %dma_start3A_172 = tpu.memref_slice %arg4[%dma_start3A_170, %dma_start3A_171] : memref<1000000x64xf32, #tpu.memory_space<hbm>> -> memref<1000000x64xf32, #tpu.memory_space<hbm>>
    tpu.enqueue_indirect_dma source(%dma_start3A_172 : memref<1000000x64xf32, #tpu.memory_space<hbm>>) target(%dma_start3A_166 : memref<40x64xf32, #tpu.memory_space<vmem>>) offsets(%dma_start3A_169 : memref<40xi32, #tpu.memory_space<vmem>>) semaphore(%arg9 : memref<!tpu.dma_semaphore, #tpu.memory_space<semaphore_mem>>)
    %dma_start3A_173 = arith.constant 0 : i32
    %dma_start3A_174 = arith.constant 2 : i32
    %dma_start3A_175 = arith.constant 0 : i32
    %dma_start3A_176 = arith.constant 2 : i32
    %dma_start3A_177 = arith.constant 80 : i32
    %dma_start3A_178 = arith.constant 0 : i32
    %dma_start3A_179 = tpu.memref_slice %arg7[%dma_start3A_175, %dma_start3A_176, %dma_start3A_177, %dma_start3A_178] : memref<2x4x200x64xf32, #tpu.memory_space<vmem>> -> memref<1x1x40x64xf32, #tpu.memory_space<vmem>>
    %dma_start3A_180 = tpu.memref_squeeze %dma_start3A_179 : memref<1x1x40x64xf32, #tpu.memory_space<vmem>> -> memref<40x64xf32, #tpu.memory_space<vmem>>
    %dma_start3A_181 = arith.constant 80 : i32
    %dma_start3A_182 = tpu.memref_slice %arg6[%dma_start3A_173, %dma_start3A_174, %dma_start3A_181] : memref<2x4x200xi32, #tpu.memory_space<vmem>> -> memref<1x1x40xi32, #tpu.memory_space<vmem>>
    %dma_start3A_183 = tpu.memref_squeeze %dma_start3A_182 : memref<1x1x40xi32, #tpu.memory_space<vmem>> -> memref<40xi32, #tpu.memory_space<vmem>>
    %dma_start3A_184 = arith.constant 0 : i32
    %dma_start3A_185 = arith.constant 0 : i32
    %dma_start3A_186 = tpu.memref_slice %arg4[%dma_start3A_184, %dma_start3A_185] : memref<1000000x64xf32, #tpu.memory_space<hbm>> -> memref<1000000x64xf32, #tpu.memory_space<hbm>>
    tpu.enqueue_indirect_dma source(%dma_start3A_186 : memref<1000000x64xf32, #tpu.memory_space<hbm>>) target(%dma_start3A_180 : memref<40x64xf32, #tpu.memory_space<vmem>>) offsets(%dma_start3A_183 : memref<40xi32, #tpu.memory_space<vmem>>) semaphore(%arg9 : memref<!tpu.dma_semaphore, #tpu.memory_space<semaphore_mem>>)
    %dma_start3A_187 = arith.constant 0 : i32
    %dma_start3A_188 = arith.constant 2 : i32
    %dma_start3A_189 = arith.constant 0 : i32
    %dma_start3A_190 = arith.constant 2 : i32
    %dma_start3A_191 = arith.constant 120 : i32
    %dma_start3A_192 = arith.constant 0 : i32
    %dma_start3A_193 = tpu.memref_slice %arg7[%dma_start3A_189, %dma_start3A_190, %dma_start3A_191, %dma_start3A_192] : memref<2x4x200x64xf32, #tpu.memory_space<vmem>> -> memref<1x1x40x64xf32, #tpu.memory_space<vmem>>
    %dma_start3A_194 = tpu.memref_squeeze %dma_start3A_193 : memref<1x1x40x64xf32, #tpu.memory_space<vmem>> -> memref<40x64xf32, #tpu.memory_space<vmem>>
    %dma_start3A_195 = arith.constant 120 : i32
    %dma_start3A_196 = tpu.memref_slice %arg6[%dma_start3A_187, %dma_start3A_188, %dma_start3A_195] : memref<2x4x200xi32, #tpu.memory_space<vmem>> -> memref<1x1x40xi32, #tpu.memory_space<vmem>>
    %dma_start3A_197 = tpu.memref_squeeze %dma_start3A_196 : memref<1x1x40xi32, #tpu.memory_space<vmem>> -> memref<40xi32, #tpu.memory_space<vmem>>
    %dma_start3A_198 = arith.constant 0 : i32
    %dma_start3A_199 = arith.constant 0 : i32
    %dma_start3A_200 = tpu.memref_slice %arg4[%dma_start3A_198, %dma_start3A_199] : memref<1000000x64xf32, #tpu.memory_space<hbm>> -> memref<1000000x64xf32, #tpu.memory_space<hbm>>
    tpu.enqueue_indirect_dma source(%dma_start3A_200 : memref<1000000x64xf32, #tpu.memory_space<hbm>>) target(%dma_start3A_194 : memref<40x64xf32, #tpu.memory_space<vmem>>) offsets(%dma_start3A_197 : memref<40xi32, #tpu.memory_space<vmem>>) semaphore(%arg9 : memref<!tpu.dma_semaphore, #tpu.memory_space<semaphore_mem>>)
    %dma_start3A_201 = arith.constant 0 : i32
    %dma_start3A_202 = arith.constant 2 : i32
    %dma_start3A_203 = arith.constant 0 : i32
    %dma_start3A_204 = arith.constant 2 : i32
    %dma_start3A_205 = arith.constant 160 : i32
    %dma_start3A_206 = arith.constant 0 : i32
    %dma_start3A_207 = tpu.memref_slice %arg7[%dma_start3A_203, %dma_start3A_204, %dma_start3A_205, %dma_start3A_206] : memref<2x4x200x64xf32, #tpu.memory_space<vmem>> -> memref<1x1x40x64xf32, #tpu.memory_space<vmem>>
    %dma_start3A_208 = tpu.memref_squeeze %dma_start3A_207 : memref<1x1x40x64xf32, #tpu.memory_space<vmem>> -> memref<40x64xf32, #tpu.memory_space<vmem>>
    %dma_start3A_209 = arith.constant 160 : i32
    %dma_start3A_210 = tpu.memref_slice %arg6[%dma_start3A_201, %dma_start3A_202, %dma_start3A_209] : memref<2x4x200xi32, #tpu.memory_space<vmem>> -> memref<1x1x40xi32, #tpu.memory_space<vmem>>
    %dma_start3A_211 = tpu.memref_squeeze %dma_start3A_210 : memref<1x1x40xi32, #tpu.memory_space<vmem>> -> memref<40xi32, #tpu.memory_space<vmem>>
    %dma_start3A_212 = arith.constant 0 : i32
    %dma_start3A_213 = arith.constant 0 : i32
    %dma_start3A_214 = tpu.memref_slice %arg4[%dma_start3A_212, %dma_start3A_213] : memref<1000000x64xf32, #tpu.memory_space<hbm>> -> memref<1000000x64xf32, #tpu.memory_space<hbm>>
    tpu.enqueue_indirect_dma source(%dma_start3A_214 : memref<1000000x64xf32, #tpu.memory_space<hbm>>) target(%dma_start3A_208 : memref<40x64xf32, #tpu.memory_space<vmem>>) offsets(%dma_start3A_211 : memref<40xi32, #tpu.memory_space<vmem>>) semaphore(%arg9 : memref<!tpu.dma_semaphore, #tpu.memory_space<semaphore_mem>>)
    %dma_start3A_215 = arith.constant 0 : i32
    %dma_start3A_216 = arith.constant 3 : i32
    %dma_start3A_217 = arith.constant 0 : i32
    %dma_start3A_218 = arith.constant 3 : i32
    %dma_start3A_219 = arith.constant 0 : i32
    %dma_start3A_220 = arith.constant 0 : i32
    %dma_start3A_221 = tpu.memref_slice %arg7[%dma_start3A_217, %dma_start3A_218, %dma_start3A_219, %dma_start3A_220] : memref<2x4x200x64xf32, #tpu.memory_space<vmem>> -> memref<1x1x40x64xf32, #tpu.memory_space<vmem>>
    %dma_start3A_222 = tpu.memref_squeeze %dma_start3A_221 : memref<1x1x40x64xf32, #tpu.memory_space<vmem>> -> memref<40x64xf32, #tpu.memory_space<vmem>>
    %dma_start3A_223 = arith.constant 0 : i32
    %dma_start3A_224 = tpu.memref_slice %arg6[%dma_start3A_215, %dma_start3A_216, %dma_start3A_223] : memref<2x4x200xi32, #tpu.memory_space<vmem>> -> memref<1x1x40xi32, #tpu.memory_space<vmem>>
    %dma_start3A_225 = tpu.memref_squeeze %dma_start3A_224 : memref<1x1x40xi32, #tpu.memory_space<vmem>> -> memref<40xi32, #tpu.memory_space<vmem>>
    %dma_start3A_226 = arith.constant 0 : i32
    %dma_start3A_227 = arith.constant 0 : i32
    %dma_start3A_228 = tpu.memref_slice %arg4[%dma_start3A_226, %dma_start3A_227] : memref<1000000x64xf32, #tpu.memory_space<hbm>> -> memref<1000000x64xf32, #tpu.memory_space<hbm>>
    tpu.enqueue_indirect_dma source(%dma_start3A_228 : memref<1000000x64xf32, #tpu.memory_space<hbm>>) target(%dma_start3A_222 : memref<40x64xf32, #tpu.memory_space<vmem>>) offsets(%dma_start3A_225 : memref<40xi32, #tpu.memory_space<vmem>>) semaphore(%arg9 : memref<!tpu.dma_semaphore, #tpu.memory_space<semaphore_mem>>)
    %dma_start3A_229 = arith.constant 0 : i32
    %dma_start3A_230 = arith.constant 3 : i32
    %dma_start3A_231 = arith.constant 0 : i32
    %dma_start3A_232 = arith.constant 3 : i32
    %dma_start3A_233 = arith.constant 40 : i32
    %dma_start3A_234 = arith.constant 0 : i32
    %dma_start3A_235 = tpu.memref_slice %arg7[%dma_start3A_231, %dma_start3A_232, %dma_start3A_233, %dma_start3A_234] : memref<2x4x200x64xf32, #tpu.memory_space<vmem>> -> memref<1x1x40x64xf32, #tpu.memory_space<vmem>>
    %dma_start3A_236 = tpu.memref_squeeze %dma_start3A_235 : memref<1x1x40x64xf32, #tpu.memory_space<vmem>> -> memref<40x64xf32, #tpu.memory_space<vmem>>
    %dma_start3A_237 = arith.constant 40 : i32
    %dma_start3A_238 = tpu.memref_slice %arg6[%dma_start3A_229, %dma_start3A_230, %dma_start3A_237] : memref<2x4x200xi32, #tpu.memory_space<vmem>> -> memref<1x1x40xi32, #tpu.memory_space<vmem>>
    %dma_start3A_239 = tpu.memref_squeeze %dma_start3A_238 : memref<1x1x40xi32, #tpu.memory_space<vmem>> -> memref<40xi32, #tpu.memory_space<vmem>>
    %dma_start3A_240 = arith.constant 0 : i32
    %dma_start3A_241 = arith.constant 0 : i32
    %dma_start3A_242 = tpu.memref_slice %arg4[%dma_start3A_240, %dma_start3A_241] : memref<1000000x64xf32, #tpu.memory_space<hbm>> -> memref<1000000x64xf32, #tpu.memory_space<hbm>>
    tpu.enqueue_indirect_dma source(%dma_start3A_242 : memref<1000000x64xf32, #tpu.memory_space<hbm>>) target(%dma_start3A_236 : memref<40x64xf32, #tpu.memory_space<vmem>>) offsets(%dma_start3A_239 : memref<40xi32, #tpu.memory_space<vmem>>) semaphore(%arg9 : memref<!tpu.dma_semaphore, #tpu.memory_space<semaphore_mem>>)
    %dma_start3A_243 = arith.constant 0 : i32
    %dma_start3A_244 = arith.constant 3 : i32
    %dma_start3A_245 = arith.constant 0 : i32
    %dma_start3A_246 = arith.constant 3 : i32
    %dma_start3A_247 = arith.constant 80 : i32
    %dma_start3A_248 = arith.constant 0 : i32
    %dma_start3A_249 = tpu.memref_slice %arg7[%dma_start3A_245, %dma_start3A_246, %dma_start3A_247, %dma_start3A_248] : memref<2x4x200x64xf32, #tpu.memory_space<vmem>> -> memref<1x1x40x64xf32, #tpu.memory_space<vmem>>
    %dma_start3A_250 = tpu.memref_squeeze %dma_start3A_249 : memref<1x1x40x64xf32, #tpu.memory_space<vmem>> -> memref<40x64xf32, #tpu.memory_space<vmem>>
    %dma_start3A_251 = arith.constant 80 : i32
    %dma_start3A_252 = tpu.memref_slice %arg6[%dma_start3A_243, %dma_start3A_244, %dma_start3A_251] : memref<2x4x200xi32, #tpu.memory_space<vmem>> -> memref<1x1x40xi32, #tpu.memory_space<vmem>>
    %dma_start3A_253 = tpu.memref_squeeze %dma_start3A_252 : memref<1x1x40xi32, #tpu.memory_space<vmem>> -> memref<40xi32, #tpu.memory_space<vmem>>
    %dma_start3A_254 = arith.constant 0 : i32
    %dma_start3A_255 = arith.constant 0 : i32
    %dma_start3A_256 = tpu.memref_slice %arg4[%dma_start3A_254, %dma_start3A_255] : memref<1000000x64xf32, #tpu.memory_space<hbm>> -> memref<1000000x64xf32, #tpu.memory_space<hbm>>
    tpu.enqueue_indirect_dma source(%dma_start3A_256 : memref<1000000x64xf32, #tpu.memory_space<hbm>>) target(%dma_start3A_250 : memref<40x64xf32, #tpu.memory_space<vmem>>) offsets(%dma_start3A_253 : memref<40xi32, #tpu.memory_space<vmem>>) semaphore(%arg9 : memref<!tpu.dma_semaphore, #tpu.memory_space<semaphore_mem>>)
    %dma_start3A_257 = arith.constant 0 : i32
    %dma_start3A_258 = arith.constant 3 : i32
    %dma_start3A_259 = arith.constant 0 : i32
    %dma_start3A_260 = arith.constant 3 : i32
    %dma_start3A_261 = arith.constant 120 : i32
    %dma_start3A_262 = arith.constant 0 : i32
    %dma_start3A_263 = tpu.memref_slice %arg7[%dma_start3A_259, %dma_start3A_260, %dma_start3A_261, %dma_start3A_262] : memref<2x4x200x64xf32, #tpu.memory_space<vmem>> -> memref<1x1x40x64xf32, #tpu.memory_space<vmem>>
    %dma_start3A_264 = tpu.memref_squeeze %dma_start3A_263 : memref<1x1x40x64xf32, #tpu.memory_space<vmem>> -> memref<40x64xf32, #tpu.memory_space<vmem>>
    %dma_start3A_265 = arith.constant 120 : i32
    %dma_start3A_266 = tpu.memref_slice %arg6[%dma_start3A_257, %dma_start3A_258, %dma_start3A_265] : memref<2x4x200xi32, #tpu.memory_space<vmem>> -> memref<1x1x40xi32, #tpu.memory_space<vmem>>
    %dma_start3A_267 = tpu.memref_squeeze %dma_start3A_266 : memref<1x1x40xi32, #tpu.memory_space<vmem>> -> memref<40xi32, #tpu.memory_space<vmem>>
    %dma_start3A_268 = arith.constant 0 : i32
    %dma_start3A_269 = arith.constant 0 : i32
    %dma_start3A_270 = tpu.memref_slice %arg4[%dma_start3A_268, %dma_start3A_269] : memref<1000000x64xf32, #tpu.memory_space<hbm>> -> memref<1000000x64xf32, #tpu.memory_space<hbm>>
    tpu.enqueue_indirect_dma source(%dma_start3A_270 : memref<1000000x64xf32, #tpu.memory_space<hbm>>) target(%dma_start3A_264 : memref<40x64xf32, #tpu.memory_space<vmem>>) offsets(%dma_start3A_267 : memref<40xi32, #tpu.memory_space<vmem>>) semaphore(%arg9 : memref<!tpu.dma_semaphore, #tpu.memory_space<semaphore_mem>>)
    %dma_start3A_271 = arith.constant 0 : i32
    %dma_start3A_272 = arith.constant 3 : i32
    %dma_start3A_273 = arith.constant 0 : i32
    %dma_start3A_274 = arith.constant 3 : i32
    %dma_start3A_275 = arith.constant 160 : i32
    %dma_start3A_276 = arith.constant 0 : i32
    %dma_start3A_277 = tpu.memref_slice %arg7[%dma_start3A_273, %dma_start3A_274, %dma_start3A_275, %dma_start3A_276] : memref<2x4x200x64xf32, #tpu.memory_space<vmem>> -> memref<1x1x40x64xf32, #tpu.memory_space<vmem>>
    %dma_start3A_278 = tpu.memref_squeeze %dma_start3A_277 : memref<1x1x40x64xf32, #tpu.memory_space<vmem>> -> memref<40x64xf32, #tpu.memory_space<vmem>>
    %dma_start3A_279 = arith.constant 160 : i32
    %dma_start3A_280 = tpu.memref_slice %arg6[%dma_start3A_271, %dma_start3A_272, %dma_start3A_279] : memref<2x4x200xi32, #tpu.memory_space<vmem>> -> memref<1x1x40xi32, #tpu.memory_space<vmem>>
    %dma_start3A_281 = tpu.memref_squeeze %dma_start3A_280 : memref<1x1x40xi32, #tpu.memory_space<vmem>> -> memref<40xi32, #tpu.memory_space<vmem>>
    %dma_start3A_282 = arith.constant 0 : i32
    %dma_start3A_283 = arith.constant 0 : i32
    %dma_start3A_284 = tpu.memref_slice %arg4[%dma_start3A_282, %dma_start3A_283] : memref<1000000x64xf32, #tpu.memory_space<hbm>> -> memref<1000000x64xf32, #tpu.memory_space<hbm>>
    tpu.enqueue_indirect_dma source(%dma_start3A_284 : memref<1000000x64xf32, #tpu.memory_space<hbm>>) target(%dma_start3A_278 : memref<40x64xf32, #tpu.memory_space<vmem>>) offsets(%dma_start3A_281 : memref<40xi32, #tpu.memory_space<vmem>>) semaphore(%arg9 : memref<!tpu.dma_semaphore, #tpu.memory_space<semaphore_mem>>)
    %scan3A = arith.constant 0 : i32
    %scan3A_285 = arith.constant 0 : i32
    %scan3A_286 = arith.constant 16 : i32
    %scan3A_287 = arith.addi %scan3A_285, %scan3A_286 : i32
    %scan3A_288 = arith.constant 1 : i32
    scf.for %scan3A_311 = %scan3A_285 to %scan3A_287 step %scan3A_288  : i32 {
      %mul3A_312 = arith.constant 2 : i32
      %mul3A_313 = arith.muli %mul3A_312, %scan3A_311 : i32
      %add3A_314 = arith.constant 0 : i32
      %add3A_315 = arith.addi %mul3A_313, %add3A_314 : i32
      %add3A_316 = arith.addi %mul3A_2, %add3A_315 : i32
      %dma_wait3A_317 = arith.constant 0 : i32
      %dma_wait3A_318 = arith.constant 0 : i32
      %dma_wait3A_319 = arith.constant 0 : i32
      %dma_wait3A_320 = arith.constant 0 : i32
      %dma_wait3A_321 = arith.constant 0 : i32
      %dma_wait3A_322 = arith.constant 0 : i32
      %dma_wait3A_323 = tpu.memref_slice %arg7[%dma_wait3A_319, %dma_wait3A_320, %dma_wait3A_321, %dma_wait3A_322] : memref<2x4x200x64xf32, #tpu.memory_space<vmem>> -> memref<1x1x40x64xf32, #tpu.memory_space<vmem>>
      %dma_wait3A_324 = tpu.memref_squeeze %dma_wait3A_323 : memref<1x1x40x64xf32, #tpu.memory_space<vmem>> -> memref<40x64xf32, #tpu.memory_space<vmem>>
      %dma_wait3A_325 = arith.constant 0 : i32
      %dma_wait3A_326 = tpu.memref_slice %arg6[%dma_wait3A_317, %dma_wait3A_318, %dma_wait3A_325] : memref<2x4x200xi32, #tpu.memory_space<vmem>> -> memref<1x1x40xi32, #tpu.memory_space<vmem>>
      %dma_wait3A_327 = tpu.memref_squeeze %dma_wait3A_326 : memref<1x1x40xi32, #tpu.memory_space<vmem>> -> memref<40xi32, #tpu.memory_space<vmem>>
      %dma_wait3A_328 = arith.constant 0 : i32
      %dma_wait3A_329 = arith.constant 0 : i32
      %dma_wait3A_330 = tpu.memref_slice %arg4[%dma_wait3A_328, %dma_wait3A_329] : memref<1000000x64xf32, #tpu.memory_space<hbm>> -> memref<1000000x64xf32, #tpu.memory_space<hbm>>
      tpu.wait_indirect_dma semaphore(%arg9 : memref<!tpu.dma_semaphore, #tpu.memory_space<semaphore_mem>>) src(%dma_wait3A_330 : memref<1000000x64xf32, #tpu.memory_space<hbm>>) dst(%dma_wait3A_324 : memref<40x64xf32, #tpu.memory_space<vmem>>)
      %dma_wait3A_331 = arith.constant 0 : i32
      %dma_wait3A_332 = arith.constant 0 : i32
      %dma_wait3A_333 = arith.constant 0 : i32
      %dma_wait3A_334 = arith.constant 0 : i32
      %dma_wait3A_335 = arith.constant 40 : i32
      %dma_wait3A_336 = arith.constant 0 : i32
      %dma_wait3A_337 = tpu.memref_slice %arg7[%dma_wait3A_333, %dma_wait3A_334, %dma_wait3A_335, %dma_wait3A_336] : memref<2x4x200x64xf32, #tpu.memory_space<vmem>> -> memref<1x1x40x64xf32, #tpu.memory_space<vmem>>
      %dma_wait3A_338 = tpu.memref_squeeze %dma_wait3A_337 : memref<1x1x40x64xf32, #tpu.memory_space<vmem>> -> memref<40x64xf32, #tpu.memory_space<vmem>>
      %dma_wait3A_339 = arith.constant 40 : i32
      %dma_wait3A_340 = tpu.memref_slice %arg6[%dma_wait3A_331, %dma_wait3A_332, %dma_wait3A_339] : memref<2x4x200xi32, #tpu.memory_space<vmem>> -> memref<1x1x40xi32, #tpu.memory_space<vmem>>
      %dma_wait3A_341 = tpu.memref_squeeze %dma_wait3A_340 : memref<1x1x40xi32, #tpu.memory_space<vmem>> -> memref<40xi32, #tpu.memory_space<vmem>>
      %dma_wait3A_342 = arith.constant 0 : i32
      %dma_wait3A_343 = arith.constant 0 : i32
      %dma_wait3A_344 = tpu.memref_slice %arg4[%dma_wait3A_342, %dma_wait3A_343] : memref<1000000x64xf32, #tpu.memory_space<hbm>> -> memref<1000000x64xf32, #tpu.memory_space<hbm>>
      tpu.wait_indirect_dma semaphore(%arg9 : memref<!tpu.dma_semaphore, #tpu.memory_space<semaphore_mem>>) src(%dma_wait3A_344 : memref<1000000x64xf32, #tpu.memory_space<hbm>>) dst(%dma_wait3A_338 : memref<40x64xf32, #tpu.memory_space<vmem>>)
      %dma_wait3A_345 = arith.constant 0 : i32
      %dma_wait3A_346 = arith.constant 0 : i32
      %dma_wait3A_347 = arith.constant 0 : i32
      %dma_wait3A_348 = arith.constant 0 : i32
      %dma_wait3A_349 = arith.constant 80 : i32
      %dma_wait3A_350 = arith.constant 0 : i32
      %dma_wait3A_351 = tpu.memref_slice %arg7[%dma_wait3A_347, %dma_wait3A_348, %dma_wait3A_349, %dma_wait3A_350] : memref<2x4x200x64xf32, #tpu.memory_space<vmem>> -> memref<1x1x40x64xf32, #tpu.memory_space<vmem>>
      %dma_wait3A_352 = tpu.memref_squeeze %dma_wait3A_351 : memref<1x1x40x64xf32, #tpu.memory_space<vmem>> -> memref<40x64xf32, #tpu.memory_space<vmem>>
      %dma_wait3A_353 = arith.constant 80 : i32
      %dma_wait3A_354 = tpu.memref_slice %arg6[%dma_wait3A_345, %dma_wait3A_346, %dma_wait3A_353] : memref<2x4x200xi32, #tpu.memory_space<vmem>> -> memref<1x1x40xi32, #tpu.memory_space<vmem>>
      %dma_wait3A_355 = tpu.memref_squeeze %dma_wait3A_354 : memref<1x1x40xi32, #tpu.memory_space<vmem>> -> memref<40xi32, #tpu.memory_space<vmem>>
      %dma_wait3A_356 = arith.constant 0 : i32
      %dma_wait3A_357 = arith.constant 0 : i32
      %dma_wait3A_358 = tpu.memref_slice %arg4[%dma_wait3A_356, %dma_wait3A_357] : memref<1000000x64xf32, #tpu.memory_space<hbm>> -> memref<1000000x64xf32, #tpu.memory_space<hbm>>
      tpu.wait_indirect_dma semaphore(%arg9 : memref<!tpu.dma_semaphore, #tpu.memory_space<semaphore_mem>>) src(%dma_wait3A_358 : memref<1000000x64xf32, #tpu.memory_space<hbm>>) dst(%dma_wait3A_352 : memref<40x64xf32, #tpu.memory_space<vmem>>)
      %dma_wait3A_359 = arith.constant 0 : i32
      %dma_wait3A_360 = arith.constant 0 : i32
      %dma_wait3A_361 = arith.constant 0 : i32
      %dma_wait3A_362 = arith.constant 0 : i32
      %dma_wait3A_363 = arith.constant 120 : i32
      %dma_wait3A_364 = arith.constant 0 : i32
      %dma_wait3A_365 = tpu.memref_slice %arg7[%dma_wait3A_361, %dma_wait3A_362, %dma_wait3A_363, %dma_wait3A_364] : memref<2x4x200x64xf32, #tpu.memory_space<vmem>> -> memref<1x1x40x64xf32, #tpu.memory_space<vmem>>
      %dma_wait3A_366 = tpu.memref_squeeze %dma_wait3A_365 : memref<1x1x40x64xf32, #tpu.memory_space<vmem>> -> memref<40x64xf32, #tpu.memory_space<vmem>>
      %dma_wait3A_367 = arith.constant 120 : i32
      %dma_wait3A_368 = tpu.memref_slice %arg6[%dma_wait3A_359, %dma_wait3A_360, %dma_wait3A_367] : memref<2x4x200xi32, #tpu.memory_space<vmem>> -> memref<1x1x40xi32, #tpu.memory_space<vmem>>
      %dma_wait3A_369 = tpu.memref_squeeze %dma_wait3A_368 : memref<1x1x40xi32, #tpu.memory_space<vmem>> -> memref<40xi32, #tpu.memory_space<vmem>>
      %dma_wait3A_370 = arith.constant 0 : i32
      %dma_wait3A_371 = arith.constant 0 : i32
      %dma_wait3A_372 = tpu.memref_slice %arg4[%dma_wait3A_370, %dma_wait3A_371] : memref<1000000x64xf32, #tpu.memory_space<hbm>> -> memref<1000000x64xf32, #tpu.memory_space<hbm>>
      tpu.wait_indirect_dma semaphore(%arg9 : memref<!tpu.dma_semaphore, #tpu.memory_space<semaphore_mem>>) src(%dma_wait3A_372 : memref<1000000x64xf32, #tpu.memory_space<hbm>>) dst(%dma_wait3A_366 : memref<40x64xf32, #tpu.memory_space<vmem>>)
      %dma_wait3A_373 = arith.constant 0 : i32
      %dma_wait3A_374 = arith.constant 0 : i32
      %dma_wait3A_375 = arith.constant 0 : i32
      %dma_wait3A_376 = arith.constant 0 : i32
      %dma_wait3A_377 = arith.constant 160 : i32
      %dma_wait3A_378 = arith.constant 0 : i32
      %dma_wait3A_379 = tpu.memref_slice %arg7[%dma_wait3A_375, %dma_wait3A_376, %dma_wait3A_377, %dma_wait3A_378] : memref<2x4x200x64xf32, #tpu.memory_space<vmem>> -> memref<1x1x40x64xf32, #tpu.memory_space<vmem>>
      %dma_wait3A_380 = tpu.memref_squeeze %dma_wait3A_379 : memref<1x1x40x64xf32, #tpu.memory_space<vmem>> -> memref<40x64xf32, #tpu.memory_space<vmem>>
      %dma_wait3A_381 = arith.constant 160 : i32
      %dma_wait3A_382 = tpu.memref_slice %arg6[%dma_wait3A_373, %dma_wait3A_374, %dma_wait3A_381] : memref<2x4x200xi32, #tpu.memory_space<vmem>> -> memref<1x1x40xi32, #tpu.memory_space<vmem>>
      %dma_wait3A_383 = tpu.memref_squeeze %dma_wait3A_382 : memref<1x1x40xi32, #tpu.memory_space<vmem>> -> memref<40xi32, #tpu.memory_space<vmem>>
      %dma_wait3A_384 = arith.constant 0 : i32
      %dma_wait3A_385 = arith.constant 0 : i32
      %dma_wait3A_386 = tpu.memref_slice %arg4[%dma_wait3A_384, %dma_wait3A_385] : memref<1000000x64xf32, #tpu.memory_space<hbm>> -> memref<1000000x64xf32, #tpu.memory_space<hbm>>
      tpu.wait_indirect_dma semaphore(%arg9 : memref<!tpu.dma_semaphore, #tpu.memory_space<semaphore_mem>>) src(%dma_wait3A_386 : memref<1000000x64xf32, #tpu.memory_space<hbm>>) dst(%dma_wait3A_380 : memref<40x64xf32, #tpu.memory_space<vmem>>)
      %dma_wait3A_387 = arith.constant 0 : i32
      %dma_wait3A_388 = arith.constant 1 : i32
      %dma_wait3A_389 = arith.constant 0 : i32
      %dma_wait3A_390 = arith.constant 1 : i32
      %dma_wait3A_391 = arith.constant 0 : i32
      %dma_wait3A_392 = arith.constant 0 : i32
      %dma_wait3A_393 = tpu.memref_slice %arg7[%dma_wait3A_389, %dma_wait3A_390, %dma_wait3A_391, %dma_wait3A_392] : memref<2x4x200x64xf32, #tpu.memory_space<vmem>> -> memref<1x1x40x64xf32, #tpu.memory_space<vmem>>
      %dma_wait3A_394 = tpu.memref_squeeze %dma_wait3A_393 : memref<1x1x40x64xf32, #tpu.memory_space<vmem>> -> memref<40x64xf32, #tpu.memory_space<vmem>>
      %dma_wait3A_395 = arith.constant 0 : i32
      %dma_wait3A_396 = tpu.memref_slice %arg6[%dma_wait3A_387, %dma_wait3A_388, %dma_wait3A_395] : memref<2x4x200xi32, #tpu.memory_space<vmem>> -> memref<1x1x40xi32, #tpu.memory_space<vmem>>
      %dma_wait3A_397 = tpu.memref_squeeze %dma_wait3A_396 : memref<1x1x40xi32, #tpu.memory_space<vmem>> -> memref<40xi32, #tpu.memory_space<vmem>>
      %dma_wait3A_398 = arith.constant 0 : i32
      %dma_wait3A_399 = arith.constant 0 : i32
      %dma_wait3A_400 = tpu.memref_slice %arg4[%dma_wait3A_398, %dma_wait3A_399] : memref<1000000x64xf32, #tpu.memory_space<hbm>> -> memref<1000000x64xf32, #tpu.memory_space<hbm>>
      tpu.wait_indirect_dma semaphore(%arg9 : memref<!tpu.dma_semaphore, #tpu.memory_space<semaphore_mem>>) src(%dma_wait3A_400 : memref<1000000x64xf32, #tpu.memory_space<hbm>>) dst(%dma_wait3A_394 : memref<40x64xf32, #tpu.memory_space<vmem>>)
      %dma_wait3A_401 = arith.constant 0 : i32
      %dma_wait3A_402 = arith.constant 1 : i32
      %dma_wait3A_403 = arith.constant 0 : i32
      %dma_wait3A_404 = arith.constant 1 : i32
      %dma_wait3A_405 = arith.constant 40 : i32
      %dma_wait3A_406 = arith.constant 0 : i32
      %dma_wait3A_407 = tpu.memref_slice %arg7[%dma_wait3A_403, %dma_wait3A_404, %dma_wait3A_405, %dma_wait3A_406] : memref<2x4x200x64xf32, #tpu.memory_space<vmem>> -> memref<1x1x40x64xf32, #tpu.memory_space<vmem>>
      %dma_wait3A_408 = tpu.memref_squeeze %dma_wait3A_407 : memref<1x1x40x64xf32, #tpu.memory_space<vmem>> -> memref<40x64xf32, #tpu.memory_space<vmem>>
      %dma_wait3A_409 = arith.constant 40 : i32
      %dma_wait3A_410 = tpu.memref_slice %arg6[%dma_wait3A_401, %dma_wait3A_402, %dma_wait3A_409] : memref<2x4x200xi32, #tpu.memory_space<vmem>> -> memref<1x1x40xi32, #tpu.memory_space<vmem>>
      %dma_wait3A_411 = tpu.memref_squeeze %dma_wait3A_410 : memref<1x1x40xi32, #tpu.memory_space<vmem>> -> memref<40xi32, #tpu.memory_space<vmem>>
      %dma_wait3A_412 = arith.constant 0 : i32
      %dma_wait3A_413 = arith.constant 0 : i32
      %dma_wait3A_414 = tpu.memref_slice %arg4[%dma_wait3A_412, %dma_wait3A_413] : memref<1000000x64xf32, #tpu.memory_space<hbm>> -> memref<1000000x64xf32, #tpu.memory_space<hbm>>
      tpu.wait_indirect_dma semaphore(%arg9 : memref<!tpu.dma_semaphore, #tpu.memory_space<semaphore_mem>>) src(%dma_wait3A_414 : memref<1000000x64xf32, #tpu.memory_space<hbm>>) dst(%dma_wait3A_408 : memref<40x64xf32, #tpu.memory_space<vmem>>)
      %dma_wait3A_415 = arith.constant 0 : i32
      %dma_wait3A_416 = arith.constant 1 : i32
      %dma_wait3A_417 = arith.constant 0 : i32
      %dma_wait3A_418 = arith.constant 1 : i32
      %dma_wait3A_419 = arith.constant 80 : i32
      %dma_wait3A_420 = arith.constant 0 : i32
      %dma_wait3A_421 = tpu.memref_slice %arg7[%dma_wait3A_417, %dma_wait3A_418, %dma_wait3A_419, %dma_wait3A_420] : memref<2x4x200x64xf32, #tpu.memory_space<vmem>> -> memref<1x1x40x64xf32, #tpu.memory_space<vmem>>
      %dma_wait3A_422 = tpu.memref_squeeze %dma_wait3A_421 : memref<1x1x40x64xf32, #tpu.memory_space<vmem>> -> memref<40x64xf32, #tpu.memory_space<vmem>>
      %dma_wait3A_423 = arith.constant 80 : i32
      %dma_wait3A_424 = tpu.memref_slice %arg6[%dma_wait3A_415, %dma_wait3A_416, %dma_wait3A_423] : memref<2x4x200xi32, #tpu.memory_space<vmem>> -> memref<1x1x40xi32, #tpu.memory_space<vmem>>
      %dma_wait3A_425 = tpu.memref_squeeze %dma_wait3A_424 : memref<1x1x40xi32, #tpu.memory_space<vmem>> -> memref<40xi32, #tpu.memory_space<vmem>>
      %dma_wait3A_426 = arith.constant 0 : i32
      %dma_wait3A_427 = arith.constant 0 : i32
      %dma_wait3A_428 = tpu.memref_slice %arg4[%dma_wait3A_426, %dma_wait3A_427] : memref<1000000x64xf32, #tpu.memory_space<hbm>> -> memref<1000000x64xf32, #tpu.memory_space<hbm>>
      tpu.wait_indirect_dma semaphore(%arg9 : memref<!tpu.dma_semaphore, #tpu.memory_space<semaphore_mem>>) src(%dma_wait3A_428 : memref<1000000x64xf32, #tpu.memory_space<hbm>>) dst(%dma_wait3A_422 : memref<40x64xf32, #tpu.memory_space<vmem>>)
      %dma_wait3A_429 = arith.constant 0 : i32
      %dma_wait3A_430 = arith.constant 1 : i32
      %dma_wait3A_431 = arith.constant 0 : i32
      %dma_wait3A_432 = arith.constant 1 : i32
      %dma_wait3A_433 = arith.constant 120 : i32
      %dma_wait3A_434 = arith.constant 0 : i32
      %dma_wait3A_435 = tpu.memref_slice %arg7[%dma_wait3A_431, %dma_wait3A_432, %dma_wait3A_433, %dma_wait3A_434] : memref<2x4x200x64xf32, #tpu.memory_space<vmem>> -> memref<1x1x40x64xf32, #tpu.memory_space<vmem>>
      %dma_wait3A_436 = tpu.memref_squeeze %dma_wait3A_435 : memref<1x1x40x64xf32, #tpu.memory_space<vmem>> -> memref<40x64xf32, #tpu.memory_space<vmem>>
      %dma_wait3A_437 = arith.constant 120 : i32
      %dma_wait3A_438 = tpu.memref_slice %arg6[%dma_wait3A_429, %dma_wait3A_430, %dma_wait3A_437] : memref<2x4x200xi32, #tpu.memory_space<vmem>> -> memref<1x1x40xi32, #tpu.memory_space<vmem>>
      %dma_wait3A_439 = tpu.memref_squeeze %dma_wait3A_438 : memref<1x1x40xi32, #tpu.memory_space<vmem>> -> memref<40xi32, #tpu.memory_space<vmem>>
      %dma_wait3A_440 = arith.constant 0 : i32
      %dma_wait3A_441 = arith.constant 0 : i32
      %dma_wait3A_442 = tpu.memref_slice %arg4[%dma_wait3A_440, %dma_wait3A_441] : memref<1000000x64xf32, #tpu.memory_space<hbm>> -> memref<1000000x64xf32, #tpu.memory_space<hbm>>
      tpu.wait_indirect_dma semaphore(%arg9 : memref<!tpu.dma_semaphore, #tpu.memory_space<semaphore_mem>>) src(%dma_wait3A_442 : memref<1000000x64xf32, #tpu.memory_space<hbm>>) dst(%dma_wait3A_436 : memref<40x64xf32, #tpu.memory_space<vmem>>)
      %dma_wait3A_443 = arith.constant 0 : i32
      %dma_wait3A_444 = arith.constant 1 : i32
      %dma_wait3A_445 = arith.constant 0 : i32
      %dma_wait3A_446 = arith.constant 1 : i32
      %dma_wait3A_447 = arith.constant 160 : i32
      %dma_wait3A_448 = arith.constant 0 : i32
      %dma_wait3A_449 = tpu.memref_slice %arg7[%dma_wait3A_445, %dma_wait3A_446, %dma_wait3A_447, %dma_wait3A_448] : memref<2x4x200x64xf32, #tpu.memory_space<vmem>> -> memref<1x1x40x64xf32, #tpu.memory_space<vmem>>
      %dma_wait3A_450 = tpu.memref_squeeze %dma_wait3A_449 : memref<1x1x40x64xf32, #tpu.memory_space<vmem>> -> memref<40x64xf32, #tpu.memory_space<vmem>>
      %dma_wait3A_451 = arith.constant 160 : i32
      %dma_wait3A_452 = tpu.memref_slice %arg6[%dma_wait3A_443, %dma_wait3A_444, %dma_wait3A_451] : memref<2x4x200xi32, #tpu.memory_space<vmem>> -> memref<1x1x40xi32, #tpu.memory_space<vmem>>
      %dma_wait3A_453 = tpu.memref_squeeze %dma_wait3A_452 : memref<1x1x40xi32, #tpu.memory_space<vmem>> -> memref<40xi32, #tpu.memory_space<vmem>>
      %dma_wait3A_454 = arith.constant 0 : i32
      %dma_wait3A_455 = arith.constant 0 : i32
      %dma_wait3A_456 = tpu.memref_slice %arg4[%dma_wait3A_454, %dma_wait3A_455] : memref<1000000x64xf32, #tpu.memory_space<hbm>> -> memref<1000000x64xf32, #tpu.memory_space<hbm>>
      tpu.wait_indirect_dma semaphore(%arg9 : memref<!tpu.dma_semaphore, #tpu.memory_space<semaphore_mem>>) src(%dma_wait3A_456 : memref<1000000x64xf32, #tpu.memory_space<hbm>>) dst(%dma_wait3A_450 : memref<40x64xf32, #tpu.memory_space<vmem>>)
      %dma_wait3A_457 = arith.constant 0 : i32
      %dma_wait3A_458 = arith.constant 2 : i32
      %dma_wait3A_459 = arith.constant 0 : i32
      %dma_wait3A_460 = arith.constant 2 : i32
      %dma_wait3A_461 = arith.constant 0 : i32
      %dma_wait3A_462 = arith.constant 0 : i32
      %dma_wait3A_463 = tpu.memref_slice %arg7[%dma_wait3A_459, %dma_wait3A_460, %dma_wait3A_461, %dma_wait3A_462] : memref<2x4x200x64xf32, #tpu.memory_space<vmem>> -> memref<1x1x40x64xf32, #tpu.memory_space<vmem>>
      %dma_wait3A_464 = tpu.memref_squeeze %dma_wait3A_463 : memref<1x1x40x64xf32, #tpu.memory_space<vmem>> -> memref<40x64xf32, #tpu.memory_space<vmem>>
      %dma_wait3A_465 = arith.constant 0 : i32
      %dma_wait3A_466 = tpu.memref_slice %arg6[%dma_wait3A_457, %dma_wait3A_458, %dma_wait3A_465] : memref<2x4x200xi32, #tpu.memory_space<vmem>> -> memref<1x1x40xi32, #tpu.memory_space<vmem>>
      %dma_wait3A_467 = tpu.memref_squeeze %dma_wait3A_466 : memref<1x1x40xi32, #tpu.memory_space<vmem>> -> memref<40xi32, #tpu.memory_space<vmem>>
      %dma_wait3A_468 = arith.constant 0 : i32
      %dma_wait3A_469 = arith.constant 0 : i32
      %dma_wait3A_470 = tpu.memref_slice %arg4[%dma_wait3A_468, %dma_wait3A_469] : memref<1000000x64xf32, #tpu.memory_space<hbm>> -> memref<1000000x64xf32, #tpu.memory_space<hbm>>
      tpu.wait_indirect_dma semaphore(%arg9 : memref<!tpu.dma_semaphore, #tpu.memory_space<semaphore_mem>>) src(%dma_wait3A_470 : memref<1000000x64xf32, #tpu.memory_space<hbm>>) dst(%dma_wait3A_464 : memref<40x64xf32, #tpu.memory_space<vmem>>)
      %dma_wait3A_471 = arith.constant 0 : i32
      %dma_wait3A_472 = arith.constant 2 : i32
      %dma_wait3A_473 = arith.constant 0 : i32
      %dma_wait3A_474 = arith.constant 2 : i32
      %dma_wait3A_475 = arith.constant 40 : i32
      %dma_wait3A_476 = arith.constant 0 : i32
      %dma_wait3A_477 = tpu.memref_slice %arg7[%dma_wait3A_473, %dma_wait3A_474, %dma_wait3A_475, %dma_wait3A_476] : memref<2x4x200x64xf32, #tpu.memory_space<vmem>> -> memref<1x1x40x64xf32, #tpu.memory_space<vmem>>
      %dma_wait3A_478 = tpu.memref_squeeze %dma_wait3A_477 : memref<1x1x40x64xf32, #tpu.memory_space<vmem>> -> memref<40x64xf32, #tpu.memory_space<vmem>>
      %dma_wait3A_479 = arith.constant 40 : i32
      %dma_wait3A_480 = tpu.memref_slice %arg6[%dma_wait3A_471, %dma_wait3A_472, %dma_wait3A_479] : memref<2x4x200xi32, #tpu.memory_space<vmem>> -> memref<1x1x40xi32, #tpu.memory_space<vmem>>
      %dma_wait3A_481 = tpu.memref_squeeze %dma_wait3A_480 : memref<1x1x40xi32, #tpu.memory_space<vmem>> -> memref<40xi32, #tpu.memory_space<vmem>>
      %dma_wait3A_482 = arith.constant 0 : i32
      %dma_wait3A_483 = arith.constant 0 : i32
      %dma_wait3A_484 = tpu.memref_slice %arg4[%dma_wait3A_482, %dma_wait3A_483] : memref<1000000x64xf32, #tpu.memory_space<hbm>> -> memref<1000000x64xf32, #tpu.memory_space<hbm>>
      tpu.wait_indirect_dma semaphore(%arg9 : memref<!tpu.dma_semaphore, #tpu.memory_space<semaphore_mem>>) src(%dma_wait3A_484 : memref<1000000x64xf32, #tpu.memory_space<hbm>>) dst(%dma_wait3A_478 : memref<40x64xf32, #tpu.memory_space<vmem>>)
      %dma_wait3A_485 = arith.constant 0 : i32
      %dma_wait3A_486 = arith.constant 2 : i32
      %dma_wait3A_487 = arith.constant 0 : i32
      %dma_wait3A_488 = arith.constant 2 : i32
      %dma_wait3A_489 = arith.constant 80 : i32
      %dma_wait3A_490 = arith.constant 0 : i32
      %dma_wait3A_491 = tpu.memref_slice %arg7[%dma_wait3A_487, %dma_wait3A_488, %dma_wait3A_489, %dma_wait3A_490] : memref<2x4x200x64xf32, #tpu.memory_space<vmem>> -> memref<1x1x40x64xf32, #tpu.memory_space<vmem>>
      %dma_wait3A_492 = tpu.memref_squeeze %dma_wait3A_491 : memref<1x1x40x64xf32, #tpu.memory_space<vmem>> -> memref<40x64xf32, #tpu.memory_space<vmem>>
      %dma_wait3A_493 = arith.constant 80 : i32
      %dma_wait3A_494 = tpu.memref_slice %arg6[%dma_wait3A_485, %dma_wait3A_486, %dma_wait3A_493] : memref<2x4x200xi32, #tpu.memory_space<vmem>> -> memref<1x1x40xi32, #tpu.memory_space<vmem>>
      %dma_wait3A_495 = tpu.memref_squeeze %dma_wait3A_494 : memref<1x1x40xi32, #tpu.memory_space<vmem>> -> memref<40xi32, #tpu.memory_space<vmem>>
      %dma_wait3A_496 = arith.constant 0 : i32
      %dma_wait3A_497 = arith.constant 0 : i32
      %dma_wait3A_498 = tpu.memref_slice %arg4[%dma_wait3A_496, %dma_wait3A_497] : memref<1000000x64xf32, #tpu.memory_space<hbm>> -> memref<1000000x64xf32, #tpu.memory_space<hbm>>
      tpu.wait_indirect_dma semaphore(%arg9 : memref<!tpu.dma_semaphore, #tpu.memory_space<semaphore_mem>>) src(%dma_wait3A_498 : memref<1000000x64xf32, #tpu.memory_space<hbm>>) dst(%dma_wait3A_492 : memref<40x64xf32, #tpu.memory_space<vmem>>)
      %dma_wait3A_499 = arith.constant 0 : i32
      %dma_wait3A_500 = arith.constant 2 : i32
      %dma_wait3A_501 = arith.constant 0 : i32
      %dma_wait3A_502 = arith.constant 2 : i32
      %dma_wait3A_503 = arith.constant 120 : i32
      %dma_wait3A_504 = arith.constant 0 : i32
      %dma_wait3A_505 = tpu.memref_slice %arg7[%dma_wait3A_501, %dma_wait3A_502, %dma_wait3A_503, %dma_wait3A_504] : memref<2x4x200x64xf32, #tpu.memory_space<vmem>> -> memref<1x1x40x64xf32, #tpu.memory_space<vmem>>
      %dma_wait3A_506 = tpu.memref_squeeze %dma_wait3A_505 : memref<1x1x40x64xf32, #tpu.memory_space<vmem>> -> memref<40x64xf32, #tpu.memory_space<vmem>>
      %dma_wait3A_507 = arith.constant 120 : i32
      %dma_wait3A_508 = tpu.memref_slice %arg6[%dma_wait3A_499, %dma_wait3A_500, %dma_wait3A_507] : memref<2x4x200xi32, #tpu.memory_space<vmem>> -> memref<1x1x40xi32, #tpu.memory_space<vmem>>
      %dma_wait3A_509 = tpu.memref_squeeze %dma_wait3A_508 : memref<1x1x40xi32, #tpu.memory_space<vmem>> -> memref<40xi32, #tpu.memory_space<vmem>>
      %dma_wait3A_510 = arith.constant 0 : i32
      %dma_wait3A_511 = arith.constant 0 : i32
      %dma_wait3A_512 = tpu.memref_slice %arg4[%dma_wait3A_510, %dma_wait3A_511] : memref<1000000x64xf32, #tpu.memory_space<hbm>> -> memref<1000000x64xf32, #tpu.memory_space<hbm>>
      tpu.wait_indirect_dma semaphore(%arg9 : memref<!tpu.dma_semaphore, #tpu.memory_space<semaphore_mem>>) src(%dma_wait3A_512 : memref<1000000x64xf32, #tpu.memory_space<hbm>>) dst(%dma_wait3A_506 : memref<40x64xf32, #tpu.memory_space<vmem>>)
      %dma_wait3A_513 = arith.constant 0 : i32
      %dma_wait3A_514 = arith.constant 2 : i32
      %dma_wait3A_515 = arith.constant 0 : i32
      %dma_wait3A_516 = arith.constant 2 : i32
      %dma_wait3A_517 = arith.constant 160 : i32
      %dma_wait3A_518 = arith.constant 0 : i32
      %dma_wait3A_519 = tpu.memref_slice %arg7[%dma_wait3A_515, %dma_wait3A_516, %dma_wait3A_517, %dma_wait3A_518] : memref<2x4x200x64xf32, #tpu.memory_space<vmem>> -> memref<1x1x40x64xf32, #tpu.memory_space<vmem>>
      %dma_wait3A_520 = tpu.memref_squeeze %dma_wait3A_519 : memref<1x1x40x64xf32, #tpu.memory_space<vmem>> -> memref<40x64xf32, #tpu.memory_space<vmem>>
      %dma_wait3A_521 = arith.constant 160 : i32
      %dma_wait3A_522 = tpu.memref_slice %arg6[%dma_wait3A_513, %dma_wait3A_514, %dma_wait3A_521] : memref<2x4x200xi32, #tpu.memory_space<vmem>> -> memref<1x1x40xi32, #tpu.memory_space<vmem>>
      %dma_wait3A_523 = tpu.memref_squeeze %dma_wait3A_522 : memref<1x1x40xi32, #tpu.memory_space<vmem>> -> memref<40xi32, #tpu.memory_space<vmem>>
      %dma_wait3A_524 = arith.constant 0 : i32
      %dma_wait3A_525 = arith.constant 0 : i32
      %dma_wait3A_526 = tpu.memref_slice %arg4[%dma_wait3A_524, %dma_wait3A_525] : memref<1000000x64xf32, #tpu.memory_space<hbm>> -> memref<1000000x64xf32, #tpu.memory_space<hbm>>
      tpu.wait_indirect_dma semaphore(%arg9 : memref<!tpu.dma_semaphore, #tpu.memory_space<semaphore_mem>>) src(%dma_wait3A_526 : memref<1000000x64xf32, #tpu.memory_space<hbm>>) dst(%dma_wait3A_520 : memref<40x64xf32, #tpu.memory_space<vmem>>)
      %dma_wait3A_527 = arith.constant 0 : i32
      %dma_wait3A_528 = arith.constant 3 : i32
      %dma_wait3A_529 = arith.constant 0 : i32
      %dma_wait3A_530 = arith.constant 3 : i32
      %dma_wait3A_531 = arith.constant 0 : i32
      %dma_wait3A_532 = arith.constant 0 : i32
      %dma_wait3A_533 = tpu.memref_slice %arg7[%dma_wait3A_529, %dma_wait3A_530, %dma_wait3A_531, %dma_wait3A_532] : memref<2x4x200x64xf32, #tpu.memory_space<vmem>> -> memref<1x1x40x64xf32, #tpu.memory_space<vmem>>
      %dma_wait3A_534 = tpu.memref_squeeze %dma_wait3A_533 : memref<1x1x40x64xf32, #tpu.memory_space<vmem>> -> memref<40x64xf32, #tpu.memory_space<vmem>>
      %dma_wait3A_535 = arith.constant 0 : i32
      %dma_wait3A_536 = tpu.memref_slice %arg6[%dma_wait3A_527, %dma_wait3A_528, %dma_wait3A_535] : memref<2x4x200xi32, #tpu.memory_space<vmem>> -> memref<1x1x40xi32, #tpu.memory_space<vmem>>
      %dma_wait3A_537 = tpu.memref_squeeze %dma_wait3A_536 : memref<1x1x40xi32, #tpu.memory_space<vmem>> -> memref<40xi32, #tpu.memory_space<vmem>>
      %dma_wait3A_538 = arith.constant 0 : i32
      %dma_wait3A_539 = arith.constant 0 : i32
      %dma_wait3A_540 = tpu.memref_slice %arg4[%dma_wait3A_538, %dma_wait3A_539] : memref<1000000x64xf32, #tpu.memory_space<hbm>> -> memref<1000000x64xf32, #tpu.memory_space<hbm>>
      tpu.wait_indirect_dma semaphore(%arg9 : memref<!tpu.dma_semaphore, #tpu.memory_space<semaphore_mem>>) src(%dma_wait3A_540 : memref<1000000x64xf32, #tpu.memory_space<hbm>>) dst(%dma_wait3A_534 : memref<40x64xf32, #tpu.memory_space<vmem>>)
      %dma_wait3A_541 = arith.constant 0 : i32
      %dma_wait3A_542 = arith.constant 3 : i32
      %dma_wait3A_543 = arith.constant 0 : i32
      %dma_wait3A_544 = arith.constant 3 : i32
      %dma_wait3A_545 = arith.constant 40 : i32
      %dma_wait3A_546 = arith.constant 0 : i32
      %dma_wait3A_547 = tpu.memref_slice %arg7[%dma_wait3A_543, %dma_wait3A_544, %dma_wait3A_545, %dma_wait3A_546] : memref<2x4x200x64xf32, #tpu.memory_space<vmem>> -> memref<1x1x40x64xf32, #tpu.memory_space<vmem>>
      %dma_wait3A_548 = tpu.memref_squeeze %dma_wait3A_547 : memref<1x1x40x64xf32, #tpu.memory_space<vmem>> -> memref<40x64xf32, #tpu.memory_space<vmem>>
      %dma_wait3A_549 = arith.constant 40 : i32
      %dma_wait3A_550 = tpu.memref_slice %arg6[%dma_wait3A_541, %dma_wait3A_542, %dma_wait3A_549] : memref<2x4x200xi32, #tpu.memory_space<vmem>> -> memref<1x1x40xi32, #tpu.memory_space<vmem>>
      %dma_wait3A_551 = tpu.memref_squeeze %dma_wait3A_550 : memref<1x1x40xi32, #tpu.memory_space<vmem>> -> memref<40xi32, #tpu.memory_space<vmem>>
      %dma_wait3A_552 = arith.constant 0 : i32
      %dma_wait3A_553 = arith.constant 0 : i32
      %dma_wait3A_554 = tpu.memref_slice %arg4[%dma_wait3A_552, %dma_wait3A_553] : memref<1000000x64xf32, #tpu.memory_space<hbm>> -> memref<1000000x64xf32, #tpu.memory_space<hbm>>
      tpu.wait_indirect_dma semaphore(%arg9 : memref<!tpu.dma_semaphore, #tpu.memory_space<semaphore_mem>>) src(%dma_wait3A_554 : memref<1000000x64xf32, #tpu.memory_space<hbm>>) dst(%dma_wait3A_548 : memref<40x64xf32, #tpu.memory_space<vmem>>)
      %dma_wait3A_555 = arith.constant 0 : i32
      %dma_wait3A_556 = arith.constant 3 : i32
      %dma_wait3A_557 = arith.constant 0 : i32
      %dma_wait3A_558 = arith.constant 3 : i32
      %dma_wait3A_559 = arith.constant 80 : i32
      %dma_wait3A_560 = arith.constant 0 : i32
      %dma_wait3A_561 = tpu.memref_slice %arg7[%dma_wait3A_557, %dma_wait3A_558, %dma_wait3A_559, %dma_wait3A_560] : memref<2x4x200x64xf32, #tpu.memory_space<vmem>> -> memref<1x1x40x64xf32, #tpu.memory_space<vmem>>
      %dma_wait3A_562 = tpu.memref_squeeze %dma_wait3A_561 : memref<1x1x40x64xf32, #tpu.memory_space<vmem>> -> memref<40x64xf32, #tpu.memory_space<vmem>>
      %dma_wait3A_563 = arith.constant 80 : i32
      %dma_wait3A_564 = tpu.memref_slice %arg6[%dma_wait3A_555, %dma_wait3A_556, %dma_wait3A_563] : memref<2x4x200xi32, #tpu.memory_space<vmem>> -> memref<1x1x40xi32, #tpu.memory_space<vmem>>
      %dma_wait3A_565 = tpu.memref_squeeze %dma_wait3A_564 : memref<1x1x40xi32, #tpu.memory_space<vmem>> -> memref<40xi32, #tpu.memory_space<vmem>>
      %dma_wait3A_566 = arith.constant 0 : i32
      %dma_wait3A_567 = arith.constant 0 : i32
      %dma_wait3A_568 = tpu.memref_slice %arg4[%dma_wait3A_566, %dma_wait3A_567] : memref<1000000x64xf32, #tpu.memory_space<hbm>> -> memref<1000000x64xf32, #tpu.memory_space<hbm>>
      tpu.wait_indirect_dma semaphore(%arg9 : memref<!tpu.dma_semaphore, #tpu.memory_space<semaphore_mem>>) src(%dma_wait3A_568 : memref<1000000x64xf32, #tpu.memory_space<hbm>>) dst(%dma_wait3A_562 : memref<40x64xf32, #tpu.memory_space<vmem>>)
      %dma_wait3A_569 = arith.constant 0 : i32
      %dma_wait3A_570 = arith.constant 3 : i32
      %dma_wait3A_571 = arith.constant 0 : i32
      %dma_wait3A_572 = arith.constant 3 : i32
      %dma_wait3A_573 = arith.constant 120 : i32
      %dma_wait3A_574 = arith.constant 0 : i32
      %dma_wait3A_575 = tpu.memref_slice %arg7[%dma_wait3A_571, %dma_wait3A_572, %dma_wait3A_573, %dma_wait3A_574] : memref<2x4x200x64xf32, #tpu.memory_space<vmem>> -> memref<1x1x40x64xf32, #tpu.memory_space<vmem>>
      %dma_wait3A_576 = tpu.memref_squeeze %dma_wait3A_575 : memref<1x1x40x64xf32, #tpu.memory_space<vmem>> -> memref<40x64xf32, #tpu.memory_space<vmem>>
      %dma_wait3A_577 = arith.constant 120 : i32
      %dma_wait3A_578 = tpu.memref_slice %arg6[%dma_wait3A_569, %dma_wait3A_570, %dma_wait3A_577] : memref<2x4x200xi32, #tpu.memory_space<vmem>> -> memref<1x1x40xi32, #tpu.memory_space<vmem>>
      %dma_wait3A_579 = tpu.memref_squeeze %dma_wait3A_578 : memref<1x1x40xi32, #tpu.memory_space<vmem>> -> memref<40xi32, #tpu.memory_space<vmem>>
      %dma_wait3A_580 = arith.constant 0 : i32
      %dma_wait3A_581 = arith.constant 0 : i32
      %dma_wait3A_582 = tpu.memref_slice %arg4[%dma_wait3A_580, %dma_wait3A_581] : memref<1000000x64xf32, #tpu.memory_space<hbm>> -> memref<1000000x64xf32, #tpu.memory_space<hbm>>
      tpu.wait_indirect_dma semaphore(%arg9 : memref<!tpu.dma_semaphore, #tpu.memory_space<semaphore_mem>>) src(%dma_wait3A_582 : memref<1000000x64xf32, #tpu.memory_space<hbm>>) dst(%dma_wait3A_576 : memref<40x64xf32, #tpu.memory_space<vmem>>)
      %dma_wait3A_583 = arith.constant 0 : i32
      %dma_wait3A_584 = arith.constant 3 : i32
      %dma_wait3A_585 = arith.constant 0 : i32
      %dma_wait3A_586 = arith.constant 3 : i32
      %dma_wait3A_587 = arith.constant 160 : i32
      %dma_wait3A_588 = arith.constant 0 : i32
      %dma_wait3A_589 = tpu.memref_slice %arg7[%dma_wait3A_585, %dma_wait3A_586, %dma_wait3A_587, %dma_wait3A_588] : memref<2x4x200x64xf32, #tpu.memory_space<vmem>> -> memref<1x1x40x64xf32, #tpu.memory_space<vmem>>
      %dma_wait3A_590 = tpu.memref_squeeze %dma_wait3A_589 : memref<1x1x40x64xf32, #tpu.memory_space<vmem>> -> memref<40x64xf32, #tpu.memory_space<vmem>>
      %dma_wait3A_591 = arith.constant 160 : i32
      %dma_wait3A_592 = tpu.memref_slice %arg6[%dma_wait3A_583, %dma_wait3A_584, %dma_wait3A_591] : memref<2x4x200xi32, #tpu.memory_space<vmem>> -> memref<1x1x40xi32, #tpu.memory_space<vmem>>
      %dma_wait3A_593 = tpu.memref_squeeze %dma_wait3A_592 : memref<1x1x40xi32, #tpu.memory_space<vmem>> -> memref<40xi32, #tpu.memory_space<vmem>>
      %dma_wait3A_594 = arith.constant 0 : i32
      %dma_wait3A_595 = arith.constant 0 : i32
      %dma_wait3A_596 = tpu.memref_slice %arg4[%dma_wait3A_594, %dma_wait3A_595] : memref<1000000x64xf32, #tpu.memory_space<hbm>> -> memref<1000000x64xf32, #tpu.memory_space<hbm>>
      tpu.wait_indirect_dma semaphore(%arg9 : memref<!tpu.dma_semaphore, #tpu.memory_space<semaphore_mem>>) src(%dma_wait3A_596 : memref<1000000x64xf32, #tpu.memory_space<hbm>>) dst(%dma_wait3A_590 : memref<40x64xf32, #tpu.memory_space<vmem>>)
      %ge3A = arith.constant 1 : i32
      %ge3A_597 = arith.cmpi sge, %add3A_315, %ge3A : i32
      %convert_element_type3A = arith.extui %ge3A_597 : i1 to i32
      %cond3A = arith.constant 0 : i32
      %cond3A_598 = arith.cmpi ne, %convert_element_type3A, %cond3A : i32
      scf.if %cond3A_598 {
        %sub3A_952 = arith.constant 1 : i32
        %sub3A_953 = arith.subi %add3A_316, %sub3A_952 : i32
        %mul3A_954 = arith.constant 4 : i32
        %mul3A_955 = arith.muli %sub3A_953, %mul3A_954 : i32
        %dma_wait3A_956 = arith.constant 1 : i32
        %dma_wait3A_957 = arith.constant 0 : i32
        %dma_wait3A_958 = arith.constant 0 : i32
        %dma_wait3A_959 = arith.constant 0 : i32
        %dma_wait3A_960 = tpu.memref_slice %arg7[%dma_wait3A_956, %dma_wait3A_957, %dma_wait3A_958, %dma_wait3A_959] : memref<2x4x200x64xf32, #tpu.memory_space<vmem>> -> memref<1x4x200x64xf32, #tpu.memory_space<vmem>>
        %dma_wait3A_961 = tpu.memref_squeeze %dma_wait3A_960 : memref<1x4x200x64xf32, #tpu.memory_space<vmem>> -> memref<4x200x64xf32, #tpu.memory_space<vmem>>
        %dma_wait3A_962 = arith.constant 0 : i32
        %dma_wait3A_963 = arith.constant 0 : i32
        %dma_wait3A_964 = tpu.memref_slice %arg5[%mul3A_955, %dma_wait3A_962, %dma_wait3A_963] : memref<4096x200x128xf32, #tpu.memory_space<hbm>> -> memref<4x200x64xf32, #tpu.memory_space<hbm>>
        %dma_wait3A_965 = arith.constant 0 : i32
        %dma_wait3A_966 = arith.constant 0 : i32
        %dma_wait3A_967 = tpu.memref_slice %arg5[%mul3A_955, %dma_wait3A_965, %dma_wait3A_966] : memref<4096x200x128xf32, #tpu.memory_space<hbm>> -> memref<4x200x64xf32, #tpu.memory_space<hbm>>
        %dma_wait3A_968 = arith.constant 0 : i32
        %dma_wait3A_969 = arith.constant 0 : i32
        %dma_wait3A_970 = arith.constant 0 : i32
        %dma_wait3A_971 = tpu.memref_slice %arg7[%dma_wait3A_956, %dma_wait3A_968, %dma_wait3A_969, %dma_wait3A_970] : memref<2x4x200x64xf32, #tpu.memory_space<vmem>> -> memref<1x4x200x64xf32, #tpu.memory_space<vmem>>
        %dma_wait3A_972 = tpu.memref_squeeze %dma_wait3A_971 : memref<1x4x200x64xf32, #tpu.memory_space<vmem>> -> memref<4x200x64xf32, #tpu.memory_space<vmem>>
        tpu.wait_dma2 semaphore(%arg12 : memref<!tpu.dma_semaphore, #tpu.memory_space<semaphore_mem>>) src(%dma_wait3A_972 : memref<4x200x64xf32, #tpu.memory_space<vmem>>) dst(%dma_wait3A_967 : memref<4x200x64xf32, #tpu.memory_space<hbm>>)
      } else {
      }
      %add3A_599 = arith.constant 1 : i32
      %add3A_600 = arith.addi %add3A_315, %add3A_599 : i32
      %lt3A = arith.constant 32 : i32
      %lt3A_601 = arith.cmpi slt, %add3A_600, %lt3A : i32
      %convert_element_type3A_602 = arith.extui %lt3A_601 : i1 to i32
      %cond3A_603 = arith.constant 0 : i32
      %cond3A_604 = arith.cmpi ne, %convert_element_type3A_602, %cond3A_603 : i32
      scf.if %cond3A_604 {
        %add3A_952 = arith.constant 1 : i32
        %add3A_953 = arith.addi %add3A_316, %add3A_952 : i32
        %mul3A_954 = arith.constant 4 : i32
        %mul3A_955 = arith.muli %add3A_953, %mul3A_954 : i32
        %run_scoped3A_956 = arith.constant 1 : i32
        "tpu.region"() ({
          %run_scoped3A_1237 = tpu.sem_alloc : memref<!tpu.dma_semaphore, #tpu.memory_space<semaphore_mem>>
          %dma_start3A_1238 = arith.constant 0 : i32
          %dma_start3A_1239 = arith.constant 0 : i32
          %dma_start3A_1240 = tpu.memref_slice %arg6[%run_scoped3A_956, %dma_start3A_1238, %dma_start3A_1239] : memref<2x4x200xi32, #tpu.memory_space<vmem>> -> memref<1x4x200xi32, #tpu.memory_space<vmem>>
          %dma_start3A_1241 = tpu.memref_squeeze %dma_start3A_1240 : memref<1x4x200xi32, #tpu.memory_space<vmem>> -> memref<4x200xi32, #tpu.memory_space<vmem>>
          %dma_start3A_1242 = arith.constant 0 : i32
          %dma_start3A_1243 = tpu.memref_slice %arg2[%mul3A_955, %dma_start3A_1242] : memref<4096x200xi32, #tpu.memory_space<hbm>> -> memref<4x200xi32, #tpu.memory_space<hbm>>
          %dma_start3A_1244 = arith.constant 0 : i32
          %dma_start3A_1245 = arith.constant 0 : i32
          %dma_start3A_1246 = tpu.memref_slice %arg6[%run_scoped3A_956, %dma_start3A_1244, %dma_start3A_1245] : memref<2x4x200xi32, #tpu.memory_space<vmem>> -> memref<1x4x200xi32, #tpu.memory_space<vmem>>
          %dma_start3A_1247 = tpu.memref_squeeze %dma_start3A_1246 : memref<1x4x200xi32, #tpu.memory_space<vmem>> -> memref<4x200xi32, #tpu.memory_space<vmem>>
          %dma_start3A_1248 = arith.constant 0 : i32
          %dma_start3A_1249 = tpu.memref_slice %arg2[%mul3A_955, %dma_start3A_1248] : memref<4096x200xi32, #tpu.memory_space<hbm>> -> memref<4x200xi32, #tpu.memory_space<hbm>>
          tpu.enqueue_dma source(%dma_start3A_1249 : memref<4x200xi32, #tpu.memory_space<hbm>>) target(%dma_start3A_1247 : memref<4x200xi32, #tpu.memory_space<vmem>>) target_semaphore(%run_scoped3A_1237 : memref<!tpu.dma_semaphore, #tpu.memory_space<semaphore_mem>>)
          %dma_wait3A_1250 = arith.constant 0 : i32
          %dma_wait3A_1251 = arith.constant 0 : i32
          %dma_wait3A_1252 = tpu.memref_slice %arg6[%run_scoped3A_956, %dma_wait3A_1250, %dma_wait3A_1251] : memref<2x4x200xi32, #tpu.memory_space<vmem>> -> memref<1x4x200xi32, #tpu.memory_space<vmem>>
          %dma_wait3A_1253 = tpu.memref_squeeze %dma_wait3A_1252 : memref<1x4x200xi32, #tpu.memory_space<vmem>> -> memref<4x200xi32, #tpu.memory_space<vmem>>
          %dma_wait3A_1254 = arith.constant 0 : i32
          %dma_wait3A_1255 = tpu.memref_slice %arg2[%mul3A_955, %dma_wait3A_1254] : memref<4096x200xi32, #tpu.memory_space<hbm>> -> memref<4x200xi32, #tpu.memory_space<hbm>>
          %dma_wait3A_1256 = arith.constant 0 : i32
          %dma_wait3A_1257 = arith.constant 0 : i32
          %dma_wait3A_1258 = tpu.memref_slice %arg6[%run_scoped3A_956, %dma_wait3A_1256, %dma_wait3A_1257] : memref<2x4x200xi32, #tpu.memory_space<vmem>> -> memref<1x4x200xi32, #tpu.memory_space<vmem>>
          %dma_wait3A_1259 = tpu.memref_squeeze %dma_wait3A_1258 : memref<1x4x200xi32, #tpu.memory_space<vmem>> -> memref<4x200xi32, #tpu.memory_space<vmem>>
          %dma_wait3A_1260 = arith.constant 0 : i32
          %dma_wait3A_1261 = tpu.memref_slice %arg2[%mul3A_955, %dma_wait3A_1260] : memref<4096x200xi32, #tpu.memory_space<hbm>> -> memref<4x200xi32, #tpu.memory_space<hbm>>
          tpu.wait_dma2 semaphore(%run_scoped3A_1237 : memref<!tpu.dma_semaphore, #tpu.memory_space<semaphore_mem>>) src(%dma_wait3A_1261 : memref<4x200xi32, #tpu.memory_space<hbm>>) dst(%dma_wait3A_1259 : memref<4x200xi32, #tpu.memory_space<vmem>>)
          tpu.yield
        }) : () -> ()
        %dma_start3A_957 = arith.constant 1 : i32
        %dma_start3A_958 = arith.constant 0 : i32
        %dma_start3A_959 = arith.constant 1 : i32
        %dma_start3A_960 = arith.constant 0 : i32
        %dma_start3A_961 = arith.constant 0 : i32
        %dma_start3A_962 = arith.constant 0 : i32
        %dma_start3A_963 = tpu.memref_slice %arg7[%dma_start3A_959, %dma_start3A_960, %dma_start3A_961, %dma_start3A_962] : memref<2x4x200x64xf32, #tpu.memory_space<vmem>> -> memref<1x1x40x64xf32, #tpu.memory_space<vmem>>
        %dma_start3A_964 = tpu.memref_squeeze %dma_start3A_963 : memref<1x1x40x64xf32, #tpu.memory_space<vmem>> -> memref<40x64xf32, #tpu.memory_space<vmem>>
        %dma_start3A_965 = arith.constant 0 : i32
        %dma_start3A_966 = tpu.memref_slice %arg6[%dma_start3A_957, %dma_start3A_958, %dma_start3A_965] : memref<2x4x200xi32, #tpu.memory_space<vmem>> -> memref<1x1x40xi32, #tpu.memory_space<vmem>>
        %dma_start3A_967 = tpu.memref_squeeze %dma_start3A_966 : memref<1x1x40xi32, #tpu.memory_space<vmem>> -> memref<40xi32, #tpu.memory_space<vmem>>
        %dma_start3A_968 = arith.constant 0 : i32
        %dma_start3A_969 = arith.constant 0 : i32
        %dma_start3A_970 = tpu.memref_slice %arg4[%dma_start3A_968, %dma_start3A_969] : memref<1000000x64xf32, #tpu.memory_space<hbm>> -> memref<1000000x64xf32, #tpu.memory_space<hbm>>
        tpu.enqueue_indirect_dma source(%dma_start3A_970 : memref<1000000x64xf32, #tpu.memory_space<hbm>>) target(%dma_start3A_964 : memref<40x64xf32, #tpu.memory_space<vmem>>) offsets(%dma_start3A_967 : memref<40xi32, #tpu.memory_space<vmem>>) semaphore(%arg10 : memref<!tpu.dma_semaphore, #tpu.memory_space<semaphore_mem>>)
        %dma_start3A_971 = arith.constant 1 : i32
        %dma_start3A_972 = arith.constant 0 : i32
        %dma_start3A_973 = arith.constant 1 : i32
        %dma_start3A_974 = arith.constant 0 : i32
        %dma_start3A_975 = arith.constant 40 : i32
        %dma_start3A_976 = arith.constant 0 : i32
        %dma_start3A_977 = tpu.memref_slice %arg7[%dma_start3A_973, %dma_start3A_974, %dma_start3A_975, %dma_start3A_976] : memref<2x4x200x64xf32, #tpu.memory_space<vmem>> -> memref<1x1x40x64xf32, #tpu.memory_space<vmem>>
        %dma_start3A_978 = tpu.memref_squeeze %dma_start3A_977 : memref<1x1x40x64xf32, #tpu.memory_space<vmem>> -> memref<40x64xf32, #tpu.memory_space<vmem>>
        %dma_start3A_979 = arith.constant 40 : i32
        %dma_start3A_980 = tpu.memref_slice %arg6[%dma_start3A_971, %dma_start3A_972, %dma_start3A_979] : memref<2x4x200xi32, #tpu.memory_space<vmem>> -> memref<1x1x40xi32, #tpu.memory_space<vmem>>
        %dma_start3A_981 = tpu.memref_squeeze %dma_start3A_980 : memref<1x1x40xi32, #tpu.memory_space<vmem>> -> memref<40xi32, #tpu.memory_space<vmem>>
        %dma_start3A_982 = arith.constant 0 : i32
        %dma_start3A_983 = arith.constant 0 : i32
        %dma_start3A_984 = tpu.memref_slice %arg4[%dma_start3A_982, %dma_start3A_983] : memref<1000000x64xf32, #tpu.memory_space<hbm>> -> memref<1000000x64xf32, #tpu.memory_space<hbm>>
        tpu.enqueue_indirect_dma source(%dma_start3A_984 : memref<1000000x64xf32, #tpu.memory_space<hbm>>) target(%dma_start3A_978 : memref<40x64xf32, #tpu.memory_space<vmem>>) offsets(%dma_start3A_981 : memref<40xi32, #tpu.memory_space<vmem>>) semaphore(%arg10 : memref<!tpu.dma_semaphore, #tpu.memory_space<semaphore_mem>>)
        %dma_start3A_985 = arith.constant 1 : i32
        %dma_start3A_986 = arith.constant 0 : i32
        %dma_start3A_987 = arith.constant 1 : i32
        %dma_start3A_988 = arith.constant 0 : i32
        %dma_start3A_989 = arith.constant 80 : i32
        %dma_start3A_990 = arith.constant 0 : i32
        %dma_start3A_991 = tpu.memref_slice %arg7[%dma_start3A_987, %dma_start3A_988, %dma_start3A_989, %dma_start3A_990] : memref<2x4x200x64xf32, #tpu.memory_space<vmem>> -> memref<1x1x40x64xf32, #tpu.memory_space<vmem>>
        %dma_start3A_992 = tpu.memref_squeeze %dma_start3A_991 : memref<1x1x40x64xf32, #tpu.memory_space<vmem>> -> memref<40x64xf32, #tpu.memory_space<vmem>>
        %dma_start3A_993 = arith.constant 80 : i32
        %dma_start3A_994 = tpu.memref_slice %arg6[%dma_start3A_985, %dma_start3A_986, %dma_start3A_993] : memref<2x4x200xi32, #tpu.memory_space<vmem>> -> memref<1x1x40xi32, #tpu.memory_space<vmem>>
        %dma_start3A_995 = tpu.memref_squeeze %dma_start3A_994 : memref<1x1x40xi32, #tpu.memory_space<vmem>> -> memref<40xi32, #tpu.memory_space<vmem>>
        %dma_start3A_996 = arith.constant 0 : i32
        %dma_start3A_997 = arith.constant 0 : i32
        %dma_start3A_998 = tpu.memref_slice %arg4[%dma_start3A_996, %dma_start3A_997] : memref<1000000x64xf32, #tpu.memory_space<hbm>> -> memref<1000000x64xf32, #tpu.memory_space<hbm>>
        tpu.enqueue_indirect_dma source(%dma_start3A_998 : memref<1000000x64xf32, #tpu.memory_space<hbm>>) target(%dma_start3A_992 : memref<40x64xf32, #tpu.memory_space<vmem>>) offsets(%dma_start3A_995 : memref<40xi32, #tpu.memory_space<vmem>>) semaphore(%arg10 : memref<!tpu.dma_semaphore, #tpu.memory_space<semaphore_mem>>)
        %dma_start3A_999 = arith.constant 1 : i32
        %dma_start3A_1000 = arith.constant 0 : i32
        %dma_start3A_1001 = arith.constant 1 : i32
        %dma_start3A_1002 = arith.constant 0 : i32
        %dma_start3A_1003 = arith.constant 120 : i32
        %dma_start3A_1004 = arith.constant 0 : i32
        %dma_start3A_1005 = tpu.memref_slice %arg7[%dma_start3A_1001, %dma_start3A_1002, %dma_start3A_1003, %dma_start3A_1004] : memref<2x4x200x64xf32, #tpu.memory_space<vmem>> -> memref<1x1x40x64xf32, #tpu.memory_space<vmem>>
        %dma_start3A_1006 = tpu.memref_squeeze %dma_start3A_1005 : memref<1x1x40x64xf32, #tpu.memory_space<vmem>> -> memref<40x64xf32, #tpu.memory_space<vmem>>
        %dma_start3A_1007 = arith.constant 120 : i32
        %dma_start3A_1008 = tpu.memref_slice %arg6[%dma_start3A_999, %dma_start3A_1000, %dma_start3A_1007] : memref<2x4x200xi32, #tpu.memory_space<vmem>> -> memref<1x1x40xi32, #tpu.memory_space<vmem>>
        %dma_start3A_1009 = tpu.memref_squeeze %dma_start3A_1008 : memref<1x1x40xi32, #tpu.memory_space<vmem>> -> memref<40xi32, #tpu.memory_space<vmem>>
        %dma_start3A_1010 = arith.constant 0 : i32
        %dma_start3A_1011 = arith.constant 0 : i32
        %dma_start3A_1012 = tpu.memref_slice %arg4[%dma_start3A_1010, %dma_start3A_1011] : memref<1000000x64xf32, #tpu.memory_space<hbm>> -> memref<1000000x64xf32, #tpu.memory_space<hbm>>
        tpu.enqueue_indirect_dma source(%dma_start3A_1012 : memref<1000000x64xf32, #tpu.memory_space<hbm>>) target(%dma_start3A_1006 : memref<40x64xf32, #tpu.memory_space<vmem>>) offsets(%dma_start3A_1009 : memref<40xi32, #tpu.memory_space<vmem>>) semaphore(%arg10 : memref<!tpu.dma_semaphore, #tpu.memory_space<semaphore_mem>>)
        %dma_start3A_1013 = arith.constant 1 : i32
        %dma_start3A_1014 = arith.constant 0 : i32
        %dma_start3A_1015 = arith.constant 1 : i32
        %dma_start3A_1016 = arith.constant 0 : i32
        %dma_start3A_1017 = arith.constant 160 : i32
        %dma_start3A_1018 = arith.constant 0 : i32
        %dma_start3A_1019 = tpu.memref_slice %arg7[%dma_start3A_1015, %dma_start3A_1016, %dma_start3A_1017, %dma_start3A_1018] : memref<2x4x200x64xf32, #tpu.memory_space<vmem>> -> memref<1x1x40x64xf32, #tpu.memory_space<vmem>>
        %dma_start3A_1020 = tpu.memref_squeeze %dma_start3A_1019 : memref<1x1x40x64xf32, #tpu.memory_space<vmem>> -> memref<40x64xf32, #tpu.memory_space<vmem>>
        %dma_start3A_1021 = arith.constant 160 : i32
        %dma_start3A_1022 = tpu.memref_slice %arg6[%dma_start3A_1013, %dma_start3A_1014, %dma_start3A_1021] : memref<2x4x200xi32, #tpu.memory_space<vmem>> -> memref<1x1x40xi32, #tpu.memory_space<vmem>>
        %dma_start3A_1023 = tpu.memref_squeeze %dma_start3A_1022 : memref<1x1x40xi32, #tpu.memory_space<vmem>> -> memref<40xi32, #tpu.memory_space<vmem>>
        %dma_start3A_1024 = arith.constant 0 : i32
        %dma_start3A_1025 = arith.constant 0 : i32
        %dma_start3A_1026 = tpu.memref_slice %arg4[%dma_start3A_1024, %dma_start3A_1025] : memref<1000000x64xf32, #tpu.memory_space<hbm>> -> memref<1000000x64xf32, #tpu.memory_space<hbm>>
        tpu.enqueue_indirect_dma source(%dma_start3A_1026 : memref<1000000x64xf32, #tpu.memory_space<hbm>>) target(%dma_start3A_1020 : memref<40x64xf32, #tpu.memory_space<vmem>>) offsets(%dma_start3A_1023 : memref<40xi32, #tpu.memory_space<vmem>>) semaphore(%arg10 : memref<!tpu.dma_semaphore, #tpu.memory_space<semaphore_mem>>)
        %dma_start3A_1027 = arith.constant 1 : i32
        %dma_start3A_1028 = arith.constant 1 : i32
        %dma_start3A_1029 = arith.constant 1 : i32
        %dma_start3A_1030 = arith.constant 1 : i32
        %dma_start3A_1031 = arith.constant 0 : i32
        %dma_start3A_1032 = arith.constant 0 : i32
        %dma_start3A_1033 = tpu.memref_slice %arg7[%dma_start3A_1029, %dma_start3A_1030, %dma_start3A_1031, %dma_start3A_1032] : memref<2x4x200x64xf32, #tpu.memory_space<vmem>> -> memref<1x1x40x64xf32, #tpu.memory_space<vmem>>
        %dma_start3A_1034 = tpu.memref_squeeze %dma_start3A_1033 : memref<1x1x40x64xf32, #tpu.memory_space<vmem>> -> memref<40x64xf32, #tpu.memory_space<vmem>>
        %dma_start3A_1035 = arith.constant 0 : i32
        %dma_start3A_1036 = tpu.memref_slice %arg6[%dma_start3A_1027, %dma_start3A_1028, %dma_start3A_1035] : memref<2x4x200xi32, #tpu.memory_space<vmem>> -> memref<1x1x40xi32, #tpu.memory_space<vmem>>
        %dma_start3A_1037 = tpu.memref_squeeze %dma_start3A_1036 : memref<1x1x40xi32, #tpu.memory_space<vmem>> -> memref<40xi32, #tpu.memory_space<vmem>>
        %dma_start3A_1038 = arith.constant 0 : i32
        %dma_start3A_1039 = arith.constant 0 : i32
        %dma_start3A_1040 = tpu.memref_slice %arg4[%dma_start3A_1038, %dma_start3A_1039] : memref<1000000x64xf32, #tpu.memory_space<hbm>> -> memref<1000000x64xf32, #tpu.memory_space<hbm>>
        tpu.enqueue_indirect_dma source(%dma_start3A_1040 : memref<1000000x64xf32, #tpu.memory_space<hbm>>) target(%dma_start3A_1034 : memref<40x64xf32, #tpu.memory_space<vmem>>) offsets(%dma_start3A_1037 : memref<40xi32, #tpu.memory_space<vmem>>) semaphore(%arg10 : memref<!tpu.dma_semaphore, #tpu.memory_space<semaphore_mem>>)
        %dma_start3A_1041 = arith.constant 1 : i32
        %dma_start3A_1042 = arith.constant 1 : i32
        %dma_start3A_1043 = arith.constant 1 : i32
        %dma_start3A_1044 = arith.constant 1 : i32
        %dma_start3A_1045 = arith.constant 40 : i32
        %dma_start3A_1046 = arith.constant 0 : i32
        %dma_start3A_1047 = tpu.memref_slice %arg7[%dma_start3A_1043, %dma_start3A_1044, %dma_start3A_1045, %dma_start3A_1046] : memref<2x4x200x64xf32, #tpu.memory_space<vmem>> -> memref<1x1x40x64xf32, #tpu.memory_space<vmem>>
        %dma_start3A_1048 = tpu.memref_squeeze %dma_start3A_1047 : memref<1x1x40x64xf32, #tpu.memory_space<vmem>> -> memref<40x64xf32, #tpu.memory_space<vmem>>
        %dma_start3A_1049 = arith.constant 40 : i32
        %dma_start3A_1050 = tpu.memref_slice %arg6[%dma_start3A_1041, %dma_start3A_1042, %dma_start3A_1049] : memref<2x4x200xi32, #tpu.memory_space<vmem>> -> memref<1x1x40xi32, #tpu.memory_space<vmem>>
        %dma_start3A_1051 = tpu.memref_squeeze %dma_start3A_1050 : memref<1x1x40xi32, #tpu.memory_space<vmem>> -> memref<40xi32, #tpu.memory_space<vmem>>
        %dma_start3A_1052 = arith.constant 0 : i32
        %dma_start3A_1053 = arith.constant 0 : i32
        %dma_start3A_1054 = tpu.memref_slice %arg4[%dma_start3A_1052, %dma_start3A_1053] : memref<1000000x64xf32, #tpu.memory_space<hbm>> -> memref<1000000x64xf32, #tpu.memory_space<hbm>>
        tpu.enqueue_indirect_dma source(%dma_start3A_1054 : memref<1000000x64xf32, #tpu.memory_space<hbm>>) target(%dma_start3A_1048 : memref<40x64xf32, #tpu.memory_space<vmem>>) offsets(%dma_start3A_1051 : memref<40xi32, #tpu.memory_space<vmem>>) semaphore(%arg10 : memref<!tpu.dma_semaphore, #tpu.memory_space<semaphore_mem>>)
        %dma_start3A_1055 = arith.constant 1 : i32
        %dma_start3A_1056 = arith.constant 1 : i32
        %dma_start3A_1057 = arith.constant 1 : i32
        %dma_start3A_1058 = arith.constant 1 : i32
        %dma_start3A_1059 = arith.constant 80 : i32
        %dma_start3A_1060 = arith.constant 0 : i32
        %dma_start3A_1061 = tpu.memref_slice %arg7[%dma_start3A_1057, %dma_start3A_1058, %dma_start3A_1059, %dma_start3A_1060] : memref<2x4x200x64xf32, #tpu.memory_space<vmem>> -> memref<1x1x40x64xf32, #tpu.memory_space<vmem>>
        %dma_start3A_1062 = tpu.memref_squeeze %dma_start3A_1061 : memref<1x1x40x64xf32, #tpu.memory_space<vmem>> -> memref<40x64xf32, #tpu.memory_space<vmem>>
        %dma_start3A_1063 = arith.constant 80 : i32
        %dma_start3A_1064 = tpu.memref_slice %arg6[%dma_start3A_1055, %dma_start3A_1056, %dma_start3A_1063] : memref<2x4x200xi32, #tpu.memory_space<vmem>> -> memref<1x1x40xi32, #tpu.memory_space<vmem>>
        %dma_start3A_1065 = tpu.memref_squeeze %dma_start3A_1064 : memref<1x1x40xi32, #tpu.memory_space<vmem>> -> memref<40xi32, #tpu.memory_space<vmem>>
        %dma_start3A_1066 = arith.constant 0 : i32
        %dma_start3A_1067 = arith.constant 0 : i32
        %dma_start3A_1068 = tpu.memref_slice %arg4[%dma_start3A_1066, %dma_start3A_1067] : memref<1000000x64xf32, #tpu.memory_space<hbm>> -> memref<1000000x64xf32, #tpu.memory_space<hbm>>
        tpu.enqueue_indirect_dma source(%dma_start3A_1068 : memref<1000000x64xf32, #tpu.memory_space<hbm>>) target(%dma_start3A_1062 : memref<40x64xf32, #tpu.memory_space<vmem>>) offsets(%dma_start3A_1065 : memref<40xi32, #tpu.memory_space<vmem>>) semaphore(%arg10 : memref<!tpu.dma_semaphore, #tpu.memory_space<semaphore_mem>>)
        %dma_start3A_1069 = arith.constant 1 : i32
        %dma_start3A_1070 = arith.constant 1 : i32
        %dma_start3A_1071 = arith.constant 1 : i32
        %dma_start3A_1072 = arith.constant 1 : i32
        %dma_start3A_1073 = arith.constant 120 : i32
        %dma_start3A_1074 = arith.constant 0 : i32
        %dma_start3A_1075 = tpu.memref_slice %arg7[%dma_start3A_1071, %dma_start3A_1072, %dma_start3A_1073, %dma_start3A_1074] : memref<2x4x200x64xf32, #tpu.memory_space<vmem>> -> memref<1x1x40x64xf32, #tpu.memory_space<vmem>>
        %dma_start3A_1076 = tpu.memref_squeeze %dma_start3A_1075 : memref<1x1x40x64xf32, #tpu.memory_space<vmem>> -> memref<40x64xf32, #tpu.memory_space<vmem>>
        %dma_start3A_1077 = arith.constant 120 : i32
        %dma_start3A_1078 = tpu.memref_slice %arg6[%dma_start3A_1069, %dma_start3A_1070, %dma_start3A_1077] : memref<2x4x200xi32, #tpu.memory_space<vmem>> -> memref<1x1x40xi32, #tpu.memory_space<vmem>>
        %dma_start3A_1079 = tpu.memref_squeeze %dma_start3A_1078 : memref<1x1x40xi32, #tpu.memory_space<vmem>> -> memref<40xi32, #tpu.memory_space<vmem>>
        %dma_start3A_1080 = arith.constant 0 : i32
        %dma_start3A_1081 = arith.constant 0 : i32
        %dma_start3A_1082 = tpu.memref_slice %arg4[%dma_start3A_1080, %dma_start3A_1081] : memref<1000000x64xf32, #tpu.memory_space<hbm>> -> memref<1000000x64xf32, #tpu.memory_space<hbm>>
        tpu.enqueue_indirect_dma source(%dma_start3A_1082 : memref<1000000x64xf32, #tpu.memory_space<hbm>>) target(%dma_start3A_1076 : memref<40x64xf32, #tpu.memory_space<vmem>>) offsets(%dma_start3A_1079 : memref<40xi32, #tpu.memory_space<vmem>>) semaphore(%arg10 : memref<!tpu.dma_semaphore, #tpu.memory_space<semaphore_mem>>)
        %dma_start3A_1083 = arith.constant 1 : i32
        %dma_start3A_1084 = arith.constant 1 : i32
        %dma_start3A_1085 = arith.constant 1 : i32
        %dma_start3A_1086 = arith.constant 1 : i32
        %dma_start3A_1087 = arith.constant 160 : i32
        %dma_start3A_1088 = arith.constant 0 : i32
        %dma_start3A_1089 = tpu.memref_slice %arg7[%dma_start3A_1085, %dma_start3A_1086, %dma_start3A_1087, %dma_start3A_1088] : memref<2x4x200x64xf32, #tpu.memory_space<vmem>> -> memref<1x1x40x64xf32, #tpu.memory_space<vmem>>
        %dma_start3A_1090 = tpu.memref_squeeze %dma_start3A_1089 : memref<1x1x40x64xf32, #tpu.memory_space<vmem>> -> memref<40x64xf32, #tpu.memory_space<vmem>>
        %dma_start3A_1091 = arith.constant 160 : i32
        %dma_start3A_1092 = tpu.memref_slice %arg6[%dma_start3A_1083, %dma_start3A_1084, %dma_start3A_1091] : memref<2x4x200xi32, #tpu.memory_space<vmem>> -> memref<1x1x40xi32, #tpu.memory_space<vmem>>
        %dma_start3A_1093 = tpu.memref_squeeze %dma_start3A_1092 : memref<1x1x40xi32, #tpu.memory_space<vmem>> -> memref<40xi32, #tpu.memory_space<vmem>>
        %dma_start3A_1094 = arith.constant 0 : i32
        %dma_start3A_1095 = arith.constant 0 : i32
        %dma_start3A_1096 = tpu.memref_slice %arg4[%dma_start3A_1094, %dma_start3A_1095] : memref<1000000x64xf32, #tpu.memory_space<hbm>> -> memref<1000000x64xf32, #tpu.memory_space<hbm>>
        tpu.enqueue_indirect_dma source(%dma_start3A_1096 : memref<1000000x64xf32, #tpu.memory_space<hbm>>) target(%dma_start3A_1090 : memref<40x64xf32, #tpu.memory_space<vmem>>) offsets(%dma_start3A_1093 : memref<40xi32, #tpu.memory_space<vmem>>) semaphore(%arg10 : memref<!tpu.dma_semaphore, #tpu.memory_space<semaphore_mem>>)
        %dma_start3A_1097 = arith.constant 1 : i32
        %dma_start3A_1098 = arith.constant 2 : i32
        %dma_start3A_1099 = arith.constant 1 : i32
        %dma_start3A_1100 = arith.constant 2 : i32
        %dma_start3A_1101 = arith.constant 0 : i32
        %dma_start3A_1102 = arith.constant 0 : i32
        %dma_start3A_1103 = tpu.memref_slice %arg7[%dma_start3A_1099, %dma_start3A_1100, %dma_start3A_1101, %dma_start3A_1102] : memref<2x4x200x64xf32, #tpu.memory_space<vmem>> -> memref<1x1x40x64xf32, #tpu.memory_space<vmem>>
        %dma_start3A_1104 = tpu.memref_squeeze %dma_start3A_1103 : memref<1x1x40x64xf32, #tpu.memory_space<vmem>> -> memref<40x64xf32, #tpu.memory_space<vmem>>
        %dma_start3A_1105 = arith.constant 0 : i32
        %dma_start3A_1106 = tpu.memref_slice %arg6[%dma_start3A_1097, %dma_start3A_1098, %dma_start3A_1105] : memref<2x4x200xi32, #tpu.memory_space<vmem>> -> memref<1x1x40xi32, #tpu.memory_space<vmem>>
        %dma_start3A_1107 = tpu.memref_squeeze %dma_start3A_1106 : memref<1x1x40xi32, #tpu.memory_space<vmem>> -> memref<40xi32, #tpu.memory_space<vmem>>
        %dma_start3A_1108 = arith.constant 0 : i32
        %dma_start3A_1109 = arith.constant 0 : i32
        %dma_start3A_1110 = tpu.memref_slice %arg4[%dma_start3A_1108, %dma_start3A_1109] : memref<1000000x64xf32, #tpu.memory_space<hbm>> -> memref<1000000x64xf32, #tpu.memory_space<hbm>>
        tpu.enqueue_indirect_dma source(%dma_start3A_1110 : memref<1000000x64xf32, #tpu.memory_space<hbm>>) target(%dma_start3A_1104 : memref<40x64xf32, #tpu.memory_space<vmem>>) offsets(%dma_start3A_1107 : memref<40xi32, #tpu.memory_space<vmem>>) semaphore(%arg10 : memref<!tpu.dma_semaphore, #tpu.memory_space<semaphore_mem>>)
        %dma_start3A_1111 = arith.constant 1 : i32
        %dma_start3A_1112 = arith.constant 2 : i32
        %dma_start3A_1113 = arith.constant 1 : i32
        %dma_start3A_1114 = arith.constant 2 : i32
        %dma_start3A_1115 = arith.constant 40 : i32
        %dma_start3A_1116 = arith.constant 0 : i32
        %dma_start3A_1117 = tpu.memref_slice %arg7[%dma_start3A_1113, %dma_start3A_1114, %dma_start3A_1115, %dma_start3A_1116] : memref<2x4x200x64xf32, #tpu.memory_space<vmem>> -> memref<1x1x40x64xf32, #tpu.memory_space<vmem>>
        %dma_start3A_1118 = tpu.memref_squeeze %dma_start3A_1117 : memref<1x1x40x64xf32, #tpu.memory_space<vmem>> -> memref<40x64xf32, #tpu.memory_space<vmem>>
        %dma_start3A_1119 = arith.constant 40 : i32
        %dma_start3A_1120 = tpu.memref_slice %arg6[%dma_start3A_1111, %dma_start3A_1112, %dma_start3A_1119] : memref<2x4x200xi32, #tpu.memory_space<vmem>> -> memref<1x1x40xi32, #tpu.memory_space<vmem>>
        %dma_start3A_1121 = tpu.memref_squeeze %dma_start3A_1120 : memref<1x1x40xi32, #tpu.memory_space<vmem>> -> memref<40xi32, #tpu.memory_space<vmem>>
        %dma_start3A_1122 = arith.constant 0 : i32
        %dma_start3A_1123 = arith.constant 0 : i32
        %dma_start3A_1124 = tpu.memref_slice %arg4[%dma_start3A_1122, %dma_start3A_1123] : memref<1000000x64xf32, #tpu.memory_space<hbm>> -> memref<1000000x64xf32, #tpu.memory_space<hbm>>
        tpu.enqueue_indirect_dma source(%dma_start3A_1124 : memref<1000000x64xf32, #tpu.memory_space<hbm>>) target(%dma_start3A_1118 : memref<40x64xf32, #tpu.memory_space<vmem>>) offsets(%dma_start3A_1121 : memref<40xi32, #tpu.memory_space<vmem>>) semaphore(%arg10 : memref<!tpu.dma_semaphore, #tpu.memory_space<semaphore_mem>>)
        %dma_start3A_1125 = arith.constant 1 : i32
        %dma_start3A_1126 = arith.constant 2 : i32
        %dma_start3A_1127 = arith.constant 1 : i32
        %dma_start3A_1128 = arith.constant 2 : i32
        %dma_start3A_1129 = arith.constant 80 : i32
        %dma_start3A_1130 = arith.constant 0 : i32
        %dma_start3A_1131 = tpu.memref_slice %arg7[%dma_start3A_1127, %dma_start3A_1128, %dma_start3A_1129, %dma_start3A_1130] : memref<2x4x200x64xf32, #tpu.memory_space<vmem>> -> memref<1x1x40x64xf32, #tpu.memory_space<vmem>>
        %dma_start3A_1132 = tpu.memref_squeeze %dma_start3A_1131 : memref<1x1x40x64xf32, #tpu.memory_space<vmem>> -> memref<40x64xf32, #tpu.memory_space<vmem>>
        %dma_start3A_1133 = arith.constant 80 : i32
        %dma_start3A_1134 = tpu.memref_slice %arg6[%dma_start3A_1125, %dma_start3A_1126, %dma_start3A_1133] : memref<2x4x200xi32, #tpu.memory_space<vmem>> -> memref<1x1x40xi32, #tpu.memory_space<vmem>>
        %dma_start3A_1135 = tpu.memref_squeeze %dma_start3A_1134 : memref<1x1x40xi32, #tpu.memory_space<vmem>> -> memref<40xi32, #tpu.memory_space<vmem>>
        %dma_start3A_1136 = arith.constant 0 : i32
        %dma_start3A_1137 = arith.constant 0 : i32
        %dma_start3A_1138 = tpu.memref_slice %arg4[%dma_start3A_1136, %dma_start3A_1137] : memref<1000000x64xf32, #tpu.memory_space<hbm>> -> memref<1000000x64xf32, #tpu.memory_space<hbm>>
        tpu.enqueue_indirect_dma source(%dma_start3A_1138 : memref<1000000x64xf32, #tpu.memory_space<hbm>>) target(%dma_start3A_1132 : memref<40x64xf32, #tpu.memory_space<vmem>>) offsets(%dma_start3A_1135 : memref<40xi32, #tpu.memory_space<vmem>>) semaphore(%arg10 : memref<!tpu.dma_semaphore, #tpu.memory_space<semaphore_mem>>)
        %dma_start3A_1139 = arith.constant 1 : i32
        %dma_start3A_1140 = arith.constant 2 : i32
        %dma_start3A_1141 = arith.constant 1 : i32
        %dma_start3A_1142 = arith.constant 2 : i32
        %dma_start3A_1143 = arith.constant 120 : i32
        %dma_start3A_1144 = arith.constant 0 : i32
        %dma_start3A_1145 = tpu.memref_slice %arg7[%dma_start3A_1141, %dma_start3A_1142, %dma_start3A_1143, %dma_start3A_1144] : memref<2x4x200x64xf32, #tpu.memory_space<vmem>> -> memref<1x1x40x64xf32, #tpu.memory_space<vmem>>
        %dma_start3A_1146 = tpu.memref_squeeze %dma_start3A_1145 : memref<1x1x40x64xf32, #tpu.memory_space<vmem>> -> memref<40x64xf32, #tpu.memory_space<vmem>>
        %dma_start3A_1147 = arith.constant 120 : i32
        %dma_start3A_1148 = tpu.memref_slice %arg6[%dma_start3A_1139, %dma_start3A_1140, %dma_start3A_1147] : memref<2x4x200xi32, #tpu.memory_space<vmem>> -> memref<1x1x40xi32, #tpu.memory_space<vmem>>
        %dma_start3A_1149 = tpu.memref_squeeze %dma_start3A_1148 : memref<1x1x40xi32, #tpu.memory_space<vmem>> -> memref<40xi32, #tpu.memory_space<vmem>>
        %dma_start3A_1150 = arith.constant 0 : i32
        %dma_start3A_1151 = arith.constant 0 : i32
        %dma_start3A_1152 = tpu.memref_slice %arg4[%dma_start3A_1150, %dma_start3A_1151] : memref<1000000x64xf32, #tpu.memory_space<hbm>> -> memref<1000000x64xf32, #tpu.memory_space<hbm>>
        tpu.enqueue_indirect_dma source(%dma_start3A_1152 : memref<1000000x64xf32, #tpu.memory_space<hbm>>) target(%dma_start3A_1146 : memref<40x64xf32, #tpu.memory_space<vmem>>) offsets(%dma_start3A_1149 : memref<40xi32, #tpu.memory_space<vmem>>) semaphore(%arg10 : memref<!tpu.dma_semaphore, #tpu.memory_space<semaphore_mem>>)
        %dma_start3A_1153 = arith.constant 1 : i32
        %dma_start3A_1154 = arith.constant 2 : i32
        %dma_start3A_1155 = arith.constant 1 : i32
        %dma_start3A_1156 = arith.constant 2 : i32
        %dma_start3A_1157 = arith.constant 160 : i32
        %dma_start3A_1158 = arith.constant 0 : i32
        %dma_start3A_1159 = tpu.memref_slice %arg7[%dma_start3A_1155, %dma_start3A_1156, %dma_start3A_1157, %dma_start3A_1158] : memref<2x4x200x64xf32, #tpu.memory_space<vmem>> -> memref<1x1x40x64xf32, #tpu.memory_space<vmem>>
        %dma_start3A_1160 = tpu.memref_squeeze %dma_start3A_1159 : memref<1x1x40x64xf32, #tpu.memory_space<vmem>> -> memref<40x64xf32, #tpu.memory_space<vmem>>
        %dma_start3A_1161 = arith.constant 160 : i32
        %dma_start3A_1162 = tpu.memref_slice %arg6[%dma_start3A_1153, %dma_start3A_1154, %dma_start3A_1161] : memref<2x4x200xi32, #tpu.memory_space<vmem>> -> memref<1x1x40xi32, #tpu.memory_space<vmem>>
        %dma_start3A_1163 = tpu.memref_squeeze %dma_start3A_1162 : memref<1x1x40xi32, #tpu.memory_space<vmem>> -> memref<40xi32, #tpu.memory_space<vmem>>
        %dma_start3A_1164 = arith.constant 0 : i32
        %dma_start3A_1165 = arith.constant 0 : i32
        %dma_start3A_1166 = tpu.memref_slice %arg4[%dma_start3A_1164, %dma_start3A_1165] : memref<1000000x64xf32, #tpu.memory_space<hbm>> -> memref<1000000x64xf32, #tpu.memory_space<hbm>>
        tpu.enqueue_indirect_dma source(%dma_start3A_1166 : memref<1000000x64xf32, #tpu.memory_space<hbm>>) target(%dma_start3A_1160 : memref<40x64xf32, #tpu.memory_space<vmem>>) offsets(%dma_start3A_1163 : memref<40xi32, #tpu.memory_space<vmem>>) semaphore(%arg10 : memref<!tpu.dma_semaphore, #tpu.memory_space<semaphore_mem>>)
        %dma_start3A_1167 = arith.constant 1 : i32
        %dma_start3A_1168 = arith.constant 3 : i32
        %dma_start3A_1169 = arith.constant 1 : i32
        %dma_start3A_1170 = arith.constant 3 : i32
        %dma_start3A_1171 = arith.constant 0 : i32
        %dma_start3A_1172 = arith.constant 0 : i32
        %dma_start3A_1173 = tpu.memref_slice %arg7[%dma_start3A_1169, %dma_start3A_1170, %dma_start3A_1171, %dma_start3A_1172] : memref<2x4x200x64xf32, #tpu.memory_space<vmem>> -> memref<1x1x40x64xf32, #tpu.memory_space<vmem>>
        %dma_start3A_1174 = tpu.memref_squeeze %dma_start3A_1173 : memref<1x1x40x64xf32, #tpu.memory_space<vmem>> -> memref<40x64xf32, #tpu.memory_space<vmem>>
        %dma_start3A_1175 = arith.constant 0 : i32
        %dma_start3A_1176 = tpu.memref_slice %arg6[%dma_start3A_1167, %dma_start3A_1168, %dma_start3A_1175] : memref<2x4x200xi32, #tpu.memory_space<vmem>> -> memref<1x1x40xi32, #tpu.memory_space<vmem>>
        %dma_start3A_1177 = tpu.memref_squeeze %dma_start3A_1176 : memref<1x1x40xi32, #tpu.memory_space<vmem>> -> memref<40xi32, #tpu.memory_space<vmem>>
        %dma_start3A_1178 = arith.constant 0 : i32
        %dma_start3A_1179 = arith.constant 0 : i32
        %dma_start3A_1180 = tpu.memref_slice %arg4[%dma_start3A_1178, %dma_start3A_1179] : memref<1000000x64xf32, #tpu.memory_space<hbm>> -> memref<1000000x64xf32, #tpu.memory_space<hbm>>
        tpu.enqueue_indirect_dma source(%dma_start3A_1180 : memref<1000000x64xf32, #tpu.memory_space<hbm>>) target(%dma_start3A_1174 : memref<40x64xf32, #tpu.memory_space<vmem>>) offsets(%dma_start3A_1177 : memref<40xi32, #tpu.memory_space<vmem>>) semaphore(%arg10 : memref<!tpu.dma_semaphore, #tpu.memory_space<semaphore_mem>>)
        %dma_start3A_1181 = arith.constant 1 : i32
        %dma_start3A_1182 = arith.constant 3 : i32
        %dma_start3A_1183 = arith.constant 1 : i32
        %dma_start3A_1184 = arith.constant 3 : i32
        %dma_start3A_1185 = arith.constant 40 : i32
        %dma_start3A_1186 = arith.constant 0 : i32
        %dma_start3A_1187 = tpu.memref_slice %arg7[%dma_start3A_1183, %dma_start3A_1184, %dma_start3A_1185, %dma_start3A_1186] : memref<2x4x200x64xf32, #tpu.memory_space<vmem>> -> memref<1x1x40x64xf32, #tpu.memory_space<vmem>>
        %dma_start3A_1188 = tpu.memref_squeeze %dma_start3A_1187 : memref<1x1x40x64xf32, #tpu.memory_space<vmem>> -> memref<40x64xf32, #tpu.memory_space<vmem>>
        %dma_start3A_1189 = arith.constant 40 : i32
        %dma_start3A_1190 = tpu.memref_slice %arg6[%dma_start3A_1181, %dma_start3A_1182, %dma_start3A_1189] : memref<2x4x200xi32, #tpu.memory_space<vmem>> -> memref<1x1x40xi32, #tpu.memory_space<vmem>>
        %dma_start3A_1191 = tpu.memref_squeeze %dma_start3A_1190 : memref<1x1x40xi32, #tpu.memory_space<vmem>> -> memref<40xi32, #tpu.memory_space<vmem>>
        %dma_start3A_1192 = arith.constant 0 : i32
        %dma_start3A_1193 = arith.constant 0 : i32
        %dma_start3A_1194 = tpu.memref_slice %arg4[%dma_start3A_1192, %dma_start3A_1193] : memref<1000000x64xf32, #tpu.memory_space<hbm>> -> memref<1000000x64xf32, #tpu.memory_space<hbm>>
        tpu.enqueue_indirect_dma source(%dma_start3A_1194 : memref<1000000x64xf32, #tpu.memory_space<hbm>>) target(%dma_start3A_1188 : memref<40x64xf32, #tpu.memory_space<vmem>>) offsets(%dma_start3A_1191 : memref<40xi32, #tpu.memory_space<vmem>>) semaphore(%arg10 : memref<!tpu.dma_semaphore, #tpu.memory_space<semaphore_mem>>)
        %dma_start3A_1195 = arith.constant 1 : i32
        %dma_start3A_1196 = arith.constant 3 : i32
        %dma_start3A_1197 = arith.constant 1 : i32
        %dma_start3A_1198 = arith.constant 3 : i32
        %dma_start3A_1199 = arith.constant 80 : i32
        %dma_start3A_1200 = arith.constant 0 : i32
        %dma_start3A_1201 = tpu.memref_slice %arg7[%dma_start3A_1197, %dma_start3A_1198, %dma_start3A_1199, %dma_start3A_1200] : memref<2x4x200x64xf32, #tpu.memory_space<vmem>> -> memref<1x1x40x64xf32, #tpu.memory_space<vmem>>
        %dma_start3A_1202 = tpu.memref_squeeze %dma_start3A_1201 : memref<1x1x40x64xf32, #tpu.memory_space<vmem>> -> memref<40x64xf32, #tpu.memory_space<vmem>>
        %dma_start3A_1203 = arith.constant 80 : i32
        %dma_start3A_1204 = tpu.memref_slice %arg6[%dma_start3A_1195, %dma_start3A_1196, %dma_start3A_1203] : memref<2x4x200xi32, #tpu.memory_space<vmem>> -> memref<1x1x40xi32, #tpu.memory_space<vmem>>
        %dma_start3A_1205 = tpu.memref_squeeze %dma_start3A_1204 : memref<1x1x40xi32, #tpu.memory_space<vmem>> -> memref<40xi32, #tpu.memory_space<vmem>>
        %dma_start3A_1206 = arith.constant 0 : i32
        %dma_start3A_1207 = arith.constant 0 : i32
        %dma_start3A_1208 = tpu.memref_slice %arg4[%dma_start3A_1206, %dma_start3A_1207] : memref<1000000x64xf32, #tpu.memory_space<hbm>> -> memref<1000000x64xf32, #tpu.memory_space<hbm>>
        tpu.enqueue_indirect_dma source(%dma_start3A_1208 : memref<1000000x64xf32, #tpu.memory_space<hbm>>) target(%dma_start3A_1202 : memref<40x64xf32, #tpu.memory_space<vmem>>) offsets(%dma_start3A_1205 : memref<40xi32, #tpu.memory_space<vmem>>) semaphore(%arg10 : memref<!tpu.dma_semaphore, #tpu.memory_space<semaphore_mem>>)
        %dma_start3A_1209 = arith.constant 1 : i32
        %dma_start3A_1210 = arith.constant 3 : i32
        %dma_start3A_1211 = arith.constant 1 : i32
        %dma_start3A_1212 = arith.constant 3 : i32
        %dma_start3A_1213 = arith.constant 120 : i32
        %dma_start3A_1214 = arith.constant 0 : i32
        %dma_start3A_1215 = tpu.memref_slice %arg7[%dma_start3A_1211, %dma_start3A_1212, %dma_start3A_1213, %dma_start3A_1214] : memref<2x4x200x64xf32, #tpu.memory_space<vmem>> -> memref<1x1x40x64xf32, #tpu.memory_space<vmem>>
        %dma_start3A_1216 = tpu.memref_squeeze %dma_start3A_1215 : memref<1x1x40x64xf32, #tpu.memory_space<vmem>> -> memref<40x64xf32, #tpu.memory_space<vmem>>
        %dma_start3A_1217 = arith.constant 120 : i32
        %dma_start3A_1218 = tpu.memref_slice %arg6[%dma_start3A_1209, %dma_start3A_1210, %dma_start3A_1217] : memref<2x4x200xi32, #tpu.memory_space<vmem>> -> memref<1x1x40xi32, #tpu.memory_space<vmem>>
        %dma_start3A_1219 = tpu.memref_squeeze %dma_start3A_1218 : memref<1x1x40xi32, #tpu.memory_space<vmem>> -> memref<40xi32, #tpu.memory_space<vmem>>
        %dma_start3A_1220 = arith.constant 0 : i32
        %dma_start3A_1221 = arith.constant 0 : i32
        %dma_start3A_1222 = tpu.memref_slice %arg4[%dma_start3A_1220, %dma_start3A_1221] : memref<1000000x64xf32, #tpu.memory_space<hbm>> -> memref<1000000x64xf32, #tpu.memory_space<hbm>>
        tpu.enqueue_indirect_dma source(%dma_start3A_1222 : memref<1000000x64xf32, #tpu.memory_space<hbm>>) target(%dma_start3A_1216 : memref<40x64xf32, #tpu.memory_space<vmem>>) offsets(%dma_start3A_1219 : memref<40xi32, #tpu.memory_space<vmem>>) semaphore(%arg10 : memref<!tpu.dma_semaphore, #tpu.memory_space<semaphore_mem>>)
        %dma_start3A_1223 = arith.constant 1 : i32
        %dma_start3A_1224 = arith.constant 3 : i32
        %dma_start3A_1225 = arith.constant 1 : i32
        %dma_start3A_1226 = arith.constant 3 : i32
        %dma_start3A_1227 = arith.constant 160 : i32
        %dma_start3A_1228 = arith.constant 0 : i32
        %dma_start3A_1229 = tpu.memref_slice %arg7[%dma_start3A_1225, %dma_start3A_1226, %dma_start3A_1227, %dma_start3A_1228] : memref<2x4x200x64xf32, #tpu.memory_space<vmem>> -> memref<1x1x40x64xf32, #tpu.memory_space<vmem>>
        %dma_start3A_1230 = tpu.memref_squeeze %dma_start3A_1229 : memref<1x1x40x64xf32, #tpu.memory_space<vmem>> -> memref<40x64xf32, #tpu.memory_space<vmem>>
        %dma_start3A_1231 = arith.constant 160 : i32
        %dma_start3A_1232 = tpu.memref_slice %arg6[%dma_start3A_1223, %dma_start3A_1224, %dma_start3A_1231] : memref<2x4x200xi32, #tpu.memory_space<vmem>> -> memref<1x1x40xi32, #tpu.memory_space<vmem>>
        %dma_start3A_1233 = tpu.memref_squeeze %dma_start3A_1232 : memref<1x1x40xi32, #tpu.memory_space<vmem>> -> memref<40xi32, #tpu.memory_space<vmem>>
        %dma_start3A_1234 = arith.constant 0 : i32
        %dma_start3A_1235 = arith.constant 0 : i32
        %dma_start3A_1236 = tpu.memref_slice %arg4[%dma_start3A_1234, %dma_start3A_1235] : memref<1000000x64xf32, #tpu.memory_space<hbm>> -> memref<1000000x64xf32, #tpu.memory_space<hbm>>
        tpu.enqueue_indirect_dma source(%dma_start3A_1236 : memref<1000000x64xf32, #tpu.memory_space<hbm>>) target(%dma_start3A_1230 : memref<40x64xf32, #tpu.memory_space<vmem>>) offsets(%dma_start3A_1233 : memref<40xi32, #tpu.memory_space<vmem>>) semaphore(%arg10 : memref<!tpu.dma_semaphore, #tpu.memory_space<semaphore_mem>>)
      } else {
      }
      %scan3A_605 = arith.constant 0 : i32
      %scan3A_606 = arith.constant 0 : i32
      %scan3A_607 = arith.constant 200 : i32
      %scan3A_608 = arith.addi %scan3A_606, %scan3A_607 : i32
      %scan3A_609 = arith.constant 1 : i32
      scf.for %scan3A_952 = %scan3A_606 to %scan3A_608 step %scan3A_609  : i32 {
        %get3A = arith.constant 0 : i32
        %get3A_953 = arith.constant 0 : i32
        %get3A_954 = arith.index_cast %get3A : i32 to index
        %get3A_955 = arith.index_cast %get3A_953 : i32 to index
        %get3A_956 = arith.index_cast %scan3A_952 : i32 to index
        %get3A_957 = arith.constant 0 : index
        %get3A_958 = tpu.vector_load %arg7[%get3A_954, %get3A_955, %get3A_956, %get3A_957] {strides = array<i32>} : memref<2x4x200x64xf32, #tpu.memory_space<vmem>>, vector<1x1x1x16xf32>,
        %get3A_959 = vector.shape_cast %get3A_958 : vector<1x1x1x16xf32> to vector<16xf32>
        %get3A_960 = arith.index_cast %scan3A_952 : i32 to index
        %get3A_961 = arith.constant 0 : index
        %get3A_962 = tpu.vector_load %arg8[%get3A_960, %get3A_961] {strides = array<i32>} : memref<200x64xf32, #tpu.memory_space<vmem>>, vector<1x16xf32>,
        %get3A_963 = vector.shape_cast %get3A_962 : vector<1x16xf32> to vector<16xf32>
        %add3A_964 = arith.addf %get3A_959, %get3A_963 : vector<16xf32>
        %swap3A = arith.constant 0 : i32
        %swap3A_965 = arith.constant 0 : i32
        %swap3A_966 = arith.index_cast %swap3A : i32 to index
        %swap3A_967 = arith.index_cast %swap3A_965 : i32 to index
        %swap3A_968 = arith.index_cast %scan3A_952 : i32 to index
        %swap3A_969 = arith.constant 0 : index
        %swap3A_970 = tpu.vector_load %arg7[%swap3A_966, %swap3A_967, %swap3A_968, %swap3A_969] {strides = array<i32>} : memref<2x4x200x64xf32, #tpu.memory_space<vmem>>, vector<1x1x1x16xf32>,
        %swap3A_971 = vector.shape_cast %swap3A_970 : vector<1x1x1x16xf32> to vector<16xf32>
        %swap3A_972 = vector.shape_cast %add3A_964 : vector<16xf32> to vector<1x1x1x16xf32>
        tpu.vector_store %arg7[%swap3A_966, %swap3A_967, %swap3A_968, %swap3A_969], %swap3A_972 {strides = array<i32>} : memref<2x4x200x64xf32, #tpu.memory_space<vmem>>, vector<1x1x1x16xf32>,
        %get3A_973 = arith.constant 0 : i32
        %get3A_974 = arith.constant 0 : i32
        %get3A_975 = arith.index_cast %get3A_973 : i32 to index
        %get3A_976 = arith.index_cast %get3A_974 : i32 to index
        %get3A_977 = arith.index_cast %scan3A_952 : i32 to index
        %get3A_978 = arith.constant 16 : index
        %get3A_979 = tpu.vector_load %arg7[%get3A_975, %get3A_976, %get3A_977, %get3A_978] {strides = array<i32>} : memref<2x4x200x64xf32, #tpu.memory_space<vmem>>, vector<1x1x1x16xf32>,
        %get3A_980 = vector.shape_cast %get3A_979 : vector<1x1x1x16xf32> to vector<16xf32>
        %get3A_981 = arith.index_cast %scan3A_952 : i32 to index
        %get3A_982 = arith.constant 16 : index
        %get3A_983 = tpu.vector_load %arg8[%get3A_981, %get3A_982] {strides = array<i32>} : memref<200x64xf32, #tpu.memory_space<vmem>>, vector<1x16xf32>,
        %get3A_984 = vector.shape_cast %get3A_983 : vector<1x16xf32> to vector<16xf32>
        %add3A_985 = arith.addf %get3A_980, %get3A_984 : vector<16xf32>
        %swap3A_986 = arith.constant 0 : i32
        %swap3A_987 = arith.constant 0 : i32
        %swap3A_988 = arith.index_cast %swap3A_986 : i32 to index
        %swap3A_989 = arith.index_cast %swap3A_987 : i32 to index
        %swap3A_990 = arith.index_cast %scan3A_952 : i32 to index
        %swap3A_991 = arith.constant 16 : index
        %swap3A_992 = tpu.vector_load %arg7[%swap3A_988, %swap3A_989, %swap3A_990, %swap3A_991] {strides = array<i32>} : memref<2x4x200x64xf32, #tpu.memory_space<vmem>>, vector<1x1x1x16xf32>,
        %swap3A_993 = vector.shape_cast %swap3A_992 : vector<1x1x1x16xf32> to vector<16xf32>
        %swap3A_994 = vector.shape_cast %add3A_985 : vector<16xf32> to vector<1x1x1x16xf32>
        tpu.vector_store %arg7[%swap3A_988, %swap3A_989, %swap3A_990, %swap3A_991], %swap3A_994 {strides = array<i32>} : memref<2x4x200x64xf32, #tpu.memory_space<vmem>>, vector<1x1x1x16xf32>,
        %get3A_995 = arith.constant 0 : i32
        %get3A_996 = arith.constant 0 : i32
        %get3A_997 = arith.index_cast %get3A_995 : i32 to index
        %get3A_998 = arith.index_cast %get3A_996 : i32 to index
        %get3A_999 = arith.index_cast %scan3A_952 : i32 to index
        %get3A_1000 = arith.constant 32 : index
        %get3A_1001 = tpu.vector_load %arg7[%get3A_997, %get3A_998, %get3A_999, %get3A_1000] {strides = array<i32>} : memref<2x4x200x64xf32, #tpu.memory_space<vmem>>, vector<1x1x1x16xf32>,
        %get3A_1002 = vector.shape_cast %get3A_1001 : vector<1x1x1x16xf32> to vector<16xf32>
        %get3A_1003 = arith.index_cast %scan3A_952 : i32 to index
        %get3A_1004 = arith.constant 32 : index
        %get3A_1005 = tpu.vector_load %arg8[%get3A_1003, %get3A_1004] {strides = array<i32>} : memref<200x64xf32, #tpu.memory_space<vmem>>, vector<1x16xf32>,
        %get3A_1006 = vector.shape_cast %get3A_1005 : vector<1x16xf32> to vector<16xf32>
        %add3A_1007 = arith.addf %get3A_1002, %get3A_1006 : vector<16xf32>
        %swap3A_1008 = arith.constant 0 : i32
        %swap3A_1009 = arith.constant 0 : i32
        %swap3A_1010 = arith.index_cast %swap3A_1008 : i32 to index
        %swap3A_1011 = arith.index_cast %swap3A_1009 : i32 to index
        %swap3A_1012 = arith.index_cast %scan3A_952 : i32 to index
        %swap3A_1013 = arith.constant 32 : index
        %swap3A_1014 = tpu.vector_load %arg7[%swap3A_1010, %swap3A_1011, %swap3A_1012, %swap3A_1013] {strides = array<i32>} : memref<2x4x200x64xf32, #tpu.memory_space<vmem>>, vector<1x1x1x16xf32>,
        %swap3A_1015 = vector.shape_cast %swap3A_1014 : vector<1x1x1x16xf32> to vector<16xf32>
        %swap3A_1016 = vector.shape_cast %add3A_1007 : vector<16xf32> to vector<1x1x1x16xf32>
        tpu.vector_store %arg7[%swap3A_1010, %swap3A_1011, %swap3A_1012, %swap3A_1013], %swap3A_1016 {strides = array<i32>} : memref<2x4x200x64xf32, #tpu.memory_space<vmem>>, vector<1x1x1x16xf32>,
        %get3A_1017 = arith.constant 0 : i32
        %get3A_1018 = arith.constant 0 : i32
        %get3A_1019 = arith.index_cast %get3A_1017 : i32 to index
        %get3A_1020 = arith.index_cast %get3A_1018 : i32 to index
        %get3A_1021 = arith.index_cast %scan3A_952 : i32 to index
        %get3A_1022 = arith.constant 48 : index
        %get3A_1023 = tpu.vector_load %arg7[%get3A_1019, %get3A_1020, %get3A_1021, %get3A_1022] {strides = array<i32>} : memref<2x4x200x64xf32, #tpu.memory_space<vmem>>, vector<1x1x1x16xf32>,
        %get3A_1024 = vector.shape_cast %get3A_1023 : vector<1x1x1x16xf32> to vector<16xf32>
        %get3A_1025 = arith.index_cast %scan3A_952 : i32 to index
        %get3A_1026 = arith.constant 48 : index
        %get3A_1027 = tpu.vector_load %arg8[%get3A_1025, %get3A_1026] {strides = array<i32>} : memref<200x64xf32, #tpu.memory_space<vmem>>, vector<1x16xf32>,
        %get3A_1028 = vector.shape_cast %get3A_1027 : vector<1x16xf32> to vector<16xf32>
        %add3A_1029 = arith.addf %get3A_1024, %get3A_1028 : vector<16xf32>
        %swap3A_1030 = arith.constant 0 : i32
        %swap3A_1031 = arith.constant 0 : i32
        %swap3A_1032 = arith.index_cast %swap3A_1030 : i32 to index
        %swap3A_1033 = arith.index_cast %swap3A_1031 : i32 to index
        %swap3A_1034 = arith.index_cast %scan3A_952 : i32 to index
        %swap3A_1035 = arith.constant 48 : index
        %swap3A_1036 = tpu.vector_load %arg7[%swap3A_1032, %swap3A_1033, %swap3A_1034, %swap3A_1035] {strides = array<i32>} : memref<2x4x200x64xf32, #tpu.memory_space<vmem>>, vector<1x1x1x16xf32>,
        %swap3A_1037 = vector.shape_cast %swap3A_1036 : vector<1x1x1x16xf32> to vector<16xf32>
        %swap3A_1038 = vector.shape_cast %add3A_1029 : vector<16xf32> to vector<1x1x1x16xf32>
        tpu.vector_store %arg7[%swap3A_1032, %swap3A_1033, %swap3A_1034, %swap3A_1035], %swap3A_1038 {strides = array<i32>} : memref<2x4x200x64xf32, #tpu.memory_space<vmem>>, vector<1x1x1x16xf32>,
        %get3A_1039 = arith.constant 0 : i32
        %get3A_1040 = arith.constant 1 : i32
        %get3A_1041 = arith.index_cast %get3A_1039 : i32 to index
        %get3A_1042 = arith.index_cast %get3A_1040 : i32 to index
        %get3A_1043 = arith.index_cast %scan3A_952 : i32 to index
        %get3A_1044 = arith.constant 0 : index
        %get3A_1045 = tpu.vector_load %arg7[%get3A_1041, %get3A_1042, %get3A_1043, %get3A_1044] {strides = array<i32>} : memref<2x4x200x64xf32, #tpu.memory_space<vmem>>, vector<1x1x1x16xf32>,
        %get3A_1046 = vector.shape_cast %get3A_1045 : vector<1x1x1x16xf32> to vector<16xf32>
        %get3A_1047 = arith.index_cast %scan3A_952 : i32 to index
        %get3A_1048 = arith.constant 0 : index
        %get3A_1049 = tpu.vector_load %arg8[%get3A_1047, %get3A_1048] {strides = array<i32>} : memref<200x64xf32, #tpu.memory_space<vmem>>, vector<1x16xf32>,
        %get3A_1050 = vector.shape_cast %get3A_1049 : vector<1x16xf32> to vector<16xf32>
        %add3A_1051 = arith.addf %get3A_1046, %get3A_1050 : vector<16xf32>
        %swap3A_1052 = arith.constant 0 : i32
        %swap3A_1053 = arith.constant 1 : i32
        %swap3A_1054 = arith.index_cast %swap3A_1052 : i32 to index
        %swap3A_1055 = arith.index_cast %swap3A_1053 : i32 to index
        %swap3A_1056 = arith.index_cast %scan3A_952 : i32 to index
        %swap3A_1057 = arith.constant 0 : index
        %swap3A_1058 = tpu.vector_load %arg7[%swap3A_1054, %swap3A_1055, %swap3A_1056, %swap3A_1057] {strides = array<i32>} : memref<2x4x200x64xf32, #tpu.memory_space<vmem>>, vector<1x1x1x16xf32>,
        %swap3A_1059 = vector.shape_cast %swap3A_1058 : vector<1x1x1x16xf32> to vector<16xf32>
        %swap3A_1060 = vector.shape_cast %add3A_1051 : vector<16xf32> to vector<1x1x1x16xf32>
        tpu.vector_store %arg7[%swap3A_1054, %swap3A_1055, %swap3A_1056, %swap3A_1057], %swap3A_1060 {strides = array<i32>} : memref<2x4x200x64xf32, #tpu.memory_space<vmem>>, vector<1x1x1x16xf32>,
        %get3A_1061 = arith.constant 0 : i32
        %get3A_1062 = arith.constant 1 : i32
        %get3A_1063 = arith.index_cast %get3A_1061 : i32 to index
        %get3A_1064 = arith.index_cast %get3A_1062 : i32 to index
        %get3A_1065 = arith.index_cast %scan3A_952 : i32 to index
        %get3A_1066 = arith.constant 16 : index
        %get3A_1067 = tpu.vector_load %arg7[%get3A_1063, %get3A_1064, %get3A_1065, %get3A_1066] {strides = array<i32>} : memref<2x4x200x64xf32, #tpu.memory_space<vmem>>, vector<1x1x1x16xf32>,
        %get3A_1068 = vector.shape_cast %get3A_1067 : vector<1x1x1x16xf32> to vector<16xf32>
        %get3A_1069 = arith.index_cast %scan3A_952 : i32 to index
        %get3A_1070 = arith.constant 16 : index
        %get3A_1071 = tpu.vector_load %arg8[%get3A_1069, %get3A_1070] {strides = array<i32>} : memref<200x64xf32, #tpu.memory_space<vmem>>, vector<1x16xf32>,
        %get3A_1072 = vector.shape_cast %get3A_1071 : vector<1x16xf32> to vector<16xf32>
        %add3A_1073 = arith.addf %get3A_1068, %get3A_1072 : vector<16xf32>
        %swap3A_1074 = arith.constant 0 : i32
        %swap3A_1075 = arith.constant 1 : i32
        %swap3A_1076 = arith.index_cast %swap3A_1074 : i32 to index
        %swap3A_1077 = arith.index_cast %swap3A_1075 : i32 to index
        %swap3A_1078 = arith.index_cast %scan3A_952 : i32 to index
        %swap3A_1079 = arith.constant 16 : index
        %swap3A_1080 = tpu.vector_load %arg7[%swap3A_1076, %swap3A_1077, %swap3A_1078, %swap3A_1079] {strides = array<i32>} : memref<2x4x200x64xf32, #tpu.memory_space<vmem>>, vector<1x1x1x16xf32>,
        %swap3A_1081 = vector.shape_cast %swap3A_1080 : vector<1x1x1x16xf32> to vector<16xf32>
        %swap3A_1082 = vector.shape_cast %add3A_1073 : vector<16xf32> to vector<1x1x1x16xf32>
        tpu.vector_store %arg7[%swap3A_1076, %swap3A_1077, %swap3A_1078, %swap3A_1079], %swap3A_1082 {strides = array<i32>} : memref<2x4x200x64xf32, #tpu.memory_space<vmem>>, vector<1x1x1x16xf32>,
        %get3A_1083 = arith.constant 0 : i32
        %get3A_1084 = arith.constant 1 : i32
        %get3A_1085 = arith.index_cast %get3A_1083 : i32 to index
        %get3A_1086 = arith.index_cast %get3A_1084 : i32 to index
        %get3A_1087 = arith.index_cast %scan3A_952 : i32 to index
        %get3A_1088 = arith.constant 32 : index
        %get3A_1089 = tpu.vector_load %arg7[%get3A_1085, %get3A_1086, %get3A_1087, %get3A_1088] {strides = array<i32>} : memref<2x4x200x64xf32, #tpu.memory_space<vmem>>, vector<1x1x1x16xf32>,
        %get3A_1090 = vector.shape_cast %get3A_1089 : vector<1x1x1x16xf32> to vector<16xf32>
        %get3A_1091 = arith.index_cast %scan3A_952 : i32 to index
        %get3A_1092 = arith.constant 32 : index
        %get3A_1093 = tpu.vector_load %arg8[%get3A_1091, %get3A_1092] {strides = array<i32>} : memref<200x64xf32, #tpu.memory_space<vmem>>, vector<1x16xf32>,
        %get3A_1094 = vector.shape_cast %get3A_1093 : vector<1x16xf32> to vector<16xf32>
        %add3A_1095 = arith.addf %get3A_1090, %get3A_1094 : vector<16xf32>
        %swap3A_1096 = arith.constant 0 : i32
        %swap3A_1097 = arith.constant 1 : i32
        %swap3A_1098 = arith.index_cast %swap3A_1096 : i32 to index
        %swap3A_1099 = arith.index_cast %swap3A_1097 : i32 to index
        %swap3A_1100 = arith.index_cast %scan3A_952 : i32 to index
        %swap3A_1101 = arith.constant 32 : index
        %swap3A_1102 = tpu.vector_load %arg7[%swap3A_1098, %swap3A_1099, %swap3A_1100, %swap3A_1101] {strides = array<i32>} : memref<2x4x200x64xf32, #tpu.memory_space<vmem>>, vector<1x1x1x16xf32>,
        %swap3A_1103 = vector.shape_cast %swap3A_1102 : vector<1x1x1x16xf32> to vector<16xf32>
        %swap3A_1104 = vector.shape_cast %add3A_1095 : vector<16xf32> to vector<1x1x1x16xf32>
        tpu.vector_store %arg7[%swap3A_1098, %swap3A_1099, %swap3A_1100, %swap3A_1101], %swap3A_1104 {strides = array<i32>} : memref<2x4x200x64xf32, #tpu.memory_space<vmem>>, vector<1x1x1x16xf32>,
        %get3A_1105 = arith.constant 0 : i32
        %get3A_1106 = arith.constant 1 : i32
        %get3A_1107 = arith.index_cast %get3A_1105 : i32 to index
        %get3A_1108 = arith.index_cast %get3A_1106 : i32 to index
        %get3A_1109 = arith.index_cast %scan3A_952 : i32 to index
        %get3A_1110 = arith.constant 48 : index
        %get3A_1111 = tpu.vector_load %arg7[%get3A_1107, %get3A_1108, %get3A_1109, %get3A_1110] {strides = array<i32>} : memref<2x4x200x64xf32, #tpu.memory_space<vmem>>, vector<1x1x1x16xf32>,
        %get3A_1112 = vector.shape_cast %get3A_1111 : vector<1x1x1x16xf32> to vector<16xf32>
        %get3A_1113 = arith.index_cast %scan3A_952 : i32 to index
        %get3A_1114 = arith.constant 48 : index
        %get3A_1115 = tpu.vector_load %arg8[%get3A_1113, %get3A_1114] {strides = array<i32>} : memref<200x64xf32, #tpu.memory_space<vmem>>, vector<1x16xf32>,
        %get3A_1116 = vector.shape_cast %get3A_1115 : vector<1x16xf32> to vector<16xf32>
        %add3A_1117 = arith.addf %get3A_1112, %get3A_1116 : vector<16xf32>
        %swap3A_1118 = arith.constant 0 : i32
        %swap3A_1119 = arith.constant 1 : i32
        %swap3A_1120 = arith.index_cast %swap3A_1118 : i32 to index
        %swap3A_1121 = arith.index_cast %swap3A_1119 : i32 to index
        %swap3A_1122 = arith.index_cast %scan3A_952 : i32 to index
        %swap3A_1123 = arith.constant 48 : index
        %swap3A_1124 = tpu.vector_load %arg7[%swap3A_1120, %swap3A_1121, %swap3A_1122, %swap3A_1123] {strides = array<i32>} : memref<2x4x200x64xf32, #tpu.memory_space<vmem>>, vector<1x1x1x16xf32>,
        %swap3A_1125 = vector.shape_cast %swap3A_1124 : vector<1x1x1x16xf32> to vector<16xf32>
        %swap3A_1126 = vector.shape_cast %add3A_1117 : vector<16xf32> to vector<1x1x1x16xf32>
        tpu.vector_store %arg7[%swap3A_1120, %swap3A_1121, %swap3A_1122, %swap3A_1123], %swap3A_1126 {strides = array<i32>} : memref<2x4x200x64xf32, #tpu.memory_space<vmem>>, vector<1x1x1x16xf32>,
        %get3A_1127 = arith.constant 0 : i32
        %get3A_1128 = arith.constant 2 : i32
        %get3A_1129 = arith.index_cast %get3A_1127 : i32 to index
        %get3A_1130 = arith.index_cast %get3A_1128 : i32 to index
        %get3A_1131 = arith.index_cast %scan3A_952 : i32 to index
        %get3A_1132 = arith.constant 0 : index
        %get3A_1133 = tpu.vector_load %arg7[%get3A_1129, %get3A_1130, %get3A_1131, %get3A_1132] {strides = array<i32>} : memref<2x4x200x64xf32, #tpu.memory_space<vmem>>, vector<1x1x1x16xf32>,
        %get3A_1134 = vector.shape_cast %get3A_1133 : vector<1x1x1x16xf32> to vector<16xf32>
        %get3A_1135 = arith.index_cast %scan3A_952 : i32 to index
        %get3A_1136 = arith.constant 0 : index
        %get3A_1137 = tpu.vector_load %arg8[%get3A_1135, %get3A_1136] {strides = array<i32>} : memref<200x64xf32, #tpu.memory_space<vmem>>, vector<1x16xf32>,
        %get3A_1138 = vector.shape_cast %get3A_1137 : vector<1x16xf32> to vector<16xf32>
        %add3A_1139 = arith.addf %get3A_1134, %get3A_1138 : vector<16xf32>
        %swap3A_1140 = arith.constant 0 : i32
        %swap3A_1141 = arith.constant 2 : i32
        %swap3A_1142 = arith.index_cast %swap3A_1140 : i32 to index
        %swap3A_1143 = arith.index_cast %swap3A_1141 : i32 to index
        %swap3A_1144 = arith.index_cast %scan3A_952 : i32 to index
        %swap3A_1145 = arith.constant 0 : index
        %swap3A_1146 = tpu.vector_load %arg7[%swap3A_1142, %swap3A_1143, %swap3A_1144, %swap3A_1145] {strides = array<i32>} : memref<2x4x200x64xf32, #tpu.memory_space<vmem>>, vector<1x1x1x16xf32>,
        %swap3A_1147 = vector.shape_cast %swap3A_1146 : vector<1x1x1x16xf32> to vector<16xf32>
        %swap3A_1148 = vector.shape_cast %add3A_1139 : vector<16xf32> to vector<1x1x1x16xf32>
        tpu.vector_store %arg7[%swap3A_1142, %swap3A_1143, %swap3A_1144, %swap3A_1145], %swap3A_1148 {strides = array<i32>} : memref<2x4x200x64xf32, #tpu.memory_space<vmem>>, vector<1x1x1x16xf32>,
        %get3A_1149 = arith.constant 0 : i32
        %get3A_1150 = arith.constant 2 : i32
        %get3A_1151 = arith.index_cast %get3A_1149 : i32 to index
        %get3A_1152 = arith.index_cast %get3A_1150 : i32 to index
        %get3A_1153 = arith.index_cast %scan3A_952 : i32 to index
        %get3A_1154 = arith.constant 16 : index
        %get3A_1155 = tpu.vector_load %arg7[%get3A_1151, %get3A_1152, %get3A_1153, %get3A_1154] {strides = array<i32>} : memref<2x4x200x64xf32, #tpu.memory_space<vmem>>, vector<1x1x1x16xf32>,
        %get3A_1156 = vector.shape_cast %get3A_1155 : vector<1x1x1x16xf32> to vector<16xf32>
        %get3A_1157 = arith.index_cast %scan3A_952 : i32 to index
        %get3A_1158 = arith.constant 16 : index
        %get3A_1159 = tpu.vector_load %arg8[%get3A_1157, %get3A_1158] {strides = array<i32>} : memref<200x64xf32, #tpu.memory_space<vmem>>, vector<1x16xf32>,
        %get3A_1160 = vector.shape_cast %get3A_1159 : vector<1x16xf32> to vector<16xf32>
        %add3A_1161 = arith.addf %get3A_1156, %get3A_1160 : vector<16xf32>
        %swap3A_1162 = arith.constant 0 : i32
        %swap3A_1163 = arith.constant 2 : i32
        %swap3A_1164 = arith.index_cast %swap3A_1162 : i32 to index
        %swap3A_1165 = arith.index_cast %swap3A_1163 : i32 to index
        %swap3A_1166 = arith.index_cast %scan3A_952 : i32 to index
        %swap3A_1167 = arith.constant 16 : index
        %swap3A_1168 = tpu.vector_load %arg7[%swap3A_1164, %swap3A_1165, %swap3A_1166, %swap3A_1167] {strides = array<i32>} : memref<2x4x200x64xf32, #tpu.memory_space<vmem>>, vector<1x1x1x16xf32>,
        %swap3A_1169 = vector.shape_cast %swap3A_1168 : vector<1x1x1x16xf32> to vector<16xf32>
        %swap3A_1170 = vector.shape_cast %add3A_1161 : vector<16xf32> to vector<1x1x1x16xf32>
        tpu.vector_store %arg7[%swap3A_1164, %swap3A_1165, %swap3A_1166, %swap3A_1167], %swap3A_1170 {strides = array<i32>} : memref<2x4x200x64xf32, #tpu.memory_space<vmem>>, vector<1x1x1x16xf32>,
        %get3A_1171 = arith.constant 0 : i32
        %get3A_1172 = arith.constant 2 : i32
        %get3A_1173 = arith.index_cast %get3A_1171 : i32 to index
        %get3A_1174 = arith.index_cast %get3A_1172 : i32 to index
        %get3A_1175 = arith.index_cast %scan3A_952 : i32 to index
        %get3A_1176 = arith.constant 32 : index
        %get3A_1177 = tpu.vector_load %arg7[%get3A_1173, %get3A_1174, %get3A_1175, %get3A_1176] {strides = array<i32>} : memref<2x4x200x64xf32, #tpu.memory_space<vmem>>, vector<1x1x1x16xf32>,
        %get3A_1178 = vector.shape_cast %get3A_1177 : vector<1x1x1x16xf32> to vector<16xf32>
        %get3A_1179 = arith.index_cast %scan3A_952 : i32 to index
        %get3A_1180 = arith.constant 32 : index
        %get3A_1181 = tpu.vector_load %arg8[%get3A_1179, %get3A_1180] {strides = array<i32>} : memref<200x64xf32, #tpu.memory_space<vmem>>, vector<1x16xf32>,
        %get3A_1182 = vector.shape_cast %get3A_1181 : vector<1x16xf32> to vector<16xf32>
        %add3A_1183 = arith.addf %get3A_1178, %get3A_1182 : vector<16xf32>
        %swap3A_1184 = arith.constant 0 : i32
        %swap3A_1185 = arith.constant 2 : i32
        %swap3A_1186 = arith.index_cast %swap3A_1184 : i32 to index
        %swap3A_1187 = arith.index_cast %swap3A_1185 : i32 to index
        %swap3A_1188 = arith.index_cast %scan3A_952 : i32 to index
        %swap3A_1189 = arith.constant 32 : index
        %swap3A_1190 = tpu.vector_load %arg7[%swap3A_1186, %swap3A_1187, %swap3A_1188, %swap3A_1189] {strides = array<i32>} : memref<2x4x200x64xf32, #tpu.memory_space<vmem>>, vector<1x1x1x16xf32>,
        %swap3A_1191 = vector.shape_cast %swap3A_1190 : vector<1x1x1x16xf32> to vector<16xf32>
        %swap3A_1192 = vector.shape_cast %add3A_1183 : vector<16xf32> to vector<1x1x1x16xf32>
        tpu.vector_store %arg7[%swap3A_1186, %swap3A_1187, %swap3A_1188, %swap3A_1189], %swap3A_1192 {strides = array<i32>} : memref<2x4x200x64xf32, #tpu.memory_space<vmem>>, vector<1x1x1x16xf32>,
        %get3A_1193 = arith.constant 0 : i32
        %get3A_1194 = arith.constant 2 : i32
        %get3A_1195 = arith.index_cast %get3A_1193 : i32 to index
        %get3A_1196 = arith.index_cast %get3A_1194 : i32 to index
        %get3A_1197 = arith.index_cast %scan3A_952 : i32 to index
        %get3A_1198 = arith.constant 48 : index
        %get3A_1199 = tpu.vector_load %arg7[%get3A_1195, %get3A_1196, %get3A_1197, %get3A_1198] {strides = array<i32>} : memref<2x4x200x64xf32, #tpu.memory_space<vmem>>, vector<1x1x1x16xf32>,
        %get3A_1200 = vector.shape_cast %get3A_1199 : vector<1x1x1x16xf32> to vector<16xf32>
        %get3A_1201 = arith.index_cast %scan3A_952 : i32 to index
        %get3A_1202 = arith.constant 48 : index
        %get3A_1203 = tpu.vector_load %arg8[%get3A_1201, %get3A_1202] {strides = array<i32>} : memref<200x64xf32, #tpu.memory_space<vmem>>, vector<1x16xf32>,
        %get3A_1204 = vector.shape_cast %get3A_1203 : vector<1x16xf32> to vector<16xf32>
        %add3A_1205 = arith.addf %get3A_1200, %get3A_1204 : vector<16xf32>
        %swap3A_1206 = arith.constant 0 : i32
        %swap3A_1207 = arith.constant 2 : i32
        %swap3A_1208 = arith.index_cast %swap3A_1206 : i32 to index
        %swap3A_1209 = arith.index_cast %swap3A_1207 : i32 to index
        %swap3A_1210 = arith.index_cast %scan3A_952 : i32 to index
        %swap3A_1211 = arith.constant 48 : index
        %swap3A_1212 = tpu.vector_load %arg7[%swap3A_1208, %swap3A_1209, %swap3A_1210, %swap3A_1211] {strides = array<i32>} : memref<2x4x200x64xf32, #tpu.memory_space<vmem>>, vector<1x1x1x16xf32>,
        %swap3A_1213 = vector.shape_cast %swap3A_1212 : vector<1x1x1x16xf32> to vector<16xf32>
        %swap3A_1214 = vector.shape_cast %add3A_1205 : vector<16xf32> to vector<1x1x1x16xf32>
        tpu.vector_store %arg7[%swap3A_1208, %swap3A_1209, %swap3A_1210, %swap3A_1211], %swap3A_1214 {strides = array<i32>} : memref<2x4x200x64xf32, #tpu.memory_space<vmem>>, vector<1x1x1x16xf32>,
        %get3A_1215 = arith.constant 0 : i32
        %get3A_1216 = arith.constant 3 : i32
        %get3A_1217 = arith.index_cast %get3A_1215 : i32 to index
        %get3A_1218 = arith.index_cast %get3A_1216 : i32 to index
        %get3A_1219 = arith.index_cast %scan3A_952 : i32 to index
        %get3A_1220 = arith.constant 0 : index
        %get3A_1221 = tpu.vector_load %arg7[%get3A_1217, %get3A_1218, %get3A_1219, %get3A_1220] {strides = array<i32>} : memref<2x4x200x64xf32, #tpu.memory_space<vmem>>, vector<1x1x1x16xf32>,
        %get3A_1222 = vector.shape_cast %get3A_1221 : vector<1x1x1x16xf32> to vector<16xf32>
        %get3A_1223 = arith.index_cast %scan3A_952 : i32 to index
        %get3A_1224 = arith.constant 0 : index
        %get3A_1225 = tpu.vector_load %arg8[%get3A_1223, %get3A_1224] {strides = array<i32>} : memref<200x64xf32, #tpu.memory_space<vmem>>, vector<1x16xf32>,
        %get3A_1226 = vector.shape_cast %get3A_1225 : vector<1x16xf32> to vector<16xf32>
        %add3A_1227 = arith.addf %get3A_1222, %get3A_1226 : vector<16xf32>
        %swap3A_1228 = arith.constant 0 : i32
        %swap3A_1229 = arith.constant 3 : i32
        %swap3A_1230 = arith.index_cast %swap3A_1228 : i32 to index
        %swap3A_1231 = arith.index_cast %swap3A_1229 : i32 to index
        %swap3A_1232 = arith.index_cast %scan3A_952 : i32 to index
        %swap3A_1233 = arith.constant 0 : index
        %swap3A_1234 = tpu.vector_load %arg7[%swap3A_1230, %swap3A_1231, %swap3A_1232, %swap3A_1233] {strides = array<i32>} : memref<2x4x200x64xf32, #tpu.memory_space<vmem>>, vector<1x1x1x16xf32>,
        %swap3A_1235 = vector.shape_cast %swap3A_1234 : vector<1x1x1x16xf32> to vector<16xf32>
        %swap3A_1236 = vector.shape_cast %add3A_1227 : vector<16xf32> to vector<1x1x1x16xf32>
        tpu.vector_store %arg7[%swap3A_1230, %swap3A_1231, %swap3A_1232, %swap3A_1233], %swap3A_1236 {strides = array<i32>} : memref<2x4x200x64xf32, #tpu.memory_space<vmem>>, vector<1x1x1x16xf32>,
        %get3A_1237 = arith.constant 0 : i32
        %get3A_1238 = arith.constant 3 : i32
        %get3A_1239 = arith.index_cast %get3A_1237 : i32 to index
        %get3A_1240 = arith.index_cast %get3A_1238 : i32 to index
        %get3A_1241 = arith.index_cast %scan3A_952 : i32 to index
        %get3A_1242 = arith.constant 16 : index
        %get3A_1243 = tpu.vector_load %arg7[%get3A_1239, %get3A_1240, %get3A_1241, %get3A_1242] {strides = array<i32>} : memref<2x4x200x64xf32, #tpu.memory_space<vmem>>, vector<1x1x1x16xf32>,
        %get3A_1244 = vector.shape_cast %get3A_1243 : vector<1x1x1x16xf32> to vector<16xf32>
        %get3A_1245 = arith.index_cast %scan3A_952 : i32 to index
        %get3A_1246 = arith.constant 16 : index
        %get3A_1247 = tpu.vector_load %arg8[%get3A_1245, %get3A_1246] {strides = array<i32>} : memref<200x64xf32, #tpu.memory_space<vmem>>, vector<1x16xf32>,
        %get3A_1248 = vector.shape_cast %get3A_1247 : vector<1x16xf32> to vector<16xf32>
        %add3A_1249 = arith.addf %get3A_1244, %get3A_1248 : vector<16xf32>
        %swap3A_1250 = arith.constant 0 : i32
        %swap3A_1251 = arith.constant 3 : i32
        %swap3A_1252 = arith.index_cast %swap3A_1250 : i32 to index
        %swap3A_1253 = arith.index_cast %swap3A_1251 : i32 to index
        %swap3A_1254 = arith.index_cast %scan3A_952 : i32 to index
        %swap3A_1255 = arith.constant 16 : index
        %swap3A_1256 = tpu.vector_load %arg7[%swap3A_1252, %swap3A_1253, %swap3A_1254, %swap3A_1255] {strides = array<i32>} : memref<2x4x200x64xf32, #tpu.memory_space<vmem>>, vector<1x1x1x16xf32>,
        %swap3A_1257 = vector.shape_cast %swap3A_1256 : vector<1x1x1x16xf32> to vector<16xf32>
        %swap3A_1258 = vector.shape_cast %add3A_1249 : vector<16xf32> to vector<1x1x1x16xf32>
        tpu.vector_store %arg7[%swap3A_1252, %swap3A_1253, %swap3A_1254, %swap3A_1255], %swap3A_1258 {strides = array<i32>} : memref<2x4x200x64xf32, #tpu.memory_space<vmem>>, vector<1x1x1x16xf32>,
        %get3A_1259 = arith.constant 0 : i32
        %get3A_1260 = arith.constant 3 : i32
        %get3A_1261 = arith.index_cast %get3A_1259 : i32 to index
        %get3A_1262 = arith.index_cast %get3A_1260 : i32 to index
        %get3A_1263 = arith.index_cast %scan3A_952 : i32 to index
        %get3A_1264 = arith.constant 32 : index
        %get3A_1265 = tpu.vector_load %arg7[%get3A_1261, %get3A_1262, %get3A_1263, %get3A_1264] {strides = array<i32>} : memref<2x4x200x64xf32, #tpu.memory_space<vmem>>, vector<1x1x1x16xf32>,
        %get3A_1266 = vector.shape_cast %get3A_1265 : vector<1x1x1x16xf32> to vector<16xf32>
        %get3A_1267 = arith.index_cast %scan3A_952 : i32 to index
        %get3A_1268 = arith.constant 32 : index
        %get3A_1269 = tpu.vector_load %arg8[%get3A_1267, %get3A_1268] {strides = array<i32>} : memref<200x64xf32, #tpu.memory_space<vmem>>, vector<1x16xf32>,
        %get3A_1270 = vector.shape_cast %get3A_1269 : vector<1x16xf32> to vector<16xf32>
        %add3A_1271 = arith.addf %get3A_1266, %get3A_1270 : vector<16xf32>
        %swap3A_1272 = arith.constant 0 : i32
        %swap3A_1273 = arith.constant 3 : i32
        %swap3A_1274 = arith.index_cast %swap3A_1272 : i32 to index
        %swap3A_1275 = arith.index_cast %swap3A_1273 : i32 to index
        %swap3A_1276 = arith.index_cast %scan3A_952 : i32 to index
        %swap3A_1277 = arith.constant 32 : index
        %swap3A_1278 = tpu.vector_load %arg7[%swap3A_1274, %swap3A_1275, %swap3A_1276, %swap3A_1277] {strides = array<i32>} : memref<2x4x200x64xf32, #tpu.memory_space<vmem>>, vector<1x1x1x16xf32>,
        %swap3A_1279 = vector.shape_cast %swap3A_1278 : vector<1x1x1x16xf32> to vector<16xf32>
        %swap3A_1280 = vector.shape_cast %add3A_1271 : vector<16xf32> to vector<1x1x1x16xf32>
        tpu.vector_store %arg7[%swap3A_1274, %swap3A_1275, %swap3A_1276, %swap3A_1277], %swap3A_1280 {strides = array<i32>} : memref<2x4x200x64xf32, #tpu.memory_space<vmem>>, vector<1x1x1x16xf32>,
        %get3A_1281 = arith.constant 0 : i32
        %get3A_1282 = arith.constant 3 : i32
        %get3A_1283 = arith.index_cast %get3A_1281 : i32 to index
        %get3A_1284 = arith.index_cast %get3A_1282 : i32 to index
        %get3A_1285 = arith.index_cast %scan3A_952 : i32 to index
        %get3A_1286 = arith.constant 48 : index
        %get3A_1287 = tpu.vector_load %arg7[%get3A_1283, %get3A_1284, %get3A_1285, %get3A_1286] {strides = array<i32>} : memref<2x4x200x64xf32, #tpu.memory_space<vmem>>, vector<1x1x1x16xf32>,
        %get3A_1288 = vector.shape_cast %get3A_1287 : vector<1x1x1x16xf32> to vector<16xf32>
        %get3A_1289 = arith.index_cast %scan3A_952 : i32 to index
        %get3A_1290 = arith.constant 48 : index
        %get3A_1291 = tpu.vector_load %arg8[%get3A_1289, %get3A_1290] {strides = array<i32>} : memref<200x64xf32, #tpu.memory_space<vmem>>, vector<1x16xf32>,
        %get3A_1292 = vector.shape_cast %get3A_1291 : vector<1x16xf32> to vector<16xf32>
        %add3A_1293 = arith.addf %get3A_1288, %get3A_1292 : vector<16xf32>
        %swap3A_1294 = arith.constant 0 : i32
        %swap3A_1295 = arith.constant 3 : i32
        %swap3A_1296 = arith.index_cast %swap3A_1294 : i32 to index
        %swap3A_1297 = arith.index_cast %swap3A_1295 : i32 to index
        %swap3A_1298 = arith.index_cast %scan3A_952 : i32 to index
        %swap3A_1299 = arith.constant 48 : index
        %swap3A_1300 = tpu.vector_load %arg7[%swap3A_1296, %swap3A_1297, %swap3A_1298, %swap3A_1299] {strides = array<i32>} : memref<2x4x200x64xf32, #tpu.memory_space<vmem>>, vector<1x1x1x16xf32>,
        %swap3A_1301 = vector.shape_cast %swap3A_1300 : vector<1x1x1x16xf32> to vector<16xf32>
        %swap3A_1302 = vector.shape_cast %add3A_1293 : vector<16xf32> to vector<1x1x1x16xf32>
        tpu.vector_store %arg7[%swap3A_1296, %swap3A_1297, %swap3A_1298, %swap3A_1299], %swap3A_1302 {strides = array<i32>} : memref<2x4x200x64xf32, #tpu.memory_space<vmem>>, vector<1x1x1x16xf32>,
      }
      %scan3A_610 = arith.constant 200 : i32
      %mul3A_611 = arith.constant 4 : i32
      %mul3A_612 = arith.muli %add3A_316, %mul3A_611 : i32
      %dma_start3A_613 = arith.constant 0 : i32
      %dma_start3A_614 = arith.constant 0 : i32
      %dma_start3A_615 = arith.constant 0 : i32
      %dma_start3A_616 = arith.constant 0 : i32
      %dma_start3A_617 = tpu.memref_slice %arg7[%dma_start3A_613, %dma_start3A_614, %dma_start3A_615, %dma_start3A_616] : memref<2x4x200x64xf32, #tpu.memory_space<vmem>> -> memref<1x4x200x64xf32, #tpu.memory_space<vmem>>
      %dma_start3A_618 = tpu.memref_squeeze %dma_start3A_617 : memref<1x4x200x64xf32, #tpu.memory_space<vmem>> -> memref<4x200x64xf32, #tpu.memory_space<vmem>>
      %dma_start3A_619 = arith.constant 0 : i32
      %dma_start3A_620 = arith.constant 0 : i32
      %dma_start3A_621 = tpu.memref_slice %arg5[%mul3A_612, %dma_start3A_619, %dma_start3A_620] : memref<4096x200x128xf32, #tpu.memory_space<hbm>> -> memref<4x200x64xf32, #tpu.memory_space<hbm>>
      %dma_start3A_622 = arith.constant 0 : i32
      %dma_start3A_623 = arith.constant 0 : i32
      %dma_start3A_624 = tpu.memref_slice %arg5[%mul3A_612, %dma_start3A_622, %dma_start3A_623] : memref<4096x200x128xf32, #tpu.memory_space<hbm>> -> memref<4x200x64xf32, #tpu.memory_space<hbm>>
      %dma_start3A_625 = arith.constant 0 : i32
      %dma_start3A_626 = arith.constant 0 : i32
      %dma_start3A_627 = arith.constant 0 : i32
      %dma_start3A_628 = tpu.memref_slice %arg7[%dma_start3A_613, %dma_start3A_625, %dma_start3A_626, %dma_start3A_627] : memref<2x4x200x64xf32, #tpu.memory_space<vmem>> -> memref<1x4x200x64xf32, #tpu.memory_space<vmem>>
      %dma_start3A_629 = tpu.memref_squeeze %dma_start3A_628 : memref<1x4x200x64xf32, #tpu.memory_space<vmem>> -> memref<4x200x64xf32, #tpu.memory_space<vmem>>
      tpu.enqueue_dma source(%dma_start3A_629 : memref<4x200x64xf32, #tpu.memory_space<vmem>>) target(%dma_start3A_624 : memref<4x200x64xf32, #tpu.memory_space<hbm>>) target_semaphore(%arg11 : memref<!tpu.dma_semaphore, #tpu.memory_space<semaphore_mem>>)
      %mul3A_630 = arith.constant 2 : i32
      %mul3A_631 = arith.muli %mul3A_630, %scan3A_311 : i32
      %add3A_632 = arith.constant 1 : i32
      %add3A_633 = arith.addi %mul3A_631, %add3A_632 : i32
      %add3A_634 = arith.addi %mul3A_2, %add3A_633 : i32
      %dma_wait3A_635 = arith.constant 1 : i32
      %dma_wait3A_636 = arith.constant 0 : i32
      %dma_wait3A_637 = arith.constant 1 : i32
      %dma_wait3A_638 = arith.constant 0 : i32
      %dma_wait3A_639 = arith.constant 0 : i32
      %dma_wait3A_640 = arith.constant 0 : i32
      %dma_wait3A_641 = tpu.memref_slice %arg7[%dma_wait3A_637, %dma_wait3A_638, %dma_wait3A_639, %dma_wait3A_640] : memref<2x4x200x64xf32, #tpu.memory_space<vmem>> -> memref<1x1x40x64xf32, #tpu.memory_space<vmem>>
      %dma_wait3A_642 = tpu.memref_squeeze %dma_wait3A_641 : memref<1x1x40x64xf32, #tpu.memory_space<vmem>> -> memref<40x64xf32, #tpu.memory_space<vmem>>
      %dma_wait3A_643 = arith.constant 0 : i32
      %dma_wait3A_644 = tpu.memref_slice %arg6[%dma_wait3A_635, %dma_wait3A_636, %dma_wait3A_643] : memref<2x4x200xi32, #tpu.memory_space<vmem>> -> memref<1x1x40xi32, #tpu.memory_space<vmem>>
      %dma_wait3A_645 = tpu.memref_squeeze %dma_wait3A_644 : memref<1x1x40xi32, #tpu.memory_space<vmem>> -> memref<40xi32, #tpu.memory_space<vmem>>
      %dma_wait3A_646 = arith.constant 0 : i32
      %dma_wait3A_647 = arith.constant 0 : i32
      %dma_wait3A_648 = tpu.memref_slice %arg4[%dma_wait3A_646, %dma_wait3A_647] : memref<1000000x64xf32, #tpu.memory_space<hbm>> -> memref<1000000x64xf32, #tpu.memory_space<hbm>>
      tpu.wait_indirect_dma semaphore(%arg10 : memref<!tpu.dma_semaphore, #tpu.memory_space<semaphore_mem>>) src(%dma_wait3A_648 : memref<1000000x64xf32, #tpu.memory_space<hbm>>) dst(%dma_wait3A_642 : memref<40x64xf32, #tpu.memory_space<vmem>>)
      %dma_wait3A_649 = arith.constant 1 : i32
      %dma_wait3A_650 = arith.constant 0 : i32
      %dma_wait3A_651 = arith.constant 1 : i32
      %dma_wait3A_652 = arith.constant 0 : i32
      %dma_wait3A_653 = arith.constant 40 : i32
      %dma_wait3A_654 = arith.constant 0 : i32
      %dma_wait3A_655 = tpu.memref_slice %arg7[%dma_wait3A_651, %dma_wait3A_652, %dma_wait3A_653, %dma_wait3A_654] : memref<2x4x200x64xf32, #tpu.memory_space<vmem>> -> memref<1x1x40x64xf32, #tpu.memory_space<vmem>>
      %dma_wait3A_656 = tpu.memref_squeeze %dma_wait3A_655 : memref<1x1x40x64xf32, #tpu.memory_space<vmem>> -> memref<40x64xf32, #tpu.memory_space<vmem>>
      %dma_wait3A_657 = arith.constant 40 : i32
      %dma_wait3A_658 = tpu.memref_slice %arg6[%dma_wait3A_649, %dma_wait3A_650, %dma_wait3A_657] : memref<2x4x200xi32, #tpu.memory_space<vmem>> -> memref<1x1x40xi32, #tpu.memory_space<vmem>>
      %dma_wait3A_659 = tpu.memref_squeeze %dma_wait3A_658 : memref<1x1x40xi32, #tpu.memory_space<vmem>> -> memref<40xi32, #tpu.memory_space<vmem>>
      %dma_wait3A_660 = arith.constant 0 : i32
      %dma_wait3A_661 = arith.constant 0 : i32
      %dma_wait3A_662 = tpu.memref_slice %arg4[%dma_wait3A_660, %dma_wait3A_661] : memref<1000000x64xf32, #tpu.memory_space<hbm>> -> memref<1000000x64xf32, #tpu.memory_space<hbm>>
      tpu.wait_indirect_dma semaphore(%arg10 : memref<!tpu.dma_semaphore, #tpu.memory_space<semaphore_mem>>) src(%dma_wait3A_662 : memref<1000000x64xf32, #tpu.memory_space<hbm>>) dst(%dma_wait3A_656 : memref<40x64xf32, #tpu.memory_space<vmem>>)
      %dma_wait3A_663 = arith.constant 1 : i32
      %dma_wait3A_664 = arith.constant 0 : i32
      %dma_wait3A_665 = arith.constant 1 : i32
      %dma_wait3A_666 = arith.constant 0 : i32
      %dma_wait3A_667 = arith.constant 80 : i32
      %dma_wait3A_668 = arith.constant 0 : i32
      %dma_wait3A_669 = tpu.memref_slice %arg7[%dma_wait3A_665, %dma_wait3A_666, %dma_wait3A_667, %dma_wait3A_668] : memref<2x4x200x64xf32, #tpu.memory_space<vmem>> -> memref<1x1x40x64xf32, #tpu.memory_space<vmem>>
      %dma_wait3A_670 = tpu.memref_squeeze %dma_wait3A_669 : memref<1x1x40x64xf32, #tpu.memory_space<vmem>> -> memref<40x64xf32, #tpu.memory_space<vmem>>
      %dma_wait3A_671 = arith.constant 80 : i32
      %dma_wait3A_672 = tpu.memref_slice %arg6[%dma_wait3A_663, %dma_wait3A_664, %dma_wait3A_671] : memref<2x4x200xi32, #tpu.memory_space<vmem>> -> memref<1x1x40xi32, #tpu.memory_space<vmem>>
      %dma_wait3A_673 = tpu.memref_squeeze %dma_wait3A_672 : memref<1x1x40xi32, #tpu.memory_space<vmem>> -> memref<40xi32, #tpu.memory_space<vmem>>
      %dma_wait3A_674 = arith.constant 0 : i32
      %dma_wait3A_675 = arith.constant 0 : i32
      %dma_wait3A_676 = tpu.memref_slice %arg4[%dma_wait3A_674, %dma_wait3A_675] : memref<1000000x64xf32, #tpu.memory_space<hbm>> -> memref<1000000x64xf32, #tpu.memory_space<hbm>>
      tpu.wait_indirect_dma semaphore(%arg10 : memref<!tpu.dma_semaphore, #tpu.memory_space<semaphore_mem>>) src(%dma_wait3A_676 : memref<1000000x64xf32, #tpu.memory_space<hbm>>) dst(%dma_wait3A_670 : memref<40x64xf32, #tpu.memory_space<vmem>>)
      %dma_wait3A_677 = arith.constant 1 : i32
      %dma_wait3A_678 = arith.constant 0 : i32
      %dma_wait3A_679 = arith.constant 1 : i32
      %dma_wait3A_680 = arith.constant 0 : i32
      %dma_wait3A_681 = arith.constant 120 : i32
      %dma_wait3A_682 = arith.constant 0 : i32
      %dma_wait3A_683 = tpu.memref_slice %arg7[%dma_wait3A_679, %dma_wait3A_680, %dma_wait3A_681, %dma_wait3A_682] : memref<2x4x200x64xf32, #tpu.memory_space<vmem>> -> memref<1x1x40x64xf32, #tpu.memory_space<vmem>>
      %dma_wait3A_684 = tpu.memref_squeeze %dma_wait3A_683 : memref<1x1x40x64xf32, #tpu.memory_space<vmem>> -> memref<40x64xf32, #tpu.memory_space<vmem>>
      %dma_wait3A_685 = arith.constant 120 : i32
      %dma_wait3A_686 = tpu.memref_slice %arg6[%dma_wait3A_677, %dma_wait3A_678, %dma_wait3A_685] : memref<2x4x200xi32, #tpu.memory_space<vmem>> -> memref<1x1x40xi32, #tpu.memory_space<vmem>>
      %dma_wait3A_687 = tpu.memref_squeeze %dma_wait3A_686 : memref<1x1x40xi32, #tpu.memory_space<vmem>> -> memref<40xi32, #tpu.memory_space<vmem>>
      %dma_wait3A_688 = arith.constant 0 : i32
      %dma_wait3A_689 = arith.constant 0 : i32
      %dma_wait3A_690 = tpu.memref_slice %arg4[%dma_wait3A_688, %dma_wait3A_689] : memref<1000000x64xf32, #tpu.memory_space<hbm>> -> memref<1000000x64xf32, #tpu.memory_space<hbm>>
      tpu.wait_indirect_dma semaphore(%arg10 : memref<!tpu.dma_semaphore, #tpu.memory_space<semaphore_mem>>) src(%dma_wait3A_690 : memref<1000000x64xf32, #tpu.memory_space<hbm>>) dst(%dma_wait3A_684 : memref<40x64xf32, #tpu.memory_space<vmem>>)
      %dma_wait3A_691 = arith.constant 1 : i32
      %dma_wait3A_692 = arith.constant 0 : i32
      %dma_wait3A_693 = arith.constant 1 : i32
      %dma_wait3A_694 = arith.constant 0 : i32
      %dma_wait3A_695 = arith.constant 160 : i32
      %dma_wait3A_696 = arith.constant 0 : i32
      %dma_wait3A_697 = tpu.memref_slice %arg7[%dma_wait3A_693, %dma_wait3A_694, %dma_wait3A_695, %dma_wait3A_696] : memref<2x4x200x64xf32, #tpu.memory_space<vmem>> -> memref<1x1x40x64xf32, #tpu.memory_space<vmem>>
      %dma_wait3A_698 = tpu.memref_squeeze %dma_wait3A_697 : memref<1x1x40x64xf32, #tpu.memory_space<vmem>> -> memref<40x64xf32, #tpu.memory_space<vmem>>
      %dma_wait3A_699 = arith.constant 160 : i32
      %dma_wait3A_700 = tpu.memref_slice %arg6[%dma_wait3A_691, %dma_wait3A_692, %dma_wait3A_699] : memref<2x4x200xi32, #tpu.memory_space<vmem>> -> memref<1x1x40xi32, #tpu.memory_space<vmem>>
      %dma_wait3A_701 = tpu.memref_squeeze %dma_wait3A_700 : memref<1x1x40xi32, #tpu.memory_space<vmem>> -> memref<40xi32, #tpu.memory_space<vmem>>
      %dma_wait3A_702 = arith.constant 0 : i32
      %dma_wait3A_703 = arith.constant 0 : i32
      %dma_wait3A_704 = tpu.memref_slice %arg4[%dma_wait3A_702, %dma_wait3A_703] : memref<1000000x64xf32, #tpu.memory_space<hbm>> -> memref<1000000x64xf32, #tpu.memory_space<hbm>>
      tpu.wait_indirect_dma semaphore(%arg10 : memref<!tpu.dma_semaphore, #tpu.memory_space<semaphore_mem>>) src(%dma_wait3A_704 : memref<1000000x64xf32, #tpu.memory_space<hbm>>) dst(%dma_wait3A_698 : memref<40x64xf32, #tpu.memory_space<vmem>>)
      %dma_wait3A_705 = arith.constant 1 : i32
      %dma_wait3A_706 = arith.constant 1 : i32
      %dma_wait3A_707 = arith.constant 1 : i32
      %dma_wait3A_708 = arith.constant 1 : i32
      %dma_wait3A_709 = arith.constant 0 : i32
      %dma_wait3A_710 = arith.constant 0 : i32
      %dma_wait3A_711 = tpu.memref_slice %arg7[%dma_wait3A_707, %dma_wait3A_708, %dma_wait3A_709, %dma_wait3A_710] : memref<2x4x200x64xf32, #tpu.memory_space<vmem>> -> memref<1x1x40x64xf32, #tpu.memory_space<vmem>>
      %dma_wait3A_712 = tpu.memref_squeeze %dma_wait3A_711 : memref<1x1x40x64xf32, #tpu.memory_space<vmem>> -> memref<40x64xf32, #tpu.memory_space<vmem>>
      %dma_wait3A_713 = arith.constant 0 : i32
      %dma_wait3A_714 = tpu.memref_slice %arg6[%dma_wait3A_705, %dma_wait3A_706, %dma_wait3A_713] : memref<2x4x200xi32, #tpu.memory_space<vmem>> -> memref<1x1x40xi32, #tpu.memory_space<vmem>>
      %dma_wait3A_715 = tpu.memref_squeeze %dma_wait3A_714 : memref<1x1x40xi32, #tpu.memory_space<vmem>> -> memref<40xi32, #tpu.memory_space<vmem>>
      %dma_wait3A_716 = arith.constant 0 : i32
      %dma_wait3A_717 = arith.constant 0 : i32
      %dma_wait3A_718 = tpu.memref_slice %arg4[%dma_wait3A_716, %dma_wait3A_717] : memref<1000000x64xf32, #tpu.memory_space<hbm>> -> memref<1000000x64xf32, #tpu.memory_space<hbm>>
      tpu.wait_indirect_dma semaphore(%arg10 : memref<!tpu.dma_semaphore, #tpu.memory_space<semaphore_mem>>) src(%dma_wait3A_718 : memref<1000000x64xf32, #tpu.memory_space<hbm>>) dst(%dma_wait3A_712 : memref<40x64xf32, #tpu.memory_space<vmem>>)
      %dma_wait3A_719 = arith.constant 1 : i32
      %dma_wait3A_720 = arith.constant 1 : i32
      %dma_wait3A_721 = arith.constant 1 : i32
      %dma_wait3A_722 = arith.constant 1 : i32
      %dma_wait3A_723 = arith.constant 40 : i32
      %dma_wait3A_724 = arith.constant 0 : i32
      %dma_wait3A_725 = tpu.memref_slice %arg7[%dma_wait3A_721, %dma_wait3A_722, %dma_wait3A_723, %dma_wait3A_724] : memref<2x4x200x64xf32, #tpu.memory_space<vmem>> -> memref<1x1x40x64xf32, #tpu.memory_space<vmem>>
      %dma_wait3A_726 = tpu.memref_squeeze %dma_wait3A_725 : memref<1x1x40x64xf32, #tpu.memory_space<vmem>> -> memref<40x64xf32, #tpu.memory_space<vmem>>
      %dma_wait3A_727 = arith.constant 40 : i32
      %dma_wait3A_728 = tpu.memref_slice %arg6[%dma_wait3A_719, %dma_wait3A_720, %dma_wait3A_727] : memref<2x4x200xi32, #tpu.memory_space<vmem>> -> memref<1x1x40xi32, #tpu.memory_space<vmem>>
      %dma_wait3A_729 = tpu.memref_squeeze %dma_wait3A_728 : memref<1x1x40xi32, #tpu.memory_space<vmem>> -> memref<40xi32, #tpu.memory_space<vmem>>
      %dma_wait3A_730 = arith.constant 0 : i32
      %dma_wait3A_731 = arith.constant 0 : i32
      %dma_wait3A_732 = tpu.memref_slice %arg4[%dma_wait3A_730, %dma_wait3A_731] : memref<1000000x64xf32, #tpu.memory_space<hbm>> -> memref<1000000x64xf32, #tpu.memory_space<hbm>>
      tpu.wait_indirect_dma semaphore(%arg10 : memref<!tpu.dma_semaphore, #tpu.memory_space<semaphore_mem>>) src(%dma_wait3A_732 : memref<1000000x64xf32, #tpu.memory_space<hbm>>) dst(%dma_wait3A_726 : memref<40x64xf32, #tpu.memory_space<vmem>>)
      %dma_wait3A_733 = arith.constant 1 : i32
      %dma_wait3A_734 = arith.constant 1 : i32
      %dma_wait3A_735 = arith.constant 1 : i32
      %dma_wait3A_736 = arith.constant 1 : i32
      %dma_wait3A_737 = arith.constant 80 : i32
      %dma_wait3A_738 = arith.constant 0 : i32
      %dma_wait3A_739 = tpu.memref_slice %arg7[%dma_wait3A_735, %dma_wait3A_736, %dma_wait3A_737, %dma_wait3A_738] : memref<2x4x200x64xf32, #tpu.memory_space<vmem>> -> memref<1x1x40x64xf32, #tpu.memory_space<vmem>>
      %dma_wait3A_740 = tpu.memref_squeeze %dma_wait3A_739 : memref<1x1x40x64xf32, #tpu.memory_space<vmem>> -> memref<40x64xf32, #tpu.memory_space<vmem>>
      %dma_wait3A_741 = arith.constant 80 : i32
      %dma_wait3A_742 = tpu.memref_slice %arg6[%dma_wait3A_733, %dma_wait3A_734, %dma_wait3A_741] : memref<2x4x200xi32, #tpu.memory_space<vmem>> -> memref<1x1x40xi32, #tpu.memory_space<vmem>>
      %dma_wait3A_743 = tpu.memref_squeeze %dma_wait3A_742 : memref<1x1x40xi32, #tpu.memory_space<vmem>> -> memref<40xi32, #tpu.memory_space<vmem>>
      %dma_wait3A_744 = arith.constant 0 : i32
      %dma_wait3A_745 = arith.constant 0 : i32
      %dma_wait3A_746 = tpu.memref_slice %arg4[%dma_wait3A_744, %dma_wait3A_745] : memref<1000000x64xf32, #tpu.memory_space<hbm>> -> memref<1000000x64xf32, #tpu.memory_space<hbm>>
      tpu.wait_indirect_dma semaphore(%arg10 : memref<!tpu.dma_semaphore, #tpu.memory_space<semaphore_mem>>) src(%dma_wait3A_746 : memref<1000000x64xf32, #tpu.memory_space<hbm>>) dst(%dma_wait3A_740 : memref<40x64xf32, #tpu.memory_space<vmem>>)
      %dma_wait3A_747 = arith.constant 1 : i32
      %dma_wait3A_748 = arith.constant 1 : i32
      %dma_wait3A_749 = arith.constant 1 : i32
      %dma_wait3A_750 = arith.constant 1 : i32
      %dma_wait3A_751 = arith.constant 120 : i32
      %dma_wait3A_752 = arith.constant 0 : i32
      %dma_wait3A_753 = tpu.memref_slice %arg7[%dma_wait3A_749, %dma_wait3A_750, %dma_wait3A_751, %dma_wait3A_752] : memref<2x4x200x64xf32, #tpu.memory_space<vmem>> -> memref<1x1x40x64xf32, #tpu.memory_space<vmem>>
      %dma_wait3A_754 = tpu.memref_squeeze %dma_wait3A_753 : memref<1x1x40x64xf32, #tpu.memory_space<vmem>> -> memref<40x64xf32, #tpu.memory_space<vmem>>
      %dma_wait3A_755 = arith.constant 120 : i32
      %dma_wait3A_756 = tpu.memref_slice %arg6[%dma_wait3A_747, %dma_wait3A_748, %dma_wait3A_755] : memref<2x4x200xi32, #tpu.memory_space<vmem>> -> memref<1x1x40xi32, #tpu.memory_space<vmem>>
      %dma_wait3A_757 = tpu.memref_squeeze %dma_wait3A_756 : memref<1x1x40xi32, #tpu.memory_space<vmem>> -> memref<40xi32, #tpu.memory_space<vmem>>
      %dma_wait3A_758 = arith.constant 0 : i32
      %dma_wait3A_759 = arith.constant 0 : i32
      %dma_wait3A_760 = tpu.memref_slice %arg4[%dma_wait3A_758, %dma_wait3A_759] : memref<1000000x64xf32, #tpu.memory_space<hbm>> -> memref<1000000x64xf32, #tpu.memory_space<hbm>>
      tpu.wait_indirect_dma semaphore(%arg10 : memref<!tpu.dma_semaphore, #tpu.memory_space<semaphore_mem>>) src(%dma_wait3A_760 : memref<1000000x64xf32, #tpu.memory_space<hbm>>) dst(%dma_wait3A_754 : memref<40x64xf32, #tpu.memory_space<vmem>>)
      %dma_wait3A_761 = arith.constant 1 : i32
      %dma_wait3A_762 = arith.constant 1 : i32
      %dma_wait3A_763 = arith.constant 1 : i32
      %dma_wait3A_764 = arith.constant 1 : i32
      %dma_wait3A_765 = arith.constant 160 : i32
      %dma_wait3A_766 = arith.constant 0 : i32
      %dma_wait3A_767 = tpu.memref_slice %arg7[%dma_wait3A_763, %dma_wait3A_764, %dma_wait3A_765, %dma_wait3A_766] : memref<2x4x200x64xf32, #tpu.memory_space<vmem>> -> memref<1x1x40x64xf32, #tpu.memory_space<vmem>>
      %dma_wait3A_768 = tpu.memref_squeeze %dma_wait3A_767 : memref<1x1x40x64xf32, #tpu.memory_space<vmem>> -> memref<40x64xf32, #tpu.memory_space<vmem>>
      %dma_wait3A_769 = arith.constant 160 : i32
      %dma_wait3A_770 = tpu.memref_slice %arg6[%dma_wait3A_761, %dma_wait3A_762, %dma_wait3A_769] : memref<2x4x200xi32, #tpu.memory_space<vmem>> -> memref<1x1x40xi32, #tpu.memory_space<vmem>>
      %dma_wait3A_771 = tpu.memref_squeeze %dma_wait3A_770 : memref<1x1x40xi32, #tpu.memory_space<vmem>> -> memref<40xi32, #tpu.memory_space<vmem>>
      %dma_wait3A_772 = arith.constant 0 : i32
      %dma_wait3A_773 = arith.constant 0 : i32
      %dma_wait3A_774 = tpu.memref_slice %arg4[%dma_wait3A_772, %dma_wait3A_773] : memref<1000000x64xf32, #tpu.memory_space<hbm>> -> memref<1000000x64xf32, #tpu.memory_space<hbm>>
      tpu.wait_indirect_dma semaphore(%arg10 : memref<!tpu.dma_semaphore, #tpu.memory_space<semaphore_mem>>) src(%dma_wait3A_774 : memref<1000000x64xf32, #tpu.memory_space<hbm>>) dst(%dma_wait3A_768 : memref<40x64xf32, #tpu.memory_space<vmem>>)
      %dma_wait3A_775 = arith.constant 1 : i32
      %dma_wait3A_776 = arith.constant 2 : i32
      %dma_wait3A_777 = arith.constant 1 : i32
      %dma_wait3A_778 = arith.constant 2 : i32
      %dma_wait3A_779 = arith.constant 0 : i32
      %dma_wait3A_780 = arith.constant 0 : i32
      %dma_wait3A_781 = tpu.memref_slice %arg7[%dma_wait3A_777, %dma_wait3A_778, %dma_wait3A_779, %dma_wait3A_780] : memref<2x4x200x64xf32, #tpu.memory_space<vmem>> -> memref<1x1x40x64xf32, #tpu.memory_space<vmem>>
      %dma_wait3A_782 = tpu.memref_squeeze %dma_wait3A_781 : memref<1x1x40x64xf32, #tpu.memory_space<vmem>> -> memref<40x64xf32, #tpu.memory_space<vmem>>
      %dma_wait3A_783 = arith.constant 0 : i32
      %dma_wait3A_784 = tpu.memref_slice %arg6[%dma_wait3A_775, %dma_wait3A_776, %dma_wait3A_783] : memref<2x4x200xi32, #tpu.memory_space<vmem>> -> memref<1x1x40xi32, #tpu.memory_space<vmem>>
      %dma_wait3A_785 = tpu.memref_squeeze %dma_wait3A_784 : memref<1x1x40xi32, #tpu.memory_space<vmem>> -> memref<40xi32, #tpu.memory_space<vmem>>
      %dma_wait3A_786 = arith.constant 0 : i32
      %dma_wait3A_787 = arith.constant 0 : i32
      %dma_wait3A_788 = tpu.memref_slice %arg4[%dma_wait3A_786, %dma_wait3A_787] : memref<1000000x64xf32, #tpu.memory_space<hbm>> -> memref<1000000x64xf32, #tpu.memory_space<hbm>>
      tpu.wait_indirect_dma semaphore(%arg10 : memref<!tpu.dma_semaphore, #tpu.memory_space<semaphore_mem>>) src(%dma_wait3A_788 : memref<1000000x64xf32, #tpu.memory_space<hbm>>) dst(%dma_wait3A_782 : memref<40x64xf32, #tpu.memory_space<vmem>>)
      %dma_wait3A_789 = arith.constant 1 : i32
      %dma_wait3A_790 = arith.constant 2 : i32
      %dma_wait3A_791 = arith.constant 1 : i32
      %dma_wait3A_792 = arith.constant 2 : i32
      %dma_wait3A_793 = arith.constant 40 : i32
      %dma_wait3A_794 = arith.constant 0 : i32
      %dma_wait3A_795 = tpu.memref_slice %arg7[%dma_wait3A_791, %dma_wait3A_792, %dma_wait3A_793, %dma_wait3A_794] : memref<2x4x200x64xf32, #tpu.memory_space<vmem>> -> memref<1x1x40x64xf32, #tpu.memory_space<vmem>>
      %dma_wait3A_796 = tpu.memref_squeeze %dma_wait3A_795 : memref<1x1x40x64xf32, #tpu.memory_space<vmem>> -> memref<40x64xf32, #tpu.memory_space<vmem>>
      %dma_wait3A_797 = arith.constant 40 : i32
      %dma_wait3A_798 = tpu.memref_slice %arg6[%dma_wait3A_789, %dma_wait3A_790, %dma_wait3A_797] : memref<2x4x200xi32, #tpu.memory_space<vmem>> -> memref<1x1x40xi32, #tpu.memory_space<vmem>>
      %dma_wait3A_799 = tpu.memref_squeeze %dma_wait3A_798 : memref<1x1x40xi32, #tpu.memory_space<vmem>> -> memref<40xi32, #tpu.memory_space<vmem>>
      %dma_wait3A_800 = arith.constant 0 : i32
      %dma_wait3A_801 = arith.constant 0 : i32
      %dma_wait3A_802 = tpu.memref_slice %arg4[%dma_wait3A_800, %dma_wait3A_801] : memref<1000000x64xf32, #tpu.memory_space<hbm>> -> memref<1000000x64xf32, #tpu.memory_space<hbm>>
      tpu.wait_indirect_dma semaphore(%arg10 : memref<!tpu.dma_semaphore, #tpu.memory_space<semaphore_mem>>) src(%dma_wait3A_802 : memref<1000000x64xf32, #tpu.memory_space<hbm>>) dst(%dma_wait3A_796 : memref<40x64xf32, #tpu.memory_space<vmem>>)
      %dma_wait3A_803 = arith.constant 1 : i32
      %dma_wait3A_804 = arith.constant 2 : i32
      %dma_wait3A_805 = arith.constant 1 : i32
      %dma_wait3A_806 = arith.constant 2 : i32
      %dma_wait3A_807 = arith.constant 80 : i32
      %dma_wait3A_808 = arith.constant 0 : i32
      %dma_wait3A_809 = tpu.memref_slice %arg7[%dma_wait3A_805, %dma_wait3A_806, %dma_wait3A_807, %dma_wait3A_808] : memref<2x4x200x64xf32, #tpu.memory_space<vmem>> -> memref<1x1x40x64xf32, #tpu.memory_space<vmem>>
      %dma_wait3A_810 = tpu.memref_squeeze %dma_wait3A_809 : memref<1x1x40x64xf32, #tpu.memory_space<vmem>> -> memref<40x64xf32, #tpu.memory_space<vmem>>
      %dma_wait3A_811 = arith.constant 80 : i32
      %dma_wait3A_812 = tpu.memref_slice %arg6[%dma_wait3A_803, %dma_wait3A_804, %dma_wait3A_811] : memref<2x4x200xi32, #tpu.memory_space<vmem>> -> memref<1x1x40xi32, #tpu.memory_space<vmem>>
      %dma_wait3A_813 = tpu.memref_squeeze %dma_wait3A_812 : memref<1x1x40xi32, #tpu.memory_space<vmem>> -> memref<40xi32, #tpu.memory_space<vmem>>
      %dma_wait3A_814 = arith.constant 0 : i32
      %dma_wait3A_815 = arith.constant 0 : i32
      %dma_wait3A_816 = tpu.memref_slice %arg4[%dma_wait3A_814, %dma_wait3A_815] : memref<1000000x64xf32, #tpu.memory_space<hbm>> -> memref<1000000x64xf32, #tpu.memory_space<hbm>>
      tpu.wait_indirect_dma semaphore(%arg10 : memref<!tpu.dma_semaphore, #tpu.memory_space<semaphore_mem>>) src(%dma_wait3A_816 : memref<1000000x64xf32, #tpu.memory_space<hbm>>) dst(%dma_wait3A_810 : memref<40x64xf32, #tpu.memory_space<vmem>>)
      %dma_wait3A_817 = arith.constant 1 : i32
      %dma_wait3A_818 = arith.constant 2 : i32
      %dma_wait3A_819 = arith.constant 1 : i32
      %dma_wait3A_820 = arith.constant 2 : i32
      %dma_wait3A_821 = arith.constant 120 : i32
      %dma_wait3A_822 = arith.constant 0 : i32
      %dma_wait3A_823 = tpu.memref_slice %arg7[%dma_wait3A_819, %dma_wait3A_820, %dma_wait3A_821, %dma_wait3A_822] : memref<2x4x200x64xf32, #tpu.memory_space<vmem>> -> memref<1x1x40x64xf32, #tpu.memory_space<vmem>>
      %dma_wait3A_824 = tpu.memref_squeeze %dma_wait3A_823 : memref<1x1x40x64xf32, #tpu.memory_space<vmem>> -> memref<40x64xf32, #tpu.memory_space<vmem>>
      %dma_wait3A_825 = arith.constant 120 : i32
      %dma_wait3A_826 = tpu.memref_slice %arg6[%dma_wait3A_817, %dma_wait3A_818, %dma_wait3A_825] : memref<2x4x200xi32, #tpu.memory_space<vmem>> -> memref<1x1x40xi32, #tpu.memory_space<vmem>>
      %dma_wait3A_827 = tpu.memref_squeeze %dma_wait3A_826 : memref<1x1x40xi32, #tpu.memory_space<vmem>> -> memref<40xi32, #tpu.memory_space<vmem>>
      %dma_wait3A_828 = arith.constant 0 : i32
      %dma_wait3A_829 = arith.constant 0 : i32
      %dma_wait3A_830 = tpu.memref_slice %arg4[%dma_wait3A_828, %dma_wait3A_829] : memref<1000000x64xf32, #tpu.memory_space<hbm>> -> memref<1000000x64xf32, #tpu.memory_space<hbm>>
      tpu.wait_indirect_dma semaphore(%arg10 : memref<!tpu.dma_semaphore, #tpu.memory_space<semaphore_mem>>) src(%dma_wait3A_830 : memref<1000000x64xf32, #tpu.memory_space<hbm>>) dst(%dma_wait3A_824 : memref<40x64xf32, #tpu.memory_space<vmem>>)
      %dma_wait3A_831 = arith.constant 1 : i32
      %dma_wait3A_832 = arith.constant 2 : i32
      %dma_wait3A_833 = arith.constant 1 : i32
      %dma_wait3A_834 = arith.constant 2 : i32
      %dma_wait3A_835 = arith.constant 160 : i32
      %dma_wait3A_836 = arith.constant 0 : i32
      %dma_wait3A_837 = tpu.memref_slice %arg7[%dma_wait3A_833, %dma_wait3A_834, %dma_wait3A_835, %dma_wait3A_836] : memref<2x4x200x64xf32, #tpu.memory_space<vmem>> -> memref<1x1x40x64xf32, #tpu.memory_space<vmem>>
      %dma_wait3A_838 = tpu.memref_squeeze %dma_wait3A_837 : memref<1x1x40x64xf32, #tpu.memory_space<vmem>> -> memref<40x64xf32, #tpu.memory_space<vmem>>
      %dma_wait3A_839 = arith.constant 160 : i32
      %dma_wait3A_840 = tpu.memref_slice %arg6[%dma_wait3A_831, %dma_wait3A_832, %dma_wait3A_839] : memref<2x4x200xi32, #tpu.memory_space<vmem>> -> memref<1x1x40xi32, #tpu.memory_space<vmem>>
      %dma_wait3A_841 = tpu.memref_squeeze %dma_wait3A_840 : memref<1x1x40xi32, #tpu.memory_space<vmem>> -> memref<40xi32, #tpu.memory_space<vmem>>
      %dma_wait3A_842 = arith.constant 0 : i32
      %dma_wait3A_843 = arith.constant 0 : i32
      %dma_wait3A_844 = tpu.memref_slice %arg4[%dma_wait3A_842, %dma_wait3A_843] : memref<1000000x64xf32, #tpu.memory_space<hbm>> -> memref<1000000x64xf32, #tpu.memory_space<hbm>>
      tpu.wait_indirect_dma semaphore(%arg10 : memref<!tpu.dma_semaphore, #tpu.memory_space<semaphore_mem>>) src(%dma_wait3A_844 : memref<1000000x64xf32, #tpu.memory_space<hbm>>) dst(%dma_wait3A_838 : memref<40x64xf32, #tpu.memory_space<vmem>>)
      %dma_wait3A_845 = arith.constant 1 : i32
      %dma_wait3A_846 = arith.constant 3 : i32
      %dma_wait3A_847 = arith.constant 1 : i32
      %dma_wait3A_848 = arith.constant 3 : i32
      %dma_wait3A_849 = arith.constant 0 : i32
      %dma_wait3A_850 = arith.constant 0 : i32
      %dma_wait3A_851 = tpu.memref_slice %arg7[%dma_wait3A_847, %dma_wait3A_848, %dma_wait3A_849, %dma_wait3A_850] : memref<2x4x200x64xf32, #tpu.memory_space<vmem>> -> memref<1x1x40x64xf32, #tpu.memory_space<vmem>>
      %dma_wait3A_852 = tpu.memref_squeeze %dma_wait3A_851 : memref<1x1x40x64xf32, #tpu.memory_space<vmem>> -> memref<40x64xf32, #tpu.memory_space<vmem>>
      %dma_wait3A_853 = arith.constant 0 : i32
      %dma_wait3A_854 = tpu.memref_slice %arg6[%dma_wait3A_845, %dma_wait3A_846, %dma_wait3A_853] : memref<2x4x200xi32, #tpu.memory_space<vmem>> -> memref<1x1x40xi32, #tpu.memory_space<vmem>>
      %dma_wait3A_855 = tpu.memref_squeeze %dma_wait3A_854 : memref<1x1x40xi32, #tpu.memory_space<vmem>> -> memref<40xi32, #tpu.memory_space<vmem>>
      %dma_wait3A_856 = arith.constant 0 : i32
      %dma_wait3A_857 = arith.constant 0 : i32
      %dma_wait3A_858 = tpu.memref_slice %arg4[%dma_wait3A_856, %dma_wait3A_857] : memref<1000000x64xf32, #tpu.memory_space<hbm>> -> memref<1000000x64xf32, #tpu.memory_space<hbm>>
      tpu.wait_indirect_dma semaphore(%arg10 : memref<!tpu.dma_semaphore, #tpu.memory_space<semaphore_mem>>) src(%dma_wait3A_858 : memref<1000000x64xf32, #tpu.memory_space<hbm>>) dst(%dma_wait3A_852 : memref<40x64xf32, #tpu.memory_space<vmem>>)
      %dma_wait3A_859 = arith.constant 1 : i32
      %dma_wait3A_860 = arith.constant 3 : i32
      %dma_wait3A_861 = arith.constant 1 : i32
      %dma_wait3A_862 = arith.constant 3 : i32
      %dma_wait3A_863 = arith.constant 40 : i32
      %dma_wait3A_864 = arith.constant 0 : i32
      %dma_wait3A_865 = tpu.memref_slice %arg7[%dma_wait3A_861, %dma_wait3A_862, %dma_wait3A_863, %dma_wait3A_864] : memref<2x4x200x64xf32, #tpu.memory_space<vmem>> -> memref<1x1x40x64xf32, #tpu.memory_space<vmem>>
      %dma_wait3A_866 = tpu.memref_squeeze %dma_wait3A_865 : memref<1x1x40x64xf32, #tpu.memory_space<vmem>> -> memref<40x64xf32, #tpu.memory_space<vmem>>
      %dma_wait3A_867 = arith.constant 40 : i32
      %dma_wait3A_868 = tpu.memref_slice %arg6[%dma_wait3A_859, %dma_wait3A_860, %dma_wait3A_867] : memref<2x4x200xi32, #tpu.memory_space<vmem>> -> memref<1x1x40xi32, #tpu.memory_space<vmem>>
      %dma_wait3A_869 = tpu.memref_squeeze %dma_wait3A_868 : memref<1x1x40xi32, #tpu.memory_space<vmem>> -> memref<40xi32, #tpu.memory_space<vmem>>
      %dma_wait3A_870 = arith.constant 0 : i32
      %dma_wait3A_871 = arith.constant 0 : i32
      %dma_wait3A_872 = tpu.memref_slice %arg4[%dma_wait3A_870, %dma_wait3A_871] : memref<1000000x64xf32, #tpu.memory_space<hbm>> -> memref<1000000x64xf32, #tpu.memory_space<hbm>>
      tpu.wait_indirect_dma semaphore(%arg10 : memref<!tpu.dma_semaphore, #tpu.memory_space<semaphore_mem>>) src(%dma_wait3A_872 : memref<1000000x64xf32, #tpu.memory_space<hbm>>) dst(%dma_wait3A_866 : memref<40x64xf32, #tpu.memory_space<vmem>>)
      %dma_wait3A_873 = arith.constant 1 : i32
      %dma_wait3A_874 = arith.constant 3 : i32
      %dma_wait3A_875 = arith.constant 1 : i32
      %dma_wait3A_876 = arith.constant 3 : i32
      %dma_wait3A_877 = arith.constant 80 : i32
      %dma_wait3A_878 = arith.constant 0 : i32
      %dma_wait3A_879 = tpu.memref_slice %arg7[%dma_wait3A_875, %dma_wait3A_876, %dma_wait3A_877, %dma_wait3A_878] : memref<2x4x200x64xf32, #tpu.memory_space<vmem>> -> memref<1x1x40x64xf32, #tpu.memory_space<vmem>>
      %dma_wait3A_880 = tpu.memref_squeeze %dma_wait3A_879 : memref<1x1x40x64xf32, #tpu.memory_space<vmem>> -> memref<40x64xf32, #tpu.memory_space<vmem>>
      %dma_wait3A_881 = arith.constant 80 : i32
      %dma_wait3A_882 = tpu.memref_slice %arg6[%dma_wait3A_873, %dma_wait3A_874, %dma_wait3A_881] : memref<2x4x200xi32, #tpu.memory_space<vmem>> -> memref<1x1x40xi32, #tpu.memory_space<vmem>>
      %dma_wait3A_883 = tpu.memref_squeeze %dma_wait3A_882 : memref<1x1x40xi32, #tpu.memory_space<vmem>> -> memref<40xi32, #tpu.memory_space<vmem>>
      %dma_wait3A_884 = arith.constant 0 : i32
      %dma_wait3A_885 = arith.constant 0 : i32
      %dma_wait3A_886 = tpu.memref_slice %arg4[%dma_wait3A_884, %dma_wait3A_885] : memref<1000000x64xf32, #tpu.memory_space<hbm>> -> memref<1000000x64xf32, #tpu.memory_space<hbm>>
      tpu.wait_indirect_dma semaphore(%arg10 : memref<!tpu.dma_semaphore, #tpu.memory_space<semaphore_mem>>) src(%dma_wait3A_886 : memref<1000000x64xf32, #tpu.memory_space<hbm>>) dst(%dma_wait3A_880 : memref<40x64xf32, #tpu.memory_space<vmem>>)
      %dma_wait3A_887 = arith.constant 1 : i32
      %dma_wait3A_888 = arith.constant 3 : i32
      %dma_wait3A_889 = arith.constant 1 : i32
      %dma_wait3A_890 = arith.constant 3 : i32
      %dma_wait3A_891 = arith.constant 120 : i32
      %dma_wait3A_892 = arith.constant 0 : i32
      %dma_wait3A_893 = tpu.memref_slice %arg7[%dma_wait3A_889, %dma_wait3A_890, %dma_wait3A_891, %dma_wait3A_892] : memref<2x4x200x64xf32, #tpu.memory_space<vmem>> -> memref<1x1x40x64xf32, #tpu.memory_space<vmem>>
      %dma_wait3A_894 = tpu.memref_squeeze %dma_wait3A_893 : memref<1x1x40x64xf32, #tpu.memory_space<vmem>> -> memref<40x64xf32, #tpu.memory_space<vmem>>
      %dma_wait3A_895 = arith.constant 120 : i32
      %dma_wait3A_896 = tpu.memref_slice %arg6[%dma_wait3A_887, %dma_wait3A_888, %dma_wait3A_895] : memref<2x4x200xi32, #tpu.memory_space<vmem>> -> memref<1x1x40xi32, #tpu.memory_space<vmem>>
      %dma_wait3A_897 = tpu.memref_squeeze %dma_wait3A_896 : memref<1x1x40xi32, #tpu.memory_space<vmem>> -> memref<40xi32, #tpu.memory_space<vmem>>
      %dma_wait3A_898 = arith.constant 0 : i32
      %dma_wait3A_899 = arith.constant 0 : i32
      %dma_wait3A_900 = tpu.memref_slice %arg4[%dma_wait3A_898, %dma_wait3A_899] : memref<1000000x64xf32, #tpu.memory_space<hbm>> -> memref<1000000x64xf32, #tpu.memory_space<hbm>>
      tpu.wait_indirect_dma semaphore(%arg10 : memref<!tpu.dma_semaphore, #tpu.memory_space<semaphore_mem>>) src(%dma_wait3A_900 : memref<1000000x64xf32, #tpu.memory_space<hbm>>) dst(%dma_wait3A_894 : memref<40x64xf32, #tpu.memory_space<vmem>>)
      %dma_wait3A_901 = arith.constant 1 : i32
      %dma_wait3A_902 = arith.constant 3 : i32
      %dma_wait3A_903 = arith.constant 1 : i32
      %dma_wait3A_904 = arith.constant 3 : i32
      %dma_wait3A_905 = arith.constant 160 : i32
      %dma_wait3A_906 = arith.constant 0 : i32
      %dma_wait3A_907 = tpu.memref_slice %arg7[%dma_wait3A_903, %dma_wait3A_904, %dma_wait3A_905, %dma_wait3A_906] : memref<2x4x200x64xf32, #tpu.memory_space<vmem>> -> memref<1x1x40x64xf32, #tpu.memory_space<vmem>>
      %dma_wait3A_908 = tpu.memref_squeeze %dma_wait3A_907 : memref<1x1x40x64xf32, #tpu.memory_space<vmem>> -> memref<40x64xf32, #tpu.memory_space<vmem>>
      %dma_wait3A_909 = arith.constant 160 : i32
      %dma_wait3A_910 = tpu.memref_slice %arg6[%dma_wait3A_901, %dma_wait3A_902, %dma_wait3A_909] : memref<2x4x200xi32, #tpu.memory_space<vmem>> -> memref<1x1x40xi32, #tpu.memory_space<vmem>>
      %dma_wait3A_911 = tpu.memref_squeeze %dma_wait3A_910 : memref<1x1x40xi32, #tpu.memory_space<vmem>> -> memref<40xi32, #tpu.memory_space<vmem>>
      %dma_wait3A_912 = arith.constant 0 : i32
      %dma_wait3A_913 = arith.constant 0 : i32
      %dma_wait3A_914 = tpu.memref_slice %arg4[%dma_wait3A_912, %dma_wait3A_913] : memref<1000000x64xf32, #tpu.memory_space<hbm>> -> memref<1000000x64xf32, #tpu.memory_space<hbm>>
      tpu.wait_indirect_dma semaphore(%arg10 : memref<!tpu.dma_semaphore, #tpu.memory_space<semaphore_mem>>) src(%dma_wait3A_914 : memref<1000000x64xf32, #tpu.memory_space<hbm>>) dst(%dma_wait3A_908 : memref<40x64xf32, #tpu.memory_space<vmem>>)
      %ge3A_915 = arith.constant 1 : i32
      %ge3A_916 = arith.cmpi sge, %add3A_633, %ge3A_915 : i32
      %convert_element_type3A_917 = arith.extui %ge3A_916 : i1 to i32
      %cond3A_918 = arith.constant 0 : i32
      %cond3A_919 = arith.cmpi ne, %convert_element_type3A_917, %cond3A_918 : i32
      scf.if %cond3A_919 {
        %sub3A_952 = arith.constant 1 : i32
        %sub3A_953 = arith.subi %add3A_634, %sub3A_952 : i32
        %mul3A_954 = arith.constant 4 : i32
        %mul3A_955 = arith.muli %sub3A_953, %mul3A_954 : i32
        %dma_wait3A_956 = arith.constant 0 : i32
        %dma_wait3A_957 = arith.constant 0 : i32
        %dma_wait3A_958 = arith.constant 0 : i32
        %dma_wait3A_959 = arith.constant 0 : i32
        %dma_wait3A_960 = tpu.memref_slice %arg7[%dma_wait3A_956, %dma_wait3A_957, %dma_wait3A_958, %dma_wait3A_959] : memref<2x4x200x64xf32, #tpu.memory_space<vmem>> -> memref<1x4x200x64xf32, #tpu.memory_space<vmem>>
        %dma_wait3A_961 = tpu.memref_squeeze %dma_wait3A_960 : memref<1x4x200x64xf32, #tpu.memory_space<vmem>> -> memref<4x200x64xf32, #tpu.memory_space<vmem>>
        %dma_wait3A_962 = arith.constant 0 : i32
        %dma_wait3A_963 = arith.constant 0 : i32
        %dma_wait3A_964 = tpu.memref_slice %arg5[%mul3A_955, %dma_wait3A_962, %dma_wait3A_963] : memref<4096x200x128xf32, #tpu.memory_space<hbm>> -> memref<4x200x64xf32, #tpu.memory_space<hbm>>
        %dma_wait3A_965 = arith.constant 0 : i32
        %dma_wait3A_966 = arith.constant 0 : i32
        %dma_wait3A_967 = tpu.memref_slice %arg5[%mul3A_955, %dma_wait3A_965, %dma_wait3A_966] : memref<4096x200x128xf32, #tpu.memory_space<hbm>> -> memref<4x200x64xf32, #tpu.memory_space<hbm>>
        %dma_wait3A_968 = arith.constant 0 : i32
        %dma_wait3A_969 = arith.constant 0 : i32
        %dma_wait3A_970 = arith.constant 0 : i32
        %dma_wait3A_971 = tpu.memref_slice %arg7[%dma_wait3A_956, %dma_wait3A_968, %dma_wait3A_969, %dma_wait3A_970] : memref<2x4x200x64xf32, #tpu.memory_space<vmem>> -> memref<1x4x200x64xf32, #tpu.memory_space<vmem>>
        %dma_wait3A_972 = tpu.memref_squeeze %dma_wait3A_971 : memref<1x4x200x64xf32, #tpu.memory_space<vmem>> -> memref<4x200x64xf32, #tpu.memory_space<vmem>>
        tpu.wait_dma2 semaphore(%arg11 : memref<!tpu.dma_semaphore, #tpu.memory_space<semaphore_mem>>) src(%dma_wait3A_972 : memref<4x200x64xf32, #tpu.memory_space<vmem>>) dst(%dma_wait3A_967 : memref<4x200x64xf32, #tpu.memory_space<hbm>>)
      } else {
      }
      %add3A_920 = arith.constant 1 : i32
      %add3A_921 = arith.addi %add3A_633, %add3A_920 : i32
      %lt3A_922 = arith.constant 32 : i32
      %lt3A_923 = arith.cmpi slt, %add3A_921, %lt3A_922 : i32
      %convert_element_type3A_924 = arith.extui %lt3A_923 : i1 to i32
      %cond3A_925 = arith.constant 0 : i32
      %cond3A_926 = arith.cmpi ne, %convert_element_type3A_924, %cond3A_925 : i32
      scf.if %cond3A_926 {
        %add3A_952 = arith.constant 1 : i32
        %add3A_953 = arith.addi %add3A_634, %add3A_952 : i32
        %mul3A_954 = arith.constant 4 : i32
        %mul3A_955 = arith.muli %add3A_953, %mul3A_954 : i32
        %run_scoped3A_956 = arith.constant 0 : i32
        "tpu.region"() ({
          %run_scoped3A_1237 = tpu.sem_alloc : memref<!tpu.dma_semaphore, #tpu.memory_space<semaphore_mem>>
          %dma_start3A_1238 = arith.constant 0 : i32
          %dma_start3A_1239 = arith.constant 0 : i32
          %dma_start3A_1240 = tpu.memref_slice %arg6[%run_scoped3A_956, %dma_start3A_1238, %dma_start3A_1239] : memref<2x4x200xi32, #tpu.memory_space<vmem>> -> memref<1x4x200xi32, #tpu.memory_space<vmem>>
          %dma_start3A_1241 = tpu.memref_squeeze %dma_start3A_1240 : memref<1x4x200xi32, #tpu.memory_space<vmem>> -> memref<4x200xi32, #tpu.memory_space<vmem>>
          %dma_start3A_1242 = arith.constant 0 : i32
          %dma_start3A_1243 = tpu.memref_slice %arg2[%mul3A_955, %dma_start3A_1242] : memref<4096x200xi32, #tpu.memory_space<hbm>> -> memref<4x200xi32, #tpu.memory_space<hbm>>
          %dma_start3A_1244 = arith.constant 0 : i32
          %dma_start3A_1245 = arith.constant 0 : i32
          %dma_start3A_1246 = tpu.memref_slice %arg6[%run_scoped3A_956, %dma_start3A_1244, %dma_start3A_1245] : memref<2x4x200xi32, #tpu.memory_space<vmem>> -> memref<1x4x200xi32, #tpu.memory_space<vmem>>
          %dma_start3A_1247 = tpu.memref_squeeze %dma_start3A_1246 : memref<1x4x200xi32, #tpu.memory_space<vmem>> -> memref<4x200xi32, #tpu.memory_space<vmem>>
          %dma_start3A_1248 = arith.constant 0 : i32
          %dma_start3A_1249 = tpu.memref_slice %arg2[%mul3A_955, %dma_start3A_1248] : memref<4096x200xi32, #tpu.memory_space<hbm>> -> memref<4x200xi32, #tpu.memory_space<hbm>>
          tpu.enqueue_dma source(%dma_start3A_1249 : memref<4x200xi32, #tpu.memory_space<hbm>>) target(%dma_start3A_1247 : memref<4x200xi32, #tpu.memory_space<vmem>>) target_semaphore(%run_scoped3A_1237 : memref<!tpu.dma_semaphore, #tpu.memory_space<semaphore_mem>>)
          %dma_wait3A_1250 = arith.constant 0 : i32
          %dma_wait3A_1251 = arith.constant 0 : i32
          %dma_wait3A_1252 = tpu.memref_slice %arg6[%run_scoped3A_956, %dma_wait3A_1250, %dma_wait3A_1251] : memref<2x4x200xi32, #tpu.memory_space<vmem>> -> memref<1x4x200xi32, #tpu.memory_space<vmem>>
          %dma_wait3A_1253 = tpu.memref_squeeze %dma_wait3A_1252 : memref<1x4x200xi32, #tpu.memory_space<vmem>> -> memref<4x200xi32, #tpu.memory_space<vmem>>
          %dma_wait3A_1254 = arith.constant 0 : i32
          %dma_wait3A_1255 = tpu.memref_slice %arg2[%mul3A_955, %dma_wait3A_1254] : memref<4096x200xi32, #tpu.memory_space<hbm>> -> memref<4x200xi32, #tpu.memory_space<hbm>>
          %dma_wait3A_1256 = arith.constant 0 : i32
          %dma_wait3A_1257 = arith.constant 0 : i32
          %dma_wait3A_1258 = tpu.memref_slice %arg6[%run_scoped3A_956, %dma_wait3A_1256, %dma_wait3A_1257] : memref<2x4x200xi32, #tpu.memory_space<vmem>> -> memref<1x4x200xi32, #tpu.memory_space<vmem>>
          %dma_wait3A_1259 = tpu.memref_squeeze %dma_wait3A_1258 : memref<1x4x200xi32, #tpu.memory_space<vmem>> -> memref<4x200xi32, #tpu.memory_space<vmem>>
          %dma_wait3A_1260 = arith.constant 0 : i32
          %dma_wait3A_1261 = tpu.memref_slice %arg2[%mul3A_955, %dma_wait3A_1260] : memref<4096x200xi32, #tpu.memory_space<hbm>> -> memref<4x200xi32, #tpu.memory_space<hbm>>
          tpu.wait_dma2 semaphore(%run_scoped3A_1237 : memref<!tpu.dma_semaphore, #tpu.memory_space<semaphore_mem>>) src(%dma_wait3A_1261 : memref<4x200xi32, #tpu.memory_space<hbm>>) dst(%dma_wait3A_1259 : memref<4x200xi32, #tpu.memory_space<vmem>>)
          tpu.yield
        }) : () -> ()
        %dma_start3A_957 = arith.constant 0 : i32
        %dma_start3A_958 = arith.constant 0 : i32
        %dma_start3A_959 = arith.constant 0 : i32
        %dma_start3A_960 = arith.constant 0 : i32
        %dma_start3A_961 = arith.constant 0 : i32
        %dma_start3A_962 = arith.constant 0 : i32
        %dma_start3A_963 = tpu.memref_slice %arg7[%dma_start3A_959, %dma_start3A_960, %dma_start3A_961, %dma_start3A_962] : memref<2x4x200x64xf32, #tpu.memory_space<vmem>> -> memref<1x1x40x64xf32, #tpu.memory_space<vmem>>
        %dma_start3A_964 = tpu.memref_squeeze %dma_start3A_963 : memref<1x1x40x64xf32, #tpu.memory_space<vmem>> -> memref<40x64xf32, #tpu.memory_space<vmem>>
        %dma_start3A_965 = arith.constant 0 : i32
        %dma_start3A_966 = tpu.memref_slice %arg6[%dma_start3A_957, %dma_start3A_958, %dma_start3A_965] : memref<2x4x200xi32, #tpu.memory_space<vmem>> -> memref<1x1x40xi32, #tpu.memory_space<vmem>>
        %dma_start3A_967 = tpu.memref_squeeze %dma_start3A_966 : memref<1x1x40xi32, #tpu.memory_space<vmem>> -> memref<40xi32, #tpu.memory_space<vmem>>
        %dma_start3A_968 = arith.constant 0 : i32
        %dma_start3A_969 = arith.constant 0 : i32
        %dma_start3A_970 = tpu.memref_slice %arg4[%dma_start3A_968, %dma_start3A_969] : memref<1000000x64xf32, #tpu.memory_space<hbm>> -> memref<1000000x64xf32, #tpu.memory_space<hbm>>
        tpu.enqueue_indirect_dma source(%dma_start3A_970 : memref<1000000x64xf32, #tpu.memory_space<hbm>>) target(%dma_start3A_964 : memref<40x64xf32, #tpu.memory_space<vmem>>) offsets(%dma_start3A_967 : memref<40xi32, #tpu.memory_space<vmem>>) semaphore(%arg9 : memref<!tpu.dma_semaphore, #tpu.memory_space<semaphore_mem>>)
        %dma_start3A_971 = arith.constant 0 : i32
        %dma_start3A_972 = arith.constant 0 : i32
        %dma_start3A_973 = arith.constant 0 : i32
        %dma_start3A_974 = arith.constant 0 : i32
        %dma_start3A_975 = arith.constant 40 : i32
        %dma_start3A_976 = arith.constant 0 : i32
        %dma_start3A_977 = tpu.memref_slice %arg7[%dma_start3A_973, %dma_start3A_974, %dma_start3A_975, %dma_start3A_976] : memref<2x4x200x64xf32, #tpu.memory_space<vmem>> -> memref<1x1x40x64xf32, #tpu.memory_space<vmem>>
        %dma_start3A_978 = tpu.memref_squeeze %dma_start3A_977 : memref<1x1x40x64xf32, #tpu.memory_space<vmem>> -> memref<40x64xf32, #tpu.memory_space<vmem>>
        %dma_start3A_979 = arith.constant 40 : i32
        %dma_start3A_980 = tpu.memref_slice %arg6[%dma_start3A_971, %dma_start3A_972, %dma_start3A_979] : memref<2x4x200xi32, #tpu.memory_space<vmem>> -> memref<1x1x40xi32, #tpu.memory_space<vmem>>
        %dma_start3A_981 = tpu.memref_squeeze %dma_start3A_980 : memref<1x1x40xi32, #tpu.memory_space<vmem>> -> memref<40xi32, #tpu.memory_space<vmem>>
        %dma_start3A_982 = arith.constant 0 : i32
        %dma_start3A_983 = arith.constant 0 : i32
        %dma_start3A_984 = tpu.memref_slice %arg4[%dma_start3A_982, %dma_start3A_983] : memref<1000000x64xf32, #tpu.memory_space<hbm>> -> memref<1000000x64xf32, #tpu.memory_space<hbm>>
        tpu.enqueue_indirect_dma source(%dma_start3A_984 : memref<1000000x64xf32, #tpu.memory_space<hbm>>) target(%dma_start3A_978 : memref<40x64xf32, #tpu.memory_space<vmem>>) offsets(%dma_start3A_981 : memref<40xi32, #tpu.memory_space<vmem>>) semaphore(%arg9 : memref<!tpu.dma_semaphore, #tpu.memory_space<semaphore_mem>>)
        %dma_start3A_985 = arith.constant 0 : i32
        %dma_start3A_986 = arith.constant 0 : i32
        %dma_start3A_987 = arith.constant 0 : i32
        %dma_start3A_988 = arith.constant 0 : i32
        %dma_start3A_989 = arith.constant 80 : i32
        %dma_start3A_990 = arith.constant 0 : i32
        %dma_start3A_991 = tpu.memref_slice %arg7[%dma_start3A_987, %dma_start3A_988, %dma_start3A_989, %dma_start3A_990] : memref<2x4x200x64xf32, #tpu.memory_space<vmem>> -> memref<1x1x40x64xf32, #tpu.memory_space<vmem>>
        %dma_start3A_992 = tpu.memref_squeeze %dma_start3A_991 : memref<1x1x40x64xf32, #tpu.memory_space<vmem>> -> memref<40x64xf32, #tpu.memory_space<vmem>>
        %dma_start3A_993 = arith.constant 80 : i32
        %dma_start3A_994 = tpu.memref_slice %arg6[%dma_start3A_985, %dma_start3A_986, %dma_start3A_993] : memref<2x4x200xi32, #tpu.memory_space<vmem>> -> memref<1x1x40xi32, #tpu.memory_space<vmem>>
        %dma_start3A_995 = tpu.memref_squeeze %dma_start3A_994 : memref<1x1x40xi32, #tpu.memory_space<vmem>> -> memref<40xi32, #tpu.memory_space<vmem>>
        %dma_start3A_996 = arith.constant 0 : i32
        %dma_start3A_997 = arith.constant 0 : i32
        %dma_start3A_998 = tpu.memref_slice %arg4[%dma_start3A_996, %dma_start3A_997] : memref<1000000x64xf32, #tpu.memory_space<hbm>> -> memref<1000000x64xf32, #tpu.memory_space<hbm>>
        tpu.enqueue_indirect_dma source(%dma_start3A_998 : memref<1000000x64xf32, #tpu.memory_space<hbm>>) target(%dma_start3A_992 : memref<40x64xf32, #tpu.memory_space<vmem>>) offsets(%dma_start3A_995 : memref<40xi32, #tpu.memory_space<vmem>>) semaphore(%arg9 : memref<!tpu.dma_semaphore, #tpu.memory_space<semaphore_mem>>)
        %dma_start3A_999 = arith.constant 0 : i32
        %dma_start3A_1000 = arith.constant 0 : i32
        %dma_start3A_1001 = arith.constant 0 : i32
        %dma_start3A_1002 = arith.constant 0 : i32
        %dma_start3A_1003 = arith.constant 120 : i32
        %dma_start3A_1004 = arith.constant 0 : i32
        %dma_start3A_1005 = tpu.memref_slice %arg7[%dma_start3A_1001, %dma_start3A_1002, %dma_start3A_1003, %dma_start3A_1004] : memref<2x4x200x64xf32, #tpu.memory_space<vmem>> -> memref<1x1x40x64xf32, #tpu.memory_space<vmem>>
        %dma_start3A_1006 = tpu.memref_squeeze %dma_start3A_1005 : memref<1x1x40x64xf32, #tpu.memory_space<vmem>> -> memref<40x64xf32, #tpu.memory_space<vmem>>
        %dma_start3A_1007 = arith.constant 120 : i32
        %dma_start3A_1008 = tpu.memref_slice %arg6[%dma_start3A_999, %dma_start3A_1000, %dma_start3A_1007] : memref<2x4x200xi32, #tpu.memory_space<vmem>> -> memref<1x1x40xi32, #tpu.memory_space<vmem>>
        %dma_start3A_1009 = tpu.memref_squeeze %dma_start3A_1008 : memref<1x1x40xi32, #tpu.memory_space<vmem>> -> memref<40xi32, #tpu.memory_space<vmem>>
        %dma_start3A_1010 = arith.constant 0 : i32
        %dma_start3A_1011 = arith.constant 0 : i32
        %dma_start3A_1012 = tpu.memref_slice %arg4[%dma_start3A_1010, %dma_start3A_1011] : memref<1000000x64xf32, #tpu.memory_space<hbm>> -> memref<1000000x64xf32, #tpu.memory_space<hbm>>
        tpu.enqueue_indirect_dma source(%dma_start3A_1012 : memref<1000000x64xf32, #tpu.memory_space<hbm>>) target(%dma_start3A_1006 : memref<40x64xf32, #tpu.memory_space<vmem>>) offsets(%dma_start3A_1009 : memref<40xi32, #tpu.memory_space<vmem>>) semaphore(%arg9 : memref<!tpu.dma_semaphore, #tpu.memory_space<semaphore_mem>>)
        %dma_start3A_1013 = arith.constant 0 : i32
        %dma_start3A_1014 = arith.constant 0 : i32
        %dma_start3A_1015 = arith.constant 0 : i32
        %dma_start3A_1016 = arith.constant 0 : i32
        %dma_start3A_1017 = arith.constant 160 : i32
        %dma_start3A_1018 = arith.constant 0 : i32
        %dma_start3A_1019 = tpu.memref_slice %arg7[%dma_start3A_1015, %dma_start3A_1016, %dma_start3A_1017, %dma_start3A_1018] : memref<2x4x200x64xf32, #tpu.memory_space<vmem>> -> memref<1x1x40x64xf32, #tpu.memory_space<vmem>>
        %dma_start3A_1020 = tpu.memref_squeeze %dma_start3A_1019 : memref<1x1x40x64xf32, #tpu.memory_space<vmem>> -> memref<40x64xf32, #tpu.memory_space<vmem>>
        %dma_start3A_1021 = arith.constant 160 : i32
        %dma_start3A_1022 = tpu.memref_slice %arg6[%dma_start3A_1013, %dma_start3A_1014, %dma_start3A_1021] : memref<2x4x200xi32, #tpu.memory_space<vmem>> -> memref<1x1x40xi32, #tpu.memory_space<vmem>>
        %dma_start3A_1023 = tpu.memref_squeeze %dma_start3A_1022 : memref<1x1x40xi32, #tpu.memory_space<vmem>> -> memref<40xi32, #tpu.memory_space<vmem>>
        %dma_start3A_1024 = arith.constant 0 : i32
        %dma_start3A_1025 = arith.constant 0 : i32
        %dma_start3A_1026 = tpu.memref_slice %arg4[%dma_start3A_1024, %dma_start3A_1025] : memref<1000000x64xf32, #tpu.memory_space<hbm>> -> memref<1000000x64xf32, #tpu.memory_space<hbm>>
        tpu.enqueue_indirect_dma source(%dma_start3A_1026 : memref<1000000x64xf32, #tpu.memory_space<hbm>>) target(%dma_start3A_1020 : memref<40x64xf32, #tpu.memory_space<vmem>>) offsets(%dma_start3A_1023 : memref<40xi32, #tpu.memory_space<vmem>>) semaphore(%arg9 : memref<!tpu.dma_semaphore, #tpu.memory_space<semaphore_mem>>)
        %dma_start3A_1027 = arith.constant 0 : i32
        %dma_start3A_1028 = arith.constant 1 : i32
        %dma_start3A_1029 = arith.constant 0 : i32
        %dma_start3A_1030 = arith.constant 1 : i32
        %dma_start3A_1031 = arith.constant 0 : i32
        %dma_start3A_1032 = arith.constant 0 : i32
        %dma_start3A_1033 = tpu.memref_slice %arg7[%dma_start3A_1029, %dma_start3A_1030, %dma_start3A_1031, %dma_start3A_1032] : memref<2x4x200x64xf32, #tpu.memory_space<vmem>> -> memref<1x1x40x64xf32, #tpu.memory_space<vmem>>
        %dma_start3A_1034 = tpu.memref_squeeze %dma_start3A_1033 : memref<1x1x40x64xf32, #tpu.memory_space<vmem>> -> memref<40x64xf32, #tpu.memory_space<vmem>>
        %dma_start3A_1035 = arith.constant 0 : i32
        %dma_start3A_1036 = tpu.memref_slice %arg6[%dma_start3A_1027, %dma_start3A_1028, %dma_start3A_1035] : memref<2x4x200xi32, #tpu.memory_space<vmem>> -> memref<1x1x40xi32, #tpu.memory_space<vmem>>
        %dma_start3A_1037 = tpu.memref_squeeze %dma_start3A_1036 : memref<1x1x40xi32, #tpu.memory_space<vmem>> -> memref<40xi32, #tpu.memory_space<vmem>>
        %dma_start3A_1038 = arith.constant 0 : i32
        %dma_start3A_1039 = arith.constant 0 : i32
        %dma_start3A_1040 = tpu.memref_slice %arg4[%dma_start3A_1038, %dma_start3A_1039] : memref<1000000x64xf32, #tpu.memory_space<hbm>> -> memref<1000000x64xf32, #tpu.memory_space<hbm>>
        tpu.enqueue_indirect_dma source(%dma_start3A_1040 : memref<1000000x64xf32, #tpu.memory_space<hbm>>) target(%dma_start3A_1034 : memref<40x64xf32, #tpu.memory_space<vmem>>) offsets(%dma_start3A_1037 : memref<40xi32, #tpu.memory_space<vmem>>) semaphore(%arg9 : memref<!tpu.dma_semaphore, #tpu.memory_space<semaphore_mem>>)
        %dma_start3A_1041 = arith.constant 0 : i32
        %dma_start3A_1042 = arith.constant 1 : i32
        %dma_start3A_1043 = arith.constant 0 : i32
        %dma_start3A_1044 = arith.constant 1 : i32
        %dma_start3A_1045 = arith.constant 40 : i32
        %dma_start3A_1046 = arith.constant 0 : i32
        %dma_start3A_1047 = tpu.memref_slice %arg7[%dma_start3A_1043, %dma_start3A_1044, %dma_start3A_1045, %dma_start3A_1046] : memref<2x4x200x64xf32, #tpu.memory_space<vmem>> -> memref<1x1x40x64xf32, #tpu.memory_space<vmem>>
        %dma_start3A_1048 = tpu.memref_squeeze %dma_start3A_1047 : memref<1x1x40x64xf32, #tpu.memory_space<vmem>> -> memref<40x64xf32, #tpu.memory_space<vmem>>
        %dma_start3A_1049 = arith.constant 40 : i32
        %dma_start3A_1050 = tpu.memref_slice %arg6[%dma_start3A_1041, %dma_start3A_1042, %dma_start3A_1049] : memref<2x4x200xi32, #tpu.memory_space<vmem>> -> memref<1x1x40xi32, #tpu.memory_space<vmem>>
        %dma_start3A_1051 = tpu.memref_squeeze %dma_start3A_1050 : memref<1x1x40xi32, #tpu.memory_space<vmem>> -> memref<40xi32, #tpu.memory_space<vmem>>
        %dma_start3A_1052 = arith.constant 0 : i32
        %dma_start3A_1053 = arith.constant 0 : i32
        %dma_start3A_1054 = tpu.memref_slice %arg4[%dma_start3A_1052, %dma_start3A_1053] : memref<1000000x64xf32, #tpu.memory_space<hbm>> -> memref<1000000x64xf32, #tpu.memory_space<hbm>>
        tpu.enqueue_indirect_dma source(%dma_start3A_1054 : memref<1000000x64xf32, #tpu.memory_space<hbm>>) target(%dma_start3A_1048 : memref<40x64xf32, #tpu.memory_space<vmem>>) offsets(%dma_start3A_1051 : memref<40xi32, #tpu.memory_space<vmem>>) semaphore(%arg9 : memref<!tpu.dma_semaphore, #tpu.memory_space<semaphore_mem>>)
        %dma_start3A_1055 = arith.constant 0 : i32
        %dma_start3A_1056 = arith.constant 1 : i32
        %dma_start3A_1057 = arith.constant 0 : i32
        %dma_start3A_1058 = arith.constant 1 : i32
        %dma_start3A_1059 = arith.constant 80 : i32
        %dma_start3A_1060 = arith.constant 0 : i32
        %dma_start3A_1061 = tpu.memref_slice %arg7[%dma_start3A_1057, %dma_start3A_1058, %dma_start3A_1059, %dma_start3A_1060] : memref<2x4x200x64xf32, #tpu.memory_space<vmem>> -> memref<1x1x40x64xf32, #tpu.memory_space<vmem>>
        %dma_start3A_1062 = tpu.memref_squeeze %dma_start3A_1061 : memref<1x1x40x64xf32, #tpu.memory_space<vmem>> -> memref<40x64xf32, #tpu.memory_space<vmem>>
        %dma_start3A_1063 = arith.constant 80 : i32
        %dma_start3A_1064 = tpu.memref_slice %arg6[%dma_start3A_1055, %dma_start3A_1056, %dma_start3A_1063] : memref<2x4x200xi32, #tpu.memory_space<vmem>> -> memref<1x1x40xi32, #tpu.memory_space<vmem>>
        %dma_start3A_1065 = tpu.memref_squeeze %dma_start3A_1064 : memref<1x1x40xi32, #tpu.memory_space<vmem>> -> memref<40xi32, #tpu.memory_space<vmem>>
        %dma_start3A_1066 = arith.constant 0 : i32
        %dma_start3A_1067 = arith.constant 0 : i32
        %dma_start3A_1068 = tpu.memref_slice %arg4[%dma_start3A_1066, %dma_start3A_1067] : memref<1000000x64xf32, #tpu.memory_space<hbm>> -> memref<1000000x64xf32, #tpu.memory_space<hbm>>
        tpu.enqueue_indirect_dma source(%dma_start3A_1068 : memref<1000000x64xf32, #tpu.memory_space<hbm>>) target(%dma_start3A_1062 : memref<40x64xf32, #tpu.memory_space<vmem>>) offsets(%dma_start3A_1065 : memref<40xi32, #tpu.memory_space<vmem>>) semaphore(%arg9 : memref<!tpu.dma_semaphore, #tpu.memory_space<semaphore_mem>>)
        %dma_start3A_1069 = arith.constant 0 : i32
        %dma_start3A_1070 = arith.constant 1 : i32
        %dma_start3A_1071 = arith.constant 0 : i32
        %dma_start3A_1072 = arith.constant 1 : i32
        %dma_start3A_1073 = arith.constant 120 : i32
        %dma_start3A_1074 = arith.constant 0 : i32
        %dma_start3A_1075 = tpu.memref_slice %arg7[%dma_start3A_1071, %dma_start3A_1072, %dma_start3A_1073, %dma_start3A_1074] : memref<2x4x200x64xf32, #tpu.memory_space<vmem>> -> memref<1x1x40x64xf32, #tpu.memory_space<vmem>>
        %dma_start3A_1076 = tpu.memref_squeeze %dma_start3A_1075 : memref<1x1x40x64xf32, #tpu.memory_space<vmem>> -> memref<40x64xf32, #tpu.memory_space<vmem>>
        %dma_start3A_1077 = arith.constant 120 : i32
        %dma_start3A_1078 = tpu.memref_slice %arg6[%dma_start3A_1069, %dma_start3A_1070, %dma_start3A_1077] : memref<2x4x200xi32, #tpu.memory_space<vmem>> -> memref<1x1x40xi32, #tpu.memory_space<vmem>>
        %dma_start3A_1079 = tpu.memref_squeeze %dma_start3A_1078 : memref<1x1x40xi32, #tpu.memory_space<vmem>> -> memref<40xi32, #tpu.memory_space<vmem>>
        %dma_start3A_1080 = arith.constant 0 : i32
        %dma_start3A_1081 = arith.constant 0 : i32
        %dma_start3A_1082 = tpu.memref_slice %arg4[%dma_start3A_1080, %dma_start3A_1081] : memref<1000000x64xf32, #tpu.memory_space<hbm>> -> memref<1000000x64xf32, #tpu.memory_space<hbm>>
        tpu.enqueue_indirect_dma source(%dma_start3A_1082 : memref<1000000x64xf32, #tpu.memory_space<hbm>>) target(%dma_start3A_1076 : memref<40x64xf32, #tpu.memory_space<vmem>>) offsets(%dma_start3A_1079 : memref<40xi32, #tpu.memory_space<vmem>>) semaphore(%arg9 : memref<!tpu.dma_semaphore, #tpu.memory_space<semaphore_mem>>)
        %dma_start3A_1083 = arith.constant 0 : i32
        %dma_start3A_1084 = arith.constant 1 : i32
        %dma_start3A_1085 = arith.constant 0 : i32
        %dma_start3A_1086 = arith.constant 1 : i32
        %dma_start3A_1087 = arith.constant 160 : i32
        %dma_start3A_1088 = arith.constant 0 : i32
        %dma_start3A_1089 = tpu.memref_slice %arg7[%dma_start3A_1085, %dma_start3A_1086, %dma_start3A_1087, %dma_start3A_1088] : memref<2x4x200x64xf32, #tpu.memory_space<vmem>> -> memref<1x1x40x64xf32, #tpu.memory_space<vmem>>
        %dma_start3A_1090 = tpu.memref_squeeze %dma_start3A_1089 : memref<1x1x40x64xf32, #tpu.memory_space<vmem>> -> memref<40x64xf32, #tpu.memory_space<vmem>>
        %dma_start3A_1091 = arith.constant 160 : i32
        %dma_start3A_1092 = tpu.memref_slice %arg6[%dma_start3A_1083, %dma_start3A_1084, %dma_start3A_1091] : memref<2x4x200xi32, #tpu.memory_space<vmem>> -> memref<1x1x40xi32, #tpu.memory_space<vmem>>
        %dma_start3A_1093 = tpu.memref_squeeze %dma_start3A_1092 : memref<1x1x40xi32, #tpu.memory_space<vmem>> -> memref<40xi32, #tpu.memory_space<vmem>>
        %dma_start3A_1094 = arith.constant 0 : i32
        %dma_start3A_1095 = arith.constant 0 : i32
        %dma_start3A_1096 = tpu.memref_slice %arg4[%dma_start3A_1094, %dma_start3A_1095] : memref<1000000x64xf32, #tpu.memory_space<hbm>> -> memref<1000000x64xf32, #tpu.memory_space<hbm>>
        tpu.enqueue_indirect_dma source(%dma_start3A_1096 : memref<1000000x64xf32, #tpu.memory_space<hbm>>) target(%dma_start3A_1090 : memref<40x64xf32, #tpu.memory_space<vmem>>) offsets(%dma_start3A_1093 : memref<40xi32, #tpu.memory_space<vmem>>) semaphore(%arg9 : memref<!tpu.dma_semaphore, #tpu.memory_space<semaphore_mem>>)
        %dma_start3A_1097 = arith.constant 0 : i32
        %dma_start3A_1098 = arith.constant 2 : i32
        %dma_start3A_1099 = arith.constant 0 : i32
        %dma_start3A_1100 = arith.constant 2 : i32
        %dma_start3A_1101 = arith.constant 0 : i32
        %dma_start3A_1102 = arith.constant 0 : i32
        %dma_start3A_1103 = tpu.memref_slice %arg7[%dma_start3A_1099, %dma_start3A_1100, %dma_start3A_1101, %dma_start3A_1102] : memref<2x4x200x64xf32, #tpu.memory_space<vmem>> -> memref<1x1x40x64xf32, #tpu.memory_space<vmem>>
        %dma_start3A_1104 = tpu.memref_squeeze %dma_start3A_1103 : memref<1x1x40x64xf32, #tpu.memory_space<vmem>> -> memref<40x64xf32, #tpu.memory_space<vmem>>
        %dma_start3A_1105 = arith.constant 0 : i32
        %dma_start3A_1106 = tpu.memref_slice %arg6[%dma_start3A_1097, %dma_start3A_1098, %dma_start3A_1105] : memref<2x4x200xi32, #tpu.memory_space<vmem>> -> memref<1x1x40xi32, #tpu.memory_space<vmem>>
        %dma_start3A_1107 = tpu.memref_squeeze %dma_start3A_1106 : memref<1x1x40xi32, #tpu.memory_space<vmem>> -> memref<40xi32, #tpu.memory_space<vmem>>
        %dma_start3A_1108 = arith.constant 0 : i32
        %dma_start3A_1109 = arith.constant 0 : i32
        %dma_start3A_1110 = tpu.memref_slice %arg4[%dma_start3A_1108, %dma_start3A_1109] : memref<1000000x64xf32, #tpu.memory_space<hbm>> -> memref<1000000x64xf32, #tpu.memory_space<hbm>>
        tpu.enqueue_indirect_dma source(%dma_start3A_1110 : memref<1000000x64xf32, #tpu.memory_space<hbm>>) target(%dma_start3A_1104 : memref<40x64xf32, #tpu.memory_space<vmem>>) offsets(%dma_start3A_1107 : memref<40xi32, #tpu.memory_space<vmem>>) semaphore(%arg9 : memref<!tpu.dma_semaphore, #tpu.memory_space<semaphore_mem>>)
        %dma_start3A_1111 = arith.constant 0 : i32
        %dma_start3A_1112 = arith.constant 2 : i32
        %dma_start3A_1113 = arith.constant 0 : i32
        %dma_start3A_1114 = arith.constant 2 : i32
        %dma_start3A_1115 = arith.constant 40 : i32
        %dma_start3A_1116 = arith.constant 0 : i32
        %dma_start3A_1117 = tpu.memref_slice %arg7[%dma_start3A_1113, %dma_start3A_1114, %dma_start3A_1115, %dma_start3A_1116] : memref<2x4x200x64xf32, #tpu.memory_space<vmem>> -> memref<1x1x40x64xf32, #tpu.memory_space<vmem>>
        %dma_start3A_1118 = tpu.memref_squeeze %dma_start3A_1117 : memref<1x1x40x64xf32, #tpu.memory_space<vmem>> -> memref<40x64xf32, #tpu.memory_space<vmem>>
        %dma_start3A_1119 = arith.constant 40 : i32
        %dma_start3A_1120 = tpu.memref_slice %arg6[%dma_start3A_1111, %dma_start3A_1112, %dma_start3A_1119] : memref<2x4x200xi32, #tpu.memory_space<vmem>> -> memref<1x1x40xi32, #tpu.memory_space<vmem>>
        %dma_start3A_1121 = tpu.memref_squeeze %dma_start3A_1120 : memref<1x1x40xi32, #tpu.memory_space<vmem>> -> memref<40xi32, #tpu.memory_space<vmem>>
        %dma_start3A_1122 = arith.constant 0 : i32
        %dma_start3A_1123 = arith.constant 0 : i32
        %dma_start3A_1124 = tpu.memref_slice %arg4[%dma_start3A_1122, %dma_start3A_1123] : memref<1000000x64xf32, #tpu.memory_space<hbm>> -> memref<1000000x64xf32, #tpu.memory_space<hbm>>
        tpu.enqueue_indirect_dma source(%dma_start3A_1124 : memref<1000000x64xf32, #tpu.memory_space<hbm>>) target(%dma_start3A_1118 : memref<40x64xf32, #tpu.memory_space<vmem>>) offsets(%dma_start3A_1121 : memref<40xi32, #tpu.memory_space<vmem>>) semaphore(%arg9 : memref<!tpu.dma_semaphore, #tpu.memory_space<semaphore_mem>>)
        %dma_start3A_1125 = arith.constant 0 : i32
        %dma_start3A_1126 = arith.constant 2 : i32
        %dma_start3A_1127 = arith.constant 0 : i32
        %dma_start3A_1128 = arith.constant 2 : i32
        %dma_start3A_1129 = arith.constant 80 : i32
        %dma_start3A_1130 = arith.constant 0 : i32
        %dma_start3A_1131 = tpu.memref_slice %arg7[%dma_start3A_1127, %dma_start3A_1128, %dma_start3A_1129, %dma_start3A_1130] : memref<2x4x200x64xf32, #tpu.memory_space<vmem>> -> memref<1x1x40x64xf32, #tpu.memory_space<vmem>>
        %dma_start3A_1132 = tpu.memref_squeeze %dma_start3A_1131 : memref<1x1x40x64xf32, #tpu.memory_space<vmem>> -> memref<40x64xf32, #tpu.memory_space<vmem>>
        %dma_start3A_1133 = arith.constant 80 : i32
        %dma_start3A_1134 = tpu.memref_slice %arg6[%dma_start3A_1125, %dma_start3A_1126, %dma_start3A_1133] : memref<2x4x200xi32, #tpu.memory_space<vmem>> -> memref<1x1x40xi32, #tpu.memory_space<vmem>>
        %dma_start3A_1135 = tpu.memref_squeeze %dma_start3A_1134 : memref<1x1x40xi32, #tpu.memory_space<vmem>> -> memref<40xi32, #tpu.memory_space<vmem>>
        %dma_start3A_1136 = arith.constant 0 : i32
        %dma_start3A_1137 = arith.constant 0 : i32
        %dma_start3A_1138 = tpu.memref_slice %arg4[%dma_start3A_1136, %dma_start3A_1137] : memref<1000000x64xf32, #tpu.memory_space<hbm>> -> memref<1000000x64xf32, #tpu.memory_space<hbm>>
        tpu.enqueue_indirect_dma source(%dma_start3A_1138 : memref<1000000x64xf32, #tpu.memory_space<hbm>>) target(%dma_start3A_1132 : memref<40x64xf32, #tpu.memory_space<vmem>>) offsets(%dma_start3A_1135 : memref<40xi32, #tpu.memory_space<vmem>>) semaphore(%arg9 : memref<!tpu.dma_semaphore, #tpu.memory_space<semaphore_mem>>)
        %dma_start3A_1139 = arith.constant 0 : i32
        %dma_start3A_1140 = arith.constant 2 : i32
        %dma_start3A_1141 = arith.constant 0 : i32
        %dma_start3A_1142 = arith.constant 2 : i32
        %dma_start3A_1143 = arith.constant 120 : i32
        %dma_start3A_1144 = arith.constant 0 : i32
        %dma_start3A_1145 = tpu.memref_slice %arg7[%dma_start3A_1141, %dma_start3A_1142, %dma_start3A_1143, %dma_start3A_1144] : memref<2x4x200x64xf32, #tpu.memory_space<vmem>> -> memref<1x1x40x64xf32, #tpu.memory_space<vmem>>
        %dma_start3A_1146 = tpu.memref_squeeze %dma_start3A_1145 : memref<1x1x40x64xf32, #tpu.memory_space<vmem>> -> memref<40x64xf32, #tpu.memory_space<vmem>>
        %dma_start3A_1147 = arith.constant 120 : i32
        %dma_start3A_1148 = tpu.memref_slice %arg6[%dma_start3A_1139, %dma_start3A_1140, %dma_start3A_1147] : memref<2x4x200xi32, #tpu.memory_space<vmem>> -> memref<1x1x40xi32, #tpu.memory_space<vmem>>
        %dma_start3A_1149 = tpu.memref_squeeze %dma_start3A_1148 : memref<1x1x40xi32, #tpu.memory_space<vmem>> -> memref<40xi32, #tpu.memory_space<vmem>>
        %dma_start3A_1150 = arith.constant 0 : i32
        %dma_start3A_1151 = arith.constant 0 : i32
        %dma_start3A_1152 = tpu.memref_slice %arg4[%dma_start3A_1150, %dma_start3A_1151] : memref<1000000x64xf32, #tpu.memory_space<hbm>> -> memref<1000000x64xf32, #tpu.memory_space<hbm>>
        tpu.enqueue_indirect_dma source(%dma_start3A_1152 : memref<1000000x64xf32, #tpu.memory_space<hbm>>) target(%dma_start3A_1146 : memref<40x64xf32, #tpu.memory_space<vmem>>) offsets(%dma_start3A_1149 : memref<40xi32, #tpu.memory_space<vmem>>) semaphore(%arg9 : memref<!tpu.dma_semaphore, #tpu.memory_space<semaphore_mem>>)
        %dma_start3A_1153 = arith.constant 0 : i32
        %dma_start3A_1154 = arith.constant 2 : i32
        %dma_start3A_1155 = arith.constant 0 : i32
        %dma_start3A_1156 = arith.constant 2 : i32
        %dma_start3A_1157 = arith.constant 160 : i32
        %dma_start3A_1158 = arith.constant 0 : i32
        %dma_start3A_1159 = tpu.memref_slice %arg7[%dma_start3A_1155, %dma_start3A_1156, %dma_start3A_1157, %dma_start3A_1158] : memref<2x4x200x64xf32, #tpu.memory_space<vmem>> -> memref<1x1x40x64xf32, #tpu.memory_space<vmem>>
        %dma_start3A_1160 = tpu.memref_squeeze %dma_start3A_1159 : memref<1x1x40x64xf32, #tpu.memory_space<vmem>> -> memref<40x64xf32, #tpu.memory_space<vmem>>
        %dma_start3A_1161 = arith.constant 160 : i32
        %dma_start3A_1162 = tpu.memref_slice %arg6[%dma_start3A_1153, %dma_start3A_1154, %dma_start3A_1161] : memref<2x4x200xi32, #tpu.memory_space<vmem>> -> memref<1x1x40xi32, #tpu.memory_space<vmem>>
        %dma_start3A_1163 = tpu.memref_squeeze %dma_start3A_1162 : memref<1x1x40xi32, #tpu.memory_space<vmem>> -> memref<40xi32, #tpu.memory_space<vmem>>
        %dma_start3A_1164 = arith.constant 0 : i32
        %dma_start3A_1165 = arith.constant 0 : i32
        %dma_start3A_1166 = tpu.memref_slice %arg4[%dma_start3A_1164, %dma_start3A_1165] : memref<1000000x64xf32, #tpu.memory_space<hbm>> -> memref<1000000x64xf32, #tpu.memory_space<hbm>>
        tpu.enqueue_indirect_dma source(%dma_start3A_1166 : memref<1000000x64xf32, #tpu.memory_space<hbm>>) target(%dma_start3A_1160 : memref<40x64xf32, #tpu.memory_space<vmem>>) offsets(%dma_start3A_1163 : memref<40xi32, #tpu.memory_space<vmem>>) semaphore(%arg9 : memref<!tpu.dma_semaphore, #tpu.memory_space<semaphore_mem>>)
        %dma_start3A_1167 = arith.constant 0 : i32
        %dma_start3A_1168 = arith.constant 3 : i32
        %dma_start3A_1169 = arith.constant 0 : i32
        %dma_start3A_1170 = arith.constant 3 : i32
        %dma_start3A_1171 = arith.constant 0 : i32
        %dma_start3A_1172 = arith.constant 0 : i32
        %dma_start3A_1173 = tpu.memref_slice %arg7[%dma_start3A_1169, %dma_start3A_1170, %dma_start3A_1171, %dma_start3A_1172] : memref<2x4x200x64xf32, #tpu.memory_space<vmem>> -> memref<1x1x40x64xf32, #tpu.memory_space<vmem>>
        %dma_start3A_1174 = tpu.memref_squeeze %dma_start3A_1173 : memref<1x1x40x64xf32, #tpu.memory_space<vmem>> -> memref<40x64xf32, #tpu.memory_space<vmem>>
        %dma_start3A_1175 = arith.constant 0 : i32
        %dma_start3A_1176 = tpu.memref_slice %arg6[%dma_start3A_1167, %dma_start3A_1168, %dma_start3A_1175] : memref<2x4x200xi32, #tpu.memory_space<vmem>> -> memref<1x1x40xi32, #tpu.memory_space<vmem>>
        %dma_start3A_1177 = tpu.memref_squeeze %dma_start3A_1176 : memref<1x1x40xi32, #tpu.memory_space<vmem>> -> memref<40xi32, #tpu.memory_space<vmem>>
        %dma_start3A_1178 = arith.constant 0 : i32
        %dma_start3A_1179 = arith.constant 0 : i32
        %dma_start3A_1180 = tpu.memref_slice %arg4[%dma_start3A_1178, %dma_start3A_1179] : memref<1000000x64xf32, #tpu.memory_space<hbm>> -> memref<1000000x64xf32, #tpu.memory_space<hbm>>
        tpu.enqueue_indirect_dma source(%dma_start3A_1180 : memref<1000000x64xf32, #tpu.memory_space<hbm>>) target(%dma_start3A_1174 : memref<40x64xf32, #tpu.memory_space<vmem>>) offsets(%dma_start3A_1177 : memref<40xi32, #tpu.memory_space<vmem>>) semaphore(%arg9 : memref<!tpu.dma_semaphore, #tpu.memory_space<semaphore_mem>>)
        %dma_start3A_1181 = arith.constant 0 : i32
        %dma_start3A_1182 = arith.constant 3 : i32
        %dma_start3A_1183 = arith.constant 0 : i32
        %dma_start3A_1184 = arith.constant 3 : i32
        %dma_start3A_1185 = arith.constant 40 : i32
        %dma_start3A_1186 = arith.constant 0 : i32
        %dma_start3A_1187 = tpu.memref_slice %arg7[%dma_start3A_1183, %dma_start3A_1184, %dma_start3A_1185, %dma_start3A_1186] : memref<2x4x200x64xf32, #tpu.memory_space<vmem>> -> memref<1x1x40x64xf32, #tpu.memory_space<vmem>>
        %dma_start3A_1188 = tpu.memref_squeeze %dma_start3A_1187 : memref<1x1x40x64xf32, #tpu.memory_space<vmem>> -> memref<40x64xf32, #tpu.memory_space<vmem>>
        %dma_start3A_1189 = arith.constant 40 : i32
        %dma_start3A_1190 = tpu.memref_slice %arg6[%dma_start3A_1181, %dma_start3A_1182, %dma_start3A_1189] : memref<2x4x200xi32, #tpu.memory_space<vmem>> -> memref<1x1x40xi32, #tpu.memory_space<vmem>>
        %dma_start3A_1191 = tpu.memref_squeeze %dma_start3A_1190 : memref<1x1x40xi32, #tpu.memory_space<vmem>> -> memref<40xi32, #tpu.memory_space<vmem>>
        %dma_start3A_1192 = arith.constant 0 : i32
        %dma_start3A_1193 = arith.constant 0 : i32
        %dma_start3A_1194 = tpu.memref_slice %arg4[%dma_start3A_1192, %dma_start3A_1193] : memref<1000000x64xf32, #tpu.memory_space<hbm>> -> memref<1000000x64xf32, #tpu.memory_space<hbm>>
        tpu.enqueue_indirect_dma source(%dma_start3A_1194 : memref<1000000x64xf32, #tpu.memory_space<hbm>>) target(%dma_start3A_1188 : memref<40x64xf32, #tpu.memory_space<vmem>>) offsets(%dma_start3A_1191 : memref<40xi32, #tpu.memory_space<vmem>>) semaphore(%arg9 : memref<!tpu.dma_semaphore, #tpu.memory_space<semaphore_mem>>)
        %dma_start3A_1195 = arith.constant 0 : i32
        %dma_start3A_1196 = arith.constant 3 : i32
        %dma_start3A_1197 = arith.constant 0 : i32
        %dma_start3A_1198 = arith.constant 3 : i32
        %dma_start3A_1199 = arith.constant 80 : i32
        %dma_start3A_1200 = arith.constant 0 : i32
        %dma_start3A_1201 = tpu.memref_slice %arg7[%dma_start3A_1197, %dma_start3A_1198, %dma_start3A_1199, %dma_start3A_1200] : memref<2x4x200x64xf32, #tpu.memory_space<vmem>> -> memref<1x1x40x64xf32, #tpu.memory_space<vmem>>
        %dma_start3A_1202 = tpu.memref_squeeze %dma_start3A_1201 : memref<1x1x40x64xf32, #tpu.memory_space<vmem>> -> memref<40x64xf32, #tpu.memory_space<vmem>>
        %dma_start3A_1203 = arith.constant 80 : i32
        %dma_start3A_1204 = tpu.memref_slice %arg6[%dma_start3A_1195, %dma_start3A_1196, %dma_start3A_1203] : memref<2x4x200xi32, #tpu.memory_space<vmem>> -> memref<1x1x40xi32, #tpu.memory_space<vmem>>
        %dma_start3A_1205 = tpu.memref_squeeze %dma_start3A_1204 : memref<1x1x40xi32, #tpu.memory_space<vmem>> -> memref<40xi32, #tpu.memory_space<vmem>>
        %dma_start3A_1206 = arith.constant 0 : i32
        %dma_start3A_1207 = arith.constant 0 : i32
        %dma_start3A_1208 = tpu.memref_slice %arg4[%dma_start3A_1206, %dma_start3A_1207] : memref<1000000x64xf32, #tpu.memory_space<hbm>> -> memref<1000000x64xf32, #tpu.memory_space<hbm>>
        tpu.enqueue_indirect_dma source(%dma_start3A_1208 : memref<1000000x64xf32, #tpu.memory_space<hbm>>) target(%dma_start3A_1202 : memref<40x64xf32, #tpu.memory_space<vmem>>) offsets(%dma_start3A_1205 : memref<40xi32, #tpu.memory_space<vmem>>) semaphore(%arg9 : memref<!tpu.dma_semaphore, #tpu.memory_space<semaphore_mem>>)
        %dma_start3A_1209 = arith.constant 0 : i32
        %dma_start3A_1210 = arith.constant 3 : i32
        %dma_start3A_1211 = arith.constant 0 : i32
        %dma_start3A_1212 = arith.constant 3 : i32
        %dma_start3A_1213 = arith.constant 120 : i32
        %dma_start3A_1214 = arith.constant 0 : i32
        %dma_start3A_1215 = tpu.memref_slice %arg7[%dma_start3A_1211, %dma_start3A_1212, %dma_start3A_1213, %dma_start3A_1214] : memref<2x4x200x64xf32, #tpu.memory_space<vmem>> -> memref<1x1x40x64xf32, #tpu.memory_space<vmem>>
        %dma_start3A_1216 = tpu.memref_squeeze %dma_start3A_1215 : memref<1x1x40x64xf32, #tpu.memory_space<vmem>> -> memref<40x64xf32, #tpu.memory_space<vmem>>
        %dma_start3A_1217 = arith.constant 120 : i32
        %dma_start3A_1218 = tpu.memref_slice %arg6[%dma_start3A_1209, %dma_start3A_1210, %dma_start3A_1217] : memref<2x4x200xi32, #tpu.memory_space<vmem>> -> memref<1x1x40xi32, #tpu.memory_space<vmem>>
        %dma_start3A_1219 = tpu.memref_squeeze %dma_start3A_1218 : memref<1x1x40xi32, #tpu.memory_space<vmem>> -> memref<40xi32, #tpu.memory_space<vmem>>
        %dma_start3A_1220 = arith.constant 0 : i32
        %dma_start3A_1221 = arith.constant 0 : i32
        %dma_start3A_1222 = tpu.memref_slice %arg4[%dma_start3A_1220, %dma_start3A_1221] : memref<1000000x64xf32, #tpu.memory_space<hbm>> -> memref<1000000x64xf32, #tpu.memory_space<hbm>>
        tpu.enqueue_indirect_dma source(%dma_start3A_1222 : memref<1000000x64xf32, #tpu.memory_space<hbm>>) target(%dma_start3A_1216 : memref<40x64xf32, #tpu.memory_space<vmem>>) offsets(%dma_start3A_1219 : memref<40xi32, #tpu.memory_space<vmem>>) semaphore(%arg9 : memref<!tpu.dma_semaphore, #tpu.memory_space<semaphore_mem>>)
        %dma_start3A_1223 = arith.constant 0 : i32
        %dma_start3A_1224 = arith.constant 3 : i32
        %dma_start3A_1225 = arith.constant 0 : i32
        %dma_start3A_1226 = arith.constant 3 : i32
        %dma_start3A_1227 = arith.constant 160 : i32
        %dma_start3A_1228 = arith.constant 0 : i32
        %dma_start3A_1229 = tpu.memref_slice %arg7[%dma_start3A_1225, %dma_start3A_1226, %dma_start3A_1227, %dma_start3A_1228] : memref<2x4x200x64xf32, #tpu.memory_space<vmem>> -> memref<1x1x40x64xf32, #tpu.memory_space<vmem>>
        %dma_start3A_1230 = tpu.memref_squeeze %dma_start3A_1229 : memref<1x1x40x64xf32, #tpu.memory_space<vmem>> -> memref<40x64xf32, #tpu.memory_space<vmem>>
        %dma_start3A_1231 = arith.constant 160 : i32
        %dma_start3A_1232 = tpu.memref_slice %arg6[%dma_start3A_1223, %dma_start3A_1224, %dma_start3A_1231] : memref<2x4x200xi32, #tpu.memory_space<vmem>> -> memref<1x1x40xi32, #tpu.memory_space<vmem>>
        %dma_start3A_1233 = tpu.memref_squeeze %dma_start3A_1232 : memref<1x1x40xi32, #tpu.memory_space<vmem>> -> memref<40xi32, #tpu.memory_space<vmem>>
        %dma_start3A_1234 = arith.constant 0 : i32
        %dma_start3A_1235 = arith.constant 0 : i32
        %dma_start3A_1236 = tpu.memref_slice %arg4[%dma_start3A_1234, %dma_start3A_1235] : memref<1000000x64xf32, #tpu.memory_space<hbm>> -> memref<1000000x64xf32, #tpu.memory_space<hbm>>
        tpu.enqueue_indirect_dma source(%dma_start3A_1236 : memref<1000000x64xf32, #tpu.memory_space<hbm>>) target(%dma_start3A_1230 : memref<40x64xf32, #tpu.memory_space<vmem>>) offsets(%dma_start3A_1233 : memref<40xi32, #tpu.memory_space<vmem>>) semaphore(%arg9 : memref<!tpu.dma_semaphore, #tpu.memory_space<semaphore_mem>>)
      } else {
      }
      %scan3A_927 = arith.constant 0 : i32
      %scan3A_928 = arith.constant 0 : i32
      %scan3A_929 = arith.constant 200 : i32
      %scan3A_930 = arith.addi %scan3A_928, %scan3A_929 : i32
      %scan3A_931 = arith.constant 1 : i32
      scf.for %scan3A_952 = %scan3A_928 to %scan3A_930 step %scan3A_931  : i32 {
        %get3A = arith.constant 1 : i32
        %get3A_953 = arith.constant 0 : i32
        %get3A_954 = arith.index_cast %get3A : i32 to index
        %get3A_955 = arith.index_cast %get3A_953 : i32 to index
        %get3A_956 = arith.index_cast %scan3A_952 : i32 to index
        %get3A_957 = arith.constant 0 : index
        %get3A_958 = tpu.vector_load %arg7[%get3A_954, %get3A_955, %get3A_956, %get3A_957] {strides = array<i32>} : memref<2x4x200x64xf32, #tpu.memory_space<vmem>>, vector<1x1x1x16xf32>,
        %get3A_959 = vector.shape_cast %get3A_958 : vector<1x1x1x16xf32> to vector<16xf32>
        %get3A_960 = arith.index_cast %scan3A_952 : i32 to index
        %get3A_961 = arith.constant 0 : index
        %get3A_962 = tpu.vector_load %arg8[%get3A_960, %get3A_961] {strides = array<i32>} : memref<200x64xf32, #tpu.memory_space<vmem>>, vector<1x16xf32>,
        %get3A_963 = vector.shape_cast %get3A_962 : vector<1x16xf32> to vector<16xf32>
        %add3A_964 = arith.addf %get3A_959, %get3A_963 : vector<16xf32>
        %swap3A = arith.constant 1 : i32
        %swap3A_965 = arith.constant 0 : i32
        %swap3A_966 = arith.index_cast %swap3A : i32 to index
        %swap3A_967 = arith.index_cast %swap3A_965 : i32 to index
        %swap3A_968 = arith.index_cast %scan3A_952 : i32 to index
        %swap3A_969 = arith.constant 0 : index
        %swap3A_970 = tpu.vector_load %arg7[%swap3A_966, %swap3A_967, %swap3A_968, %swap3A_969] {strides = array<i32>} : memref<2x4x200x64xf32, #tpu.memory_space<vmem>>, vector<1x1x1x16xf32>,
        %swap3A_971 = vector.shape_cast %swap3A_970 : vector<1x1x1x16xf32> to vector<16xf32>
        %swap3A_972 = vector.shape_cast %add3A_964 : vector<16xf32> to vector<1x1x1x16xf32>
        tpu.vector_store %arg7[%swap3A_966, %swap3A_967, %swap3A_968, %swap3A_969], %swap3A_972 {strides = array<i32>} : memref<2x4x200x64xf32, #tpu.memory_space<vmem>>, vector<1x1x1x16xf32>,
        %get3A_973 = arith.constant 1 : i32
        %get3A_974 = arith.constant 0 : i32
        %get3A_975 = arith.index_cast %get3A_973 : i32 to index
        %get3A_976 = arith.index_cast %get3A_974 : i32 to index
        %get3A_977 = arith.index_cast %scan3A_952 : i32 to index
        %get3A_978 = arith.constant 16 : index
        %get3A_979 = tpu.vector_load %arg7[%get3A_975, %get3A_976, %get3A_977, %get3A_978] {strides = array<i32>} : memref<2x4x200x64xf32, #tpu.memory_space<vmem>>, vector<1x1x1x16xf32>,
        %get3A_980 = vector.shape_cast %get3A_979 : vector<1x1x1x16xf32> to vector<16xf32>
        %get3A_981 = arith.index_cast %scan3A_952 : i32 to index
        %get3A_982 = arith.constant 16 : index
        %get3A_983 = tpu.vector_load %arg8[%get3A_981, %get3A_982] {strides = array<i32>} : memref<200x64xf32, #tpu.memory_space<vmem>>, vector<1x16xf32>,
        %get3A_984 = vector.shape_cast %get3A_983 : vector<1x16xf32> to vector<16xf32>
        %add3A_985 = arith.addf %get3A_980, %get3A_984 : vector<16xf32>
        %swap3A_986 = arith.constant 1 : i32
        %swap3A_987 = arith.constant 0 : i32
        %swap3A_988 = arith.index_cast %swap3A_986 : i32 to index
        %swap3A_989 = arith.index_cast %swap3A_987 : i32 to index
        %swap3A_990 = arith.index_cast %scan3A_952 : i32 to index
        %swap3A_991 = arith.constant 16 : index
        %swap3A_992 = tpu.vector_load %arg7[%swap3A_988, %swap3A_989, %swap3A_990, %swap3A_991] {strides = array<i32>} : memref<2x4x200x64xf32, #tpu.memory_space<vmem>>, vector<1x1x1x16xf32>,
        %swap3A_993 = vector.shape_cast %swap3A_992 : vector<1x1x1x16xf32> to vector<16xf32>
        %swap3A_994 = vector.shape_cast %add3A_985 : vector<16xf32> to vector<1x1x1x16xf32>
        tpu.vector_store %arg7[%swap3A_988, %swap3A_989, %swap3A_990, %swap3A_991], %swap3A_994 {strides = array<i32>} : memref<2x4x200x64xf32, #tpu.memory_space<vmem>>, vector<1x1x1x16xf32>,
        %get3A_995 = arith.constant 1 : i32
        %get3A_996 = arith.constant 0 : i32
        %get3A_997 = arith.index_cast %get3A_995 : i32 to index
        %get3A_998 = arith.index_cast %get3A_996 : i32 to index
        %get3A_999 = arith.index_cast %scan3A_952 : i32 to index
        %get3A_1000 = arith.constant 32 : index
        %get3A_1001 = tpu.vector_load %arg7[%get3A_997, %get3A_998, %get3A_999, %get3A_1000] {strides = array<i32>} : memref<2x4x200x64xf32, #tpu.memory_space<vmem>>, vector<1x1x1x16xf32>,
        %get3A_1002 = vector.shape_cast %get3A_1001 : vector<1x1x1x16xf32> to vector<16xf32>
        %get3A_1003 = arith.index_cast %scan3A_952 : i32 to index
        %get3A_1004 = arith.constant 32 : index
        %get3A_1005 = tpu.vector_load %arg8[%get3A_1003, %get3A_1004] {strides = array<i32>} : memref<200x64xf32, #tpu.memory_space<vmem>>, vector<1x16xf32>,
        %get3A_1006 = vector.shape_cast %get3A_1005 : vector<1x16xf32> to vector<16xf32>
        %add3A_1007 = arith.addf %get3A_1002, %get3A_1006 : vector<16xf32>
        %swap3A_1008 = arith.constant 1 : i32
        %swap3A_1009 = arith.constant 0 : i32
        %swap3A_1010 = arith.index_cast %swap3A_1008 : i32 to index
        %swap3A_1011 = arith.index_cast %swap3A_1009 : i32 to index
        %swap3A_1012 = arith.index_cast %scan3A_952 : i32 to index
        %swap3A_1013 = arith.constant 32 : index
        %swap3A_1014 = tpu.vector_load %arg7[%swap3A_1010, %swap3A_1011, %swap3A_1012, %swap3A_1013] {strides = array<i32>} : memref<2x4x200x64xf32, #tpu.memory_space<vmem>>, vector<1x1x1x16xf32>,
        %swap3A_1015 = vector.shape_cast %swap3A_1014 : vector<1x1x1x16xf32> to vector<16xf32>
        %swap3A_1016 = vector.shape_cast %add3A_1007 : vector<16xf32> to vector<1x1x1x16xf32>
        tpu.vector_store %arg7[%swap3A_1010, %swap3A_1011, %swap3A_1012, %swap3A_1013], %swap3A_1016 {strides = array<i32>} : memref<2x4x200x64xf32, #tpu.memory_space<vmem>>, vector<1x1x1x16xf32>,
        %get3A_1017 = arith.constant 1 : i32
        %get3A_1018 = arith.constant 0 : i32
        %get3A_1019 = arith.index_cast %get3A_1017 : i32 to index
        %get3A_1020 = arith.index_cast %get3A_1018 : i32 to index
        %get3A_1021 = arith.index_cast %scan3A_952 : i32 to index
        %get3A_1022 = arith.constant 48 : index
        %get3A_1023 = tpu.vector_load %arg7[%get3A_1019, %get3A_1020, %get3A_1021, %get3A_1022] {strides = array<i32>} : memref<2x4x200x64xf32, #tpu.memory_space<vmem>>, vector<1x1x1x16xf32>,
        %get3A_1024 = vector.shape_cast %get3A_1023 : vector<1x1x1x16xf32> to vector<16xf32>
        %get3A_1025 = arith.index_cast %scan3A_952 : i32 to index
        %get3A_1026 = arith.constant 48 : index
        %get3A_1027 = tpu.vector_load %arg8[%get3A_1025, %get3A_1026] {strides = array<i32>} : memref<200x64xf32, #tpu.memory_space<vmem>>, vector<1x16xf32>,
        %get3A_1028 = vector.shape_cast %get3A_1027 : vector<1x16xf32> to vector<16xf32>
        %add3A_1029 = arith.addf %get3A_1024, %get3A_1028 : vector<16xf32>
        %swap3A_1030 = arith.constant 1 : i32
        %swap3A_1031 = arith.constant 0 : i32
        %swap3A_1032 = arith.index_cast %swap3A_1030 : i32 to index
        %swap3A_1033 = arith.index_cast %swap3A_1031 : i32 to index
        %swap3A_1034 = arith.index_cast %scan3A_952 : i32 to index
        %swap3A_1035 = arith.constant 48 : index
        %swap3A_1036 = tpu.vector_load %arg7[%swap3A_1032, %swap3A_1033, %swap3A_1034, %swap3A_1035] {strides = array<i32>} : memref<2x4x200x64xf32, #tpu.memory_space<vmem>>, vector<1x1x1x16xf32>,
        %swap3A_1037 = vector.shape_cast %swap3A_1036 : vector<1x1x1x16xf32> to vector<16xf32>
        %swap3A_1038 = vector.shape_cast %add3A_1029 : vector<16xf32> to vector<1x1x1x16xf32>
        tpu.vector_store %arg7[%swap3A_1032, %swap3A_1033, %swap3A_1034, %swap3A_1035], %swap3A_1038 {strides = array<i32>} : memref<2x4x200x64xf32, #tpu.memory_space<vmem>>, vector<1x1x1x16xf32>,
        %get3A_1039 = arith.constant 1 : i32
        %get3A_1040 = arith.constant 1 : i32
        %get3A_1041 = arith.index_cast %get3A_1039 : i32 to index
        %get3A_1042 = arith.index_cast %get3A_1040 : i32 to index
        %get3A_1043 = arith.index_cast %scan3A_952 : i32 to index
        %get3A_1044 = arith.constant 0 : index
        %get3A_1045 = tpu.vector_load %arg7[%get3A_1041, %get3A_1042, %get3A_1043, %get3A_1044] {strides = array<i32>} : memref<2x4x200x64xf32, #tpu.memory_space<vmem>>, vector<1x1x1x16xf32>,
        %get3A_1046 = vector.shape_cast %get3A_1045 : vector<1x1x1x16xf32> to vector<16xf32>
        %get3A_1047 = arith.index_cast %scan3A_952 : i32 to index
        %get3A_1048 = arith.constant 0 : index
        %get3A_1049 = tpu.vector_load %arg8[%get3A_1047, %get3A_1048] {strides = array<i32>} : memref<200x64xf32, #tpu.memory_space<vmem>>, vector<1x16xf32>,
        %get3A_1050 = vector.shape_cast %get3A_1049 : vector<1x16xf32> to vector<16xf32>
        %add3A_1051 = arith.addf %get3A_1046, %get3A_1050 : vector<16xf32>
        %swap3A_1052 = arith.constant 1 : i32
        %swap3A_1053 = arith.constant 1 : i32
        %swap3A_1054 = arith.index_cast %swap3A_1052 : i32 to index
        %swap3A_1055 = arith.index_cast %swap3A_1053 : i32 to index
        %swap3A_1056 = arith.index_cast %scan3A_952 : i32 to index
        %swap3A_1057 = arith.constant 0 : index
        %swap3A_1058 = tpu.vector_load %arg7[%swap3A_1054, %swap3A_1055, %swap3A_1056, %swap3A_1057] {strides = array<i32>} : memref<2x4x200x64xf32, #tpu.memory_space<vmem>>, vector<1x1x1x16xf32>,
        %swap3A_1059 = vector.shape_cast %swap3A_1058 : vector<1x1x1x16xf32> to vector<16xf32>
        %swap3A_1060 = vector.shape_cast %add3A_1051 : vector<16xf32> to vector<1x1x1x16xf32>
        tpu.vector_store %arg7[%swap3A_1054, %swap3A_1055, %swap3A_1056, %swap3A_1057], %swap3A_1060 {strides = array<i32>} : memref<2x4x200x64xf32, #tpu.memory_space<vmem>>, vector<1x1x1x16xf32>,
        %get3A_1061 = arith.constant 1 : i32
        %get3A_1062 = arith.constant 1 : i32
        %get3A_1063 = arith.index_cast %get3A_1061 : i32 to index
        %get3A_1064 = arith.index_cast %get3A_1062 : i32 to index
        %get3A_1065 = arith.index_cast %scan3A_952 : i32 to index
        %get3A_1066 = arith.constant 16 : index
        %get3A_1067 = tpu.vector_load %arg7[%get3A_1063, %get3A_1064, %get3A_1065, %get3A_1066] {strides = array<i32>} : memref<2x4x200x64xf32, #tpu.memory_space<vmem>>, vector<1x1x1x16xf32>,
        %get3A_1068 = vector.shape_cast %get3A_1067 : vector<1x1x1x16xf32> to vector<16xf32>
        %get3A_1069 = arith.index_cast %scan3A_952 : i32 to index
        %get3A_1070 = arith.constant 16 : index
        %get3A_1071 = tpu.vector_load %arg8[%get3A_1069, %get3A_1070] {strides = array<i32>} : memref<200x64xf32, #tpu.memory_space<vmem>>, vector<1x16xf32>,
        %get3A_1072 = vector.shape_cast %get3A_1071 : vector<1x16xf32> to vector<16xf32>
        %add3A_1073 = arith.addf %get3A_1068, %get3A_1072 : vector<16xf32>
        %swap3A_1074 = arith.constant 1 : i32
        %swap3A_1075 = arith.constant 1 : i32
        %swap3A_1076 = arith.index_cast %swap3A_1074 : i32 to index
        %swap3A_1077 = arith.index_cast %swap3A_1075 : i32 to index
        %swap3A_1078 = arith.index_cast %scan3A_952 : i32 to index
        %swap3A_1079 = arith.constant 16 : index
        %swap3A_1080 = tpu.vector_load %arg7[%swap3A_1076, %swap3A_1077, %swap3A_1078, %swap3A_1079] {strides = array<i32>} : memref<2x4x200x64xf32, #tpu.memory_space<vmem>>, vector<1x1x1x16xf32>,
        %swap3A_1081 = vector.shape_cast %swap3A_1080 : vector<1x1x1x16xf32> to vector<16xf32>
        %swap3A_1082 = vector.shape_cast %add3A_1073 : vector<16xf32> to vector<1x1x1x16xf32>
        tpu.vector_store %arg7[%swap3A_1076, %swap3A_1077, %swap3A_1078, %swap3A_1079], %swap3A_1082 {strides = array<i32>} : memref<2x4x200x64xf32, #tpu.memory_space<vmem>>, vector<1x1x1x16xf32>,
        %get3A_1083 = arith.constant 1 : i32
        %get3A_1084 = arith.constant 1 : i32
        %get3A_1085 = arith.index_cast %get3A_1083 : i32 to index
        %get3A_1086 = arith.index_cast %get3A_1084 : i32 to index
        %get3A_1087 = arith.index_cast %scan3A_952 : i32 to index
        %get3A_1088 = arith.constant 32 : index
        %get3A_1089 = tpu.vector_load %arg7[%get3A_1085, %get3A_1086, %get3A_1087, %get3A_1088] {strides = array<i32>} : memref<2x4x200x64xf32, #tpu.memory_space<vmem>>, vector<1x1x1x16xf32>,
        %get3A_1090 = vector.shape_cast %get3A_1089 : vector<1x1x1x16xf32> to vector<16xf32>
        %get3A_1091 = arith.index_cast %scan3A_952 : i32 to index
        %get3A_1092 = arith.constant 32 : index
        %get3A_1093 = tpu.vector_load %arg8[%get3A_1091, %get3A_1092] {strides = array<i32>} : memref<200x64xf32, #tpu.memory_space<vmem>>, vector<1x16xf32>,
        %get3A_1094 = vector.shape_cast %get3A_1093 : vector<1x16xf32> to vector<16xf32>
        %add3A_1095 = arith.addf %get3A_1090, %get3A_1094 : vector<16xf32>
        %swap3A_1096 = arith.constant 1 : i32
        %swap3A_1097 = arith.constant 1 : i32
        %swap3A_1098 = arith.index_cast %swap3A_1096 : i32 to index
        %swap3A_1099 = arith.index_cast %swap3A_1097 : i32 to index
        %swap3A_1100 = arith.index_cast %scan3A_952 : i32 to index
        %swap3A_1101 = arith.constant 32 : index
        %swap3A_1102 = tpu.vector_load %arg7[%swap3A_1098, %swap3A_1099, %swap3A_1100, %swap3A_1101] {strides = array<i32>} : memref<2x4x200x64xf32, #tpu.memory_space<vmem>>, vector<1x1x1x16xf32>,
        %swap3A_1103 = vector.shape_cast %swap3A_1102 : vector<1x1x1x16xf32> to vector<16xf32>
        %swap3A_1104 = vector.shape_cast %add3A_1095 : vector<16xf32> to vector<1x1x1x16xf32>
        tpu.vector_store %arg7[%swap3A_1098, %swap3A_1099, %swap3A_1100, %swap3A_1101], %swap3A_1104 {strides = array<i32>} : memref<2x4x200x64xf32, #tpu.memory_space<vmem>>, vector<1x1x1x16xf32>,
        %get3A_1105 = arith.constant 1 : i32
        %get3A_1106 = arith.constant 1 : i32
        %get3A_1107 = arith.index_cast %get3A_1105 : i32 to index
        %get3A_1108 = arith.index_cast %get3A_1106 : i32 to index
        %get3A_1109 = arith.index_cast %scan3A_952 : i32 to index
        %get3A_1110 = arith.constant 48 : index
        %get3A_1111 = tpu.vector_load %arg7[%get3A_1107, %get3A_1108, %get3A_1109, %get3A_1110] {strides = array<i32>} : memref<2x4x200x64xf32, #tpu.memory_space<vmem>>, vector<1x1x1x16xf32>,
        %get3A_1112 = vector.shape_cast %get3A_1111 : vector<1x1x1x16xf32> to vector<16xf32>
        %get3A_1113 = arith.index_cast %scan3A_952 : i32 to index
        %get3A_1114 = arith.constant 48 : index
        %get3A_1115 = tpu.vector_load %arg8[%get3A_1113, %get3A_1114] {strides = array<i32>} : memref<200x64xf32, #tpu.memory_space<vmem>>, vector<1x16xf32>,
        %get3A_1116 = vector.shape_cast %get3A_1115 : vector<1x16xf32> to vector<16xf32>
        %add3A_1117 = arith.addf %get3A_1112, %get3A_1116 : vector<16xf32>
        %swap3A_1118 = arith.constant 1 : i32
        %swap3A_1119 = arith.constant 1 : i32
        %swap3A_1120 = arith.index_cast %swap3A_1118 : i32 to index
        %swap3A_1121 = arith.index_cast %swap3A_1119 : i32 to index
        %swap3A_1122 = arith.index_cast %scan3A_952 : i32 to index
        %swap3A_1123 = arith.constant 48 : index
        %swap3A_1124 = tpu.vector_load %arg7[%swap3A_1120, %swap3A_1121, %swap3A_1122, %swap3A_1123] {strides = array<i32>} : memref<2x4x200x64xf32, #tpu.memory_space<vmem>>, vector<1x1x1x16xf32>,
        %swap3A_1125 = vector.shape_cast %swap3A_1124 : vector<1x1x1x16xf32> to vector<16xf32>
        %swap3A_1126 = vector.shape_cast %add3A_1117 : vector<16xf32> to vector<1x1x1x16xf32>
        tpu.vector_store %arg7[%swap3A_1120, %swap3A_1121, %swap3A_1122, %swap3A_1123], %swap3A_1126 {strides = array<i32>} : memref<2x4x200x64xf32, #tpu.memory_space<vmem>>, vector<1x1x1x16xf32>,
        %get3A_1127 = arith.constant 1 : i32
        %get3A_1128 = arith.constant 2 : i32
        %get3A_1129 = arith.index_cast %get3A_1127 : i32 to index
        %get3A_1130 = arith.index_cast %get3A_1128 : i32 to index
        %get3A_1131 = arith.index_cast %scan3A_952 : i32 to index
        %get3A_1132 = arith.constant 0 : index
        %get3A_1133 = tpu.vector_load %arg7[%get3A_1129, %get3A_1130, %get3A_1131, %get3A_1132] {strides = array<i32>} : memref<2x4x200x64xf32, #tpu.memory_space<vmem>>, vector<1x1x1x16xf32>,
        %get3A_1134 = vector.shape_cast %get3A_1133 : vector<1x1x1x16xf32> to vector<16xf32>
        %get3A_1135 = arith.index_cast %scan3A_952 : i32 to index
        %get3A_1136 = arith.constant 0 : index
        %get3A_1137 = tpu.vector_load %arg8[%get3A_1135, %get3A_1136] {strides = array<i32>} : memref<200x64xf32, #tpu.memory_space<vmem>>, vector<1x16xf32>,
        %get3A_1138 = vector.shape_cast %get3A_1137 : vector<1x16xf32> to vector<16xf32>
        %add3A_1139 = arith.addf %get3A_1134, %get3A_1138 : vector<16xf32>
        %swap3A_1140 = arith.constant 1 : i32
        %swap3A_1141 = arith.constant 2 : i32
        %swap3A_1142 = arith.index_cast %swap3A_1140 : i32 to index
        %swap3A_1143 = arith.index_cast %swap3A_1141 : i32 to index
        %swap3A_1144 = arith.index_cast %scan3A_952 : i32 to index
        %swap3A_1145 = arith.constant 0 : index
        %swap3A_1146 = tpu.vector_load %arg7[%swap3A_1142, %swap3A_1143, %swap3A_1144, %swap3A_1145] {strides = array<i32>} : memref<2x4x200x64xf32, #tpu.memory_space<vmem>>, vector<1x1x1x16xf32>,
        %swap3A_1147 = vector.shape_cast %swap3A_1146 : vector<1x1x1x16xf32> to vector<16xf32>
        %swap3A_1148 = vector.shape_cast %add3A_1139 : vector<16xf32> to vector<1x1x1x16xf32>
        tpu.vector_store %arg7[%swap3A_1142, %swap3A_1143, %swap3A_1144, %swap3A_1145], %swap3A_1148 {strides = array<i32>} : memref<2x4x200x64xf32, #tpu.memory_space<vmem>>, vector<1x1x1x16xf32>,
        %get3A_1149 = arith.constant 1 : i32
        %get3A_1150 = arith.constant 2 : i32
        %get3A_1151 = arith.index_cast %get3A_1149 : i32 to index
        %get3A_1152 = arith.index_cast %get3A_1150 : i32 to index
        %get3A_1153 = arith.index_cast %scan3A_952 : i32 to index
        %get3A_1154 = arith.constant 16 : index
        %get3A_1155 = tpu.vector_load %arg7[%get3A_1151, %get3A_1152, %get3A_1153, %get3A_1154] {strides = array<i32>} : memref<2x4x200x64xf32, #tpu.memory_space<vmem>>, vector<1x1x1x16xf32>,
        %get3A_1156 = vector.shape_cast %get3A_1155 : vector<1x1x1x16xf32> to vector<16xf32>
        %get3A_1157 = arith.index_cast %scan3A_952 : i32 to index
        %get3A_1158 = arith.constant 16 : index
        %get3A_1159 = tpu.vector_load %arg8[%get3A_1157, %get3A_1158] {strides = array<i32>} : memref<200x64xf32, #tpu.memory_space<vmem>>, vector<1x16xf32>,
        %get3A_1160 = vector.shape_cast %get3A_1159 : vector<1x16xf32> to vector<16xf32>
        %add3A_1161 = arith.addf %get3A_1156, %get3A_1160 : vector<16xf32>
        %swap3A_1162 = arith.constant 1 : i32
        %swap3A_1163 = arith.constant 2 : i32
        %swap3A_1164 = arith.index_cast %swap3A_1162 : i32 to index
        %swap3A_1165 = arith.index_cast %swap3A_1163 : i32 to index
        %swap3A_1166 = arith.index_cast %scan3A_952 : i32 to index
        %swap3A_1167 = arith.constant 16 : index
        %swap3A_1168 = tpu.vector_load %arg7[%swap3A_1164, %swap3A_1165, %swap3A_1166, %swap3A_1167] {strides = array<i32>} : memref<2x4x200x64xf32, #tpu.memory_space<vmem>>, vector<1x1x1x16xf32>,
        %swap3A_1169 = vector.shape_cast %swap3A_1168 : vector<1x1x1x16xf32> to vector<16xf32>
        %swap3A_1170 = vector.shape_cast %add3A_1161 : vector<16xf32> to vector<1x1x1x16xf32>
        tpu.vector_store %arg7[%swap3A_1164, %swap3A_1165, %swap3A_1166, %swap3A_1167], %swap3A_1170 {strides = array<i32>} : memref<2x4x200x64xf32, #tpu.memory_space<vmem>>, vector<1x1x1x16xf32>,
        %get3A_1171 = arith.constant 1 : i32
        %get3A_1172 = arith.constant 2 : i32
        %get3A_1173 = arith.index_cast %get3A_1171 : i32 to index
        %get3A_1174 = arith.index_cast %get3A_1172 : i32 to index
        %get3A_1175 = arith.index_cast %scan3A_952 : i32 to index
        %get3A_1176 = arith.constant 32 : index
        %get3A_1177 = tpu.vector_load %arg7[%get3A_1173, %get3A_1174, %get3A_1175, %get3A_1176] {strides = array<i32>} : memref<2x4x200x64xf32, #tpu.memory_space<vmem>>, vector<1x1x1x16xf32>,
        %get3A_1178 = vector.shape_cast %get3A_1177 : vector<1x1x1x16xf32> to vector<16xf32>
        %get3A_1179 = arith.index_cast %scan3A_952 : i32 to index
        %get3A_1180 = arith.constant 32 : index
        %get3A_1181 = tpu.vector_load %arg8[%get3A_1179, %get3A_1180] {strides = array<i32>} : memref<200x64xf32, #tpu.memory_space<vmem>>, vector<1x16xf32>,
        %get3A_1182 = vector.shape_cast %get3A_1181 : vector<1x16xf32> to vector<16xf32>
        %add3A_1183 = arith.addf %get3A_1178, %get3A_1182 : vector<16xf32>
        %swap3A_1184 = arith.constant 1 : i32
        %swap3A_1185 = arith.constant 2 : i32
        %swap3A_1186 = arith.index_cast %swap3A_1184 : i32 to index
        %swap3A_1187 = arith.index_cast %swap3A_1185 : i32 to index
        %swap3A_1188 = arith.index_cast %scan3A_952 : i32 to index
        %swap3A_1189 = arith.constant 32 : index
        %swap3A_1190 = tpu.vector_load %arg7[%swap3A_1186, %swap3A_1187, %swap3A_1188, %swap3A_1189] {strides = array<i32>} : memref<2x4x200x64xf32, #tpu.memory_space<vmem>>, vector<1x1x1x16xf32>,
        %swap3A_1191 = vector.shape_cast %swap3A_1190 : vector<1x1x1x16xf32> to vector<16xf32>
        %swap3A_1192 = vector.shape_cast %add3A_1183 : vector<16xf32> to vector<1x1x1x16xf32>
        tpu.vector_store %arg7[%swap3A_1186, %swap3A_1187, %swap3A_1188, %swap3A_1189], %swap3A_1192 {strides = array<i32>} : memref<2x4x200x64xf32, #tpu.memory_space<vmem>>, vector<1x1x1x16xf32>,
        %get3A_1193 = arith.constant 1 : i32
        %get3A_1194 = arith.constant 2 : i32
        %get3A_1195 = arith.index_cast %get3A_1193 : i32 to index
        %get3A_1196 = arith.index_cast %get3A_1194 : i32 to index
        %get3A_1197 = arith.index_cast %scan3A_952 : i32 to index
        %get3A_1198 = arith.constant 48 : index
        %get3A_1199 = tpu.vector_load %arg7[%get3A_1195, %get3A_1196, %get3A_1197, %get3A_1198] {strides = array<i32>} : memref<2x4x200x64xf32, #tpu.memory_space<vmem>>, vector<1x1x1x16xf32>,
        %get3A_1200 = vector.shape_cast %get3A_1199 : vector<1x1x1x16xf32> to vector<16xf32>
        %get3A_1201 = arith.index_cast %scan3A_952 : i32 to index
        %get3A_1202 = arith.constant 48 : index
        %get3A_1203 = tpu.vector_load %arg8[%get3A_1201, %get3A_1202] {strides = array<i32>} : memref<200x64xf32, #tpu.memory_space<vmem>>, vector<1x16xf32>,
        %get3A_1204 = vector.shape_cast %get3A_1203 : vector<1x16xf32> to vector<16xf32>
        %add3A_1205 = arith.addf %get3A_1200, %get3A_1204 : vector<16xf32>
        %swap3A_1206 = arith.constant 1 : i32
        %swap3A_1207 = arith.constant 2 : i32
        %swap3A_1208 = arith.index_cast %swap3A_1206 : i32 to index
        %swap3A_1209 = arith.index_cast %swap3A_1207 : i32 to index
        %swap3A_1210 = arith.index_cast %scan3A_952 : i32 to index
        %swap3A_1211 = arith.constant 48 : index
        %swap3A_1212 = tpu.vector_load %arg7[%swap3A_1208, %swap3A_1209, %swap3A_1210, %swap3A_1211] {strides = array<i32>} : memref<2x4x200x64xf32, #tpu.memory_space<vmem>>, vector<1x1x1x16xf32>,
        %swap3A_1213 = vector.shape_cast %swap3A_1212 : vector<1x1x1x16xf32> to vector<16xf32>
        %swap3A_1214 = vector.shape_cast %add3A_1205 : vector<16xf32> to vector<1x1x1x16xf32>
        tpu.vector_store %arg7[%swap3A_1208, %swap3A_1209, %swap3A_1210, %swap3A_1211], %swap3A_1214 {strides = array<i32>} : memref<2x4x200x64xf32, #tpu.memory_space<vmem>>, vector<1x1x1x16xf32>,
        %get3A_1215 = arith.constant 1 : i32
        %get3A_1216 = arith.constant 3 : i32
        %get3A_1217 = arith.index_cast %get3A_1215 : i32 to index
        %get3A_1218 = arith.index_cast %get3A_1216 : i32 to index
        %get3A_1219 = arith.index_cast %scan3A_952 : i32 to index
        %get3A_1220 = arith.constant 0 : index
        %get3A_1221 = tpu.vector_load %arg7[%get3A_1217, %get3A_1218, %get3A_1219, %get3A_1220] {strides = array<i32>} : memref<2x4x200x64xf32, #tpu.memory_space<vmem>>, vector<1x1x1x16xf32>,
        %get3A_1222 = vector.shape_cast %get3A_1221 : vector<1x1x1x16xf32> to vector<16xf32>
        %get3A_1223 = arith.index_cast %scan3A_952 : i32 to index
        %get3A_1224 = arith.constant 0 : index
        %get3A_1225 = tpu.vector_load %arg8[%get3A_1223, %get3A_1224] {strides = array<i32>} : memref<200x64xf32, #tpu.memory_space<vmem>>, vector<1x16xf32>,
        %get3A_1226 = vector.shape_cast %get3A_1225 : vector<1x16xf32> to vector<16xf32>
        %add3A_1227 = arith.addf %get3A_1222, %get3A_1226 : vector<16xf32>
        %swap3A_1228 = arith.constant 1 : i32
        %swap3A_1229 = arith.constant 3 : i32
        %swap3A_1230 = arith.index_cast %swap3A_1228 : i32 to index
        %swap3A_1231 = arith.index_cast %swap3A_1229 : i32 to index
        %swap3A_1232 = arith.index_cast %scan3A_952 : i32 to index
        %swap3A_1233 = arith.constant 0 : index
        %swap3A_1234 = tpu.vector_load %arg7[%swap3A_1230, %swap3A_1231, %swap3A_1232, %swap3A_1233] {strides = array<i32>} : memref<2x4x200x64xf32, #tpu.memory_space<vmem>>, vector<1x1x1x16xf32>,
        %swap3A_1235 = vector.shape_cast %swap3A_1234 : vector<1x1x1x16xf32> to vector<16xf32>
        %swap3A_1236 = vector.shape_cast %add3A_1227 : vector<16xf32> to vector<1x1x1x16xf32>
        tpu.vector_store %arg7[%swap3A_1230, %swap3A_1231, %swap3A_1232, %swap3A_1233], %swap3A_1236 {strides = array<i32>} : memref<2x4x200x64xf32, #tpu.memory_space<vmem>>, vector<1x1x1x16xf32>,
        %get3A_1237 = arith.constant 1 : i32
        %get3A_1238 = arith.constant 3 : i32
        %get3A_1239 = arith.index_cast %get3A_1237 : i32 to index
        %get3A_1240 = arith.index_cast %get3A_1238 : i32 to index
        %get3A_1241 = arith.index_cast %scan3A_952 : i32 to index
        %get3A_1242 = arith.constant 16 : index
        %get3A_1243 = tpu.vector_load %arg7[%get3A_1239, %get3A_1240, %get3A_1241, %get3A_1242] {strides = array<i32>} : memref<2x4x200x64xf32, #tpu.memory_space<vmem>>, vector<1x1x1x16xf32>,
        %get3A_1244 = vector.shape_cast %get3A_1243 : vector<1x1x1x16xf32> to vector<16xf32>
        %get3A_1245 = arith.index_cast %scan3A_952 : i32 to index
        %get3A_1246 = arith.constant 16 : index
        %get3A_1247 = tpu.vector_load %arg8[%get3A_1245, %get3A_1246] {strides = array<i32>} : memref<200x64xf32, #tpu.memory_space<vmem>>, vector<1x16xf32>,
        %get3A_1248 = vector.shape_cast %get3A_1247 : vector<1x16xf32> to vector<16xf32>
        %add3A_1249 = arith.addf %get3A_1244, %get3A_1248 : vector<16xf32>
        %swap3A_1250 = arith.constant 1 : i32
        %swap3A_1251 = arith.constant 3 : i32
        %swap3A_1252 = arith.index_cast %swap3A_1250 : i32 to index
        %swap3A_1253 = arith.index_cast %swap3A_1251 : i32 to index
        %swap3A_1254 = arith.index_cast %scan3A_952 : i32 to index
        %swap3A_1255 = arith.constant 16 : index
        %swap3A_1256 = tpu.vector_load %arg7[%swap3A_1252, %swap3A_1253, %swap3A_1254, %swap3A_1255] {strides = array<i32>} : memref<2x4x200x64xf32, #tpu.memory_space<vmem>>, vector<1x1x1x16xf32>,
        %swap3A_1257 = vector.shape_cast %swap3A_1256 : vector<1x1x1x16xf32> to vector<16xf32>
        %swap3A_1258 = vector.shape_cast %add3A_1249 : vector<16xf32> to vector<1x1x1x16xf32>
        tpu.vector_store %arg7[%swap3A_1252, %swap3A_1253, %swap3A_1254, %swap3A_1255], %swap3A_1258 {strides = array<i32>} : memref<2x4x200x64xf32, #tpu.memory_space<vmem>>, vector<1x1x1x16xf32>,
        %get3A_1259 = arith.constant 1 : i32
        %get3A_1260 = arith.constant 3 : i32
        %get3A_1261 = arith.index_cast %get3A_1259 : i32 to index
        %get3A_1262 = arith.index_cast %get3A_1260 : i32 to index
        %get3A_1263 = arith.index_cast %scan3A_952 : i32 to index
        %get3A_1264 = arith.constant 32 : index
        %get3A_1265 = tpu.vector_load %arg7[%get3A_1261, %get3A_1262, %get3A_1263, %get3A_1264] {strides = array<i32>} : memref<2x4x200x64xf32, #tpu.memory_space<vmem>>, vector<1x1x1x16xf32>,
        %get3A_1266 = vector.shape_cast %get3A_1265 : vector<1x1x1x16xf32> to vector<16xf32>
        %get3A_1267 = arith.index_cast %scan3A_952 : i32 to index
        %get3A_1268 = arith.constant 32 : index
        %get3A_1269 = tpu.vector_load %arg8[%get3A_1267, %get3A_1268] {strides = array<i32>} : memref<200x64xf32, #tpu.memory_space<vmem>>, vector<1x16xf32>,
        %get3A_1270 = vector.shape_cast %get3A_1269 : vector<1x16xf32> to vector<16xf32>
        %add3A_1271 = arith.addf %get3A_1266, %get3A_1270 : vector<16xf32>
        %swap3A_1272 = arith.constant 1 : i32
        %swap3A_1273 = arith.constant 3 : i32
        %swap3A_1274 = arith.index_cast %swap3A_1272 : i32 to index
        %swap3A_1275 = arith.index_cast %swap3A_1273 : i32 to index
        %swap3A_1276 = arith.index_cast %scan3A_952 : i32 to index
        %swap3A_1277 = arith.constant 32 : index
        %swap3A_1278 = tpu.vector_load %arg7[%swap3A_1274, %swap3A_1275, %swap3A_1276, %swap3A_1277] {strides = array<i32>} : memref<2x4x200x64xf32, #tpu.memory_space<vmem>>, vector<1x1x1x16xf32>,
        %swap3A_1279 = vector.shape_cast %swap3A_1278 : vector<1x1x1x16xf32> to vector<16xf32>
        %swap3A_1280 = vector.shape_cast %add3A_1271 : vector<16xf32> to vector<1x1x1x16xf32>
        tpu.vector_store %arg7[%swap3A_1274, %swap3A_1275, %swap3A_1276, %swap3A_1277], %swap3A_1280 {strides = array<i32>} : memref<2x4x200x64xf32, #tpu.memory_space<vmem>>, vector<1x1x1x16xf32>,
        %get3A_1281 = arith.constant 1 : i32
        %get3A_1282 = arith.constant 3 : i32
        %get3A_1283 = arith.index_cast %get3A_1281 : i32 to index
        %get3A_1284 = arith.index_cast %get3A_1282 : i32 to index
        %get3A_1285 = arith.index_cast %scan3A_952 : i32 to index
        %get3A_1286 = arith.constant 48 : index
        %get3A_1287 = tpu.vector_load %arg7[%get3A_1283, %get3A_1284, %get3A_1285, %get3A_1286] {strides = array<i32>} : memref<2x4x200x64xf32, #tpu.memory_space<vmem>>, vector<1x1x1x16xf32>,
        %get3A_1288 = vector.shape_cast %get3A_1287 : vector<1x1x1x16xf32> to vector<16xf32>
        %get3A_1289 = arith.index_cast %scan3A_952 : i32 to index
        %get3A_1290 = arith.constant 48 : index
        %get3A_1291 = tpu.vector_load %arg8[%get3A_1289, %get3A_1290] {strides = array<i32>} : memref<200x64xf32, #tpu.memory_space<vmem>>, vector<1x16xf32>,
        %get3A_1292 = vector.shape_cast %get3A_1291 : vector<1x16xf32> to vector<16xf32>
        %add3A_1293 = arith.addf %get3A_1288, %get3A_1292 : vector<16xf32>
        %swap3A_1294 = arith.constant 1 : i32
        %swap3A_1295 = arith.constant 3 : i32
        %swap3A_1296 = arith.index_cast %swap3A_1294 : i32 to index
        %swap3A_1297 = arith.index_cast %swap3A_1295 : i32 to index
        %swap3A_1298 = arith.index_cast %scan3A_952 : i32 to index
        %swap3A_1299 = arith.constant 48 : index
        %swap3A_1300 = tpu.vector_load %arg7[%swap3A_1296, %swap3A_1297, %swap3A_1298, %swap3A_1299] {strides = array<i32>} : memref<2x4x200x64xf32, #tpu.memory_space<vmem>>, vector<1x1x1x16xf32>,
        %swap3A_1301 = vector.shape_cast %swap3A_1300 : vector<1x1x1x16xf32> to vector<16xf32>
        %swap3A_1302 = vector.shape_cast %add3A_1293 : vector<16xf32> to vector<1x1x1x16xf32>
        tpu.vector_store %arg7[%swap3A_1296, %swap3A_1297, %swap3A_1298, %swap3A_1299], %swap3A_1302 {strides = array<i32>} : memref<2x4x200x64xf32, #tpu.memory_space<vmem>>, vector<1x1x1x16xf32>,
      }
      %scan3A_932 = arith.constant 200 : i32
      %mul3A_933 = arith.constant 4 : i32
      %mul3A_934 = arith.muli %add3A_634, %mul3A_933 : i32
      %dma_start3A_935 = arith.constant 1 : i32
      %dma_start3A_936 = arith.constant 0 : i32
      %dma_start3A_937 = arith.constant 0 : i32
      %dma_start3A_938 = arith.constant 0 : i32
      %dma_start3A_939 = tpu.memref_slice %arg7[%dma_start3A_935, %dma_start3A_936, %dma_start3A_937, %dma_start3A_938] : memref<2x4x200x64xf32, #tpu.memory_space<vmem>> -> memref<1x4x200x64xf32, #tpu.memory_space<vmem>>
      %dma_start3A_940 = tpu.memref_squeeze %dma_start3A_939 : memref<1x4x200x64xf32, #tpu.memory_space<vmem>> -> memref<4x200x64xf32, #tpu.memory_space<vmem>>
      %dma_start3A_941 = arith.constant 0 : i32
      %dma_start3A_942 = arith.constant 0 : i32
      %dma_start3A_943 = tpu.memref_slice %arg5[%mul3A_934, %dma_start3A_941, %dma_start3A_942] : memref<4096x200x128xf32, #tpu.memory_space<hbm>> -> memref<4x200x64xf32, #tpu.memory_space<hbm>>
      %dma_start3A_944 = arith.constant 0 : i32
      %dma_start3A_945 = arith.constant 0 : i32
      %dma_start3A_946 = tpu.memref_slice %arg5[%mul3A_934, %dma_start3A_944, %dma_start3A_945] : memref<4096x200x128xf32, #tpu.memory_space<hbm>> -> memref<4x200x64xf32, #tpu.memory_space<hbm>>
      %dma_start3A_947 = arith.constant 0 : i32
      %dma_start3A_948 = arith.constant 0 : i32
      %dma_start3A_949 = arith.constant 0 : i32
      %dma_start3A_950 = tpu.memref_slice %arg7[%dma_start3A_935, %dma_start3A_947, %dma_start3A_948, %dma_start3A_949] : memref<2x4x200x64xf32, #tpu.memory_space<vmem>> -> memref<1x4x200x64xf32, #tpu.memory_space<vmem>>
      %dma_start3A_951 = tpu.memref_squeeze %dma_start3A_950 : memref<1x4x200x64xf32, #tpu.memory_space<vmem>> -> memref<4x200x64xf32, #tpu.memory_space<vmem>>
      tpu.enqueue_dma source(%dma_start3A_951 : memref<4x200x64xf32, #tpu.memory_space<vmem>>) target(%dma_start3A_946 : memref<4x200x64xf32, #tpu.memory_space<hbm>>) target_semaphore(%arg12 : memref<!tpu.dma_semaphore, #tpu.memory_space<semaphore_mem>>)
    }
    %scan3A_289 = arith.constant 16 : i32
    %add3A_290 = arith.constant 32 : i32
    %add3A_291 = arith.addi %mul3A_2, %add3A_290 : i32
    %sub3A = arith.constant 1 : i32
    %sub3A_292 = arith.subi %add3A_291, %sub3A : i32
    %mul3A_293 = arith.constant 4 : i32
    %mul3A_294 = arith.muli %sub3A_292, %mul3A_293 : i32
    %dma_wait3A = arith.constant 1 : i32
    %dma_wait3A_295 = arith.constant 0 : i32
    %dma_wait3A_296 = arith.constant 0 : i32
    %dma_wait3A_297 = arith.constant 0 : i32
    %dma_wait3A_298 = tpu.memref_slice %arg7[%dma_wait3A, %dma_wait3A_295, %dma_wait3A_296, %dma_wait3A_297] : memref<2x4x200x64xf32, #tpu.memory_space<vmem>> -> memref<1x4x200x64xf32, #tpu.memory_space<vmem>>
    %dma_wait3A_299 = tpu.memref_squeeze %dma_wait3A_298 : memref<1x4x200x64xf32, #tpu.memory_space<vmem>> -> memref<4x200x64xf32, #tpu.memory_space<vmem>>
    %dma_wait3A_300 = arith.constant 0 : i32
    %dma_wait3A_301 = arith.constant 0 : i32
    %dma_wait3A_302 = tpu.memref_slice %arg5[%mul3A_294, %dma_wait3A_300, %dma_wait3A_301] : memref<4096x200x128xf32, #tpu.memory_space<hbm>> -> memref<4x200x64xf32, #tpu.memory_space<hbm>>
    %dma_wait3A_303 = arith.constant 0 : i32
    %dma_wait3A_304 = arith.constant 0 : i32
    %dma_wait3A_305 = tpu.memref_slice %arg5[%mul3A_294, %dma_wait3A_303, %dma_wait3A_304] : memref<4096x200x128xf32, #tpu.memory_space<hbm>> -> memref<4x200x64xf32, #tpu.memory_space<hbm>>
    %dma_wait3A_306 = arith.constant 0 : i32
    %dma_wait3A_307 = arith.constant 0 : i32
    %dma_wait3A_308 = arith.constant 0 : i32
    %dma_wait3A_309 = tpu.memref_slice %arg7[%dma_wait3A, %dma_wait3A_306, %dma_wait3A_307, %dma_wait3A_308] : memref<2x4x200x64xf32, #tpu.memory_space<vmem>> -> memref<1x4x200x64xf32, #tpu.memory_space<vmem>>
    %dma_wait3A_310 = tpu.memref_squeeze %dma_wait3A_309 : memref<1x4x200x64xf32, #tpu.memory_space<vmem>> -> memref<4x200x64xf32, #tpu.memory_space<vmem>>
    tpu.wait_dma2 semaphore(%arg12 : memref<!tpu.dma_semaphore, #tpu.memory_space<semaphore_mem>>) src(%dma_wait3A_310 : memref<4x200x64xf32, #tpu.memory_space<vmem>>) dst(%dma_wait3A_305 : memref<4x200x64xf32, #tpu.memory_space<hbm>>)
    return
  }
}

</mosaic_0001>

<sc_bundles>
// kernel: _emb_lookup.3.cloned.1.call-start
scs
__scs_entry_jumppad:
0x0: {  	(pc) =	sbr.rel $0x88, $3  }
0x1: {  	(tag) =	ssettag $0x0;
	lr =	simm.s32 $0x1  }
0x2: {  	[smem:$0x3F9E] =	sst lr;
	_ =	strace $0xD0000000  }
0x3: {  	_ = 	snop  }
0x4: {  	_ = 	snop  }
0x5: {  	_ = 	snop  }
0x6: {  	_ = 	snop  }
0x7: {  	_ = 	snop  }
__scs_overlays_trampoline_lowered:
0x8: {  	[smem:$0x3FAD] =	sst s0  }
0x9: {  	[smem:$0x3FAE] =	sst s1  }
0xa: {  	[smem:$0x3FAF] =	sst s2  }
0xb: {  	[smem:$0x3FB0] =	sst s3  }
0xc: {  	[smem:$0x3FB1] =	sst s4  }
0xd: {  	[smem:$0x3FB2] =	sst s5  }
0xe: {  	[smem:$0x3FB3] =	sst s6  }
0xf: {  	[smem:$0x3FB4] =	sst s7  }
0x10: {  	[smem:$0x3FB5] =	sst s8  }
0x11: {  	[smem:$0x3FB6] =	sst s9;
	s0 =	simm.s32 @!p0 $0x0  }
0x12: {  	s1 =	sld [smem:$0x3F9C];
	s0 =	simm.s32 @p0 $0x1  }
0x13: {  	[smem:$0x3FB7] =	sst s0;
	s0 =	simm.s32 @!p1 $0x0  }
0x14: {  	s2 =	sld [smem:$0x3F9B];
	s0 =	simm.s32 @p1 $0x1  }
0x15: {  	[smem:$0x3FB8] =	sst s0;
	s0 =	simm.s32 @!p2 $0x0  }
0x16: {  	s3 =	sld [smem:$0x3FDB];
	s0 =	simm.s32 @p2 $0x1  }
0x17: {  	s4 =	simm.s32 $0x1BF5;
	[smem:$0x3FBA] =	sst s0  }
0x18: {  	s0 =	sld [smem:$0x3F9D];
	_ =	swait.ge [sflag:s4], $0x0  }
0x19: {  	s7 =	sld [smem:$0x3F9E]  }
0x1a: {  	s8 =	sadd.s32 $0xFFFFE003, lr  }
0x1b: {  	s9 =	sadd.s32 $0xFFFFFEF7, lr;
	s5 =	simm.s32 $0xFFFFFFFF;
	p2 =	slt.u32 s8, $0xFFFFF086  }
0x1c: {  	p1 =	slt.u32 s9, $0xF7A;
	s5 =	simm.s32 @!p2 $0x0  }
0x1d: {  	s5 =	simm.s32 @p1 $0x1;
	p0 =	seq.s32 s7, s2  }
0x1e: {  	s7 =	smul.u32 @!p0 $0xF7A, s2;
	p2 =	seq.s32 @!p0 s5, $0x0  }
0x1f: {  	s9 =	smul.u32 $0xF7A, s1;
	s8 =	simm.s32 @!p0 $0x1BF5;
	p2 =	por !p2, p0  }
0x20: {  	[sflag:s8] =	ssyncset.s32 @!p0 $0xFFFFF086;
	s6 =	sadd.s32 @!p0 s3, s7;
	s7 =	simm.s32 @!p0 $0x108  }
0x21: {  	s3 =	sadd.s32 s3, s9;
	s6 =	sadd.s32 @!p0 $0x88, s6;
	s7 =	simm.s32 @p2 $0x1082  }
0x22: {  	[simem:s7], [sflag:s8] =	dma.local @!p0 [hbm:s6], $0xF7A  }
0x23: {  	s9 =	sor.u32 $0xD0000000, s2;
	s6 =	simm.s32 $0x108;
	_ =	swait.ge @!p0 [sflag:s8], $0x0  }
0x24: {  	s3 =	sadd.s32 $0x88, s3;
	s6 =	simm.s32 @!p1 $0x1082;
	[sflag:s4] =	ssyncset.s32 $0xFFFFF086  }
0x25: {  	[simem:s6], [sflag:s4] =	dma.local [hbm:s3], $0xF7A  }
0x26: {  	[smem:$0x3F9E] =	sst s1;
	(tag) =	ssettag s2;
	_ =	strace s9  }
0x27: {  	s1 =	sld [smem:$0x3FAE]  }
0x28: {  	s2 =	sld [smem:$0x3FAF]  }
0x29: {  	s4 =	sld [smem:$0x3FB1]  }
0x2a: {  	p0 =	seq.s32 s5, $0x0;
	s5 =	sld [smem:$0x3FB2]  }
0x2b: {  	s6 =	sld [smem:$0x3FB3]  }
0x2c: {  	s7 =	sld [smem:$0x3FB4]  }
0x2d: {  	s3 =	simm.s32 $0x108;
	s8 =	sld [smem:$0x3FB5]  }
0x2e: {  	s3 =	simm.s32 @!p0 $0x1082;
	s9 =	sld [smem:$0x3FB6]  }
0x2f: {  	lr =	sadd.s32 s0, s3;
	s0 =	sld [smem:$0x3FAD]  }
0x30: {  	s3 =	sld [smem:$0x3FB0]  }
0x31: {  	[smem:$0x3FB9] =	sst s10  }
0x32: {  	s10 =	sld [smem:$0x3FB7];
	_ =	sdelay $0x3  }
0x33: {  	p0 =	seq.s32 s10, $0x1;
	s10 =	sld [smem:$0x3FB9];
	_ =	sdelay $0x3  }
0x34: {  	[smem:$0x3FB9] =	sst s10  }
0x35: {  	s10 =	sld [smem:$0x3FB8];
	_ =	sdelay $0x3  }
0x36: {  	p1 =	seq.s32 s10, $0x1;
	s10 =	sld [smem:$0x3FB9];
	_ =	sdelay $0x3  }
0x37: {  	[smem:$0x3FB9] =	sst s10  }
0x38: {  	s10 =	sld [smem:$0x3FBA]  }
0x39: {  	_ = 	snop;
	(pc) =	sbr.ind lr, $3  }
0x3a: {  	_ = 	snop  }
0x3b: {  	_ = 	snop  }
0x3c: {  	p2 =	seq.s32 s10, $0x1;
	s10 =	sld [smem:$0x3FB9]  }
0x3d: {  	_ =	shalt  }
0x3e: {  	_ =	shalt  }
0x3f: {  	_ =	shalt  }
0x40: {  	_ =	shalt  }
0x41: {  	_ =	shalt  }
0x42: {  	_ =	shalt  }
0x43: {  	_ =	shalt  }
0x44: {  	_ =	shalt  }
0x45: {  	_ =	shalt  }
0x46: {  	_ =	shalt  }
0x47: {  	_ =	shalt  }
0x48: {  	_ =	shalt  }
0x49: {  	_ =	shalt  }
0x4a: {  	_ =	shalt  }
0x4b: {  	_ =	shalt  }
0x4c: {  	_ =	shalt  }
0x4d: {  	_ =	shalt  }
0x4e: {  	_ =	shalt  }
0x4f: {  	_ =	shalt  }
0x50: {  	_ =	shalt  }
0x51: {  	_ =	shalt  }
0x52: {  	_ =	shalt  }
0x53: {  	_ =	shalt  }
0x54: {  	_ =	shalt  }
0x55: {  	_ =	shalt  }
0x56: {  	_ =	shalt  }
0x57: {  	_ =	shalt  }
0x58: {  	_ =	shalt  }
0x59: {  	_ =	shalt  }
0x5a: {  	_ =	shalt  }
0x5b: {  	_ =	shalt  }
0x5c: {  	_ =	shalt  }
0x5d: {  	_ =	shalt  }
0x5e: {  	_ =	shalt  }
0x5f: {  	_ =	shalt  }
0x60: {  	_ =	shalt  }
0x61: {  	_ =	shalt  }
0x62: {  	_ =	shalt  }
0x63: {  	_ =	shalt  }
0x64: {  	_ =	shalt  }
0x65: {  	_ =	shalt  }
0x66: {  	_ =	shalt  }
0x67: {  	_ =	shalt  }
0x68: {  	_ =	shalt  }
0x69: {  	_ =	shalt  }
0x6a: {  	_ =	shalt  }
0x6b: {  	_ =	shalt  }
0x6c: {  	_ =	shalt  }
0x6d: {  	_ =	shalt  }
0x6e: {  	_ =	shalt  }
0x6f: {  	_ =	shalt  }
0x70: {  	_ =	shalt  }
0x71: {  	_ =	shalt  }
0x72: {  	_ =	shalt  }
0x73: {  	_ =	shalt  }
0x74: {  	_ =	shalt  }
0x75: {  	_ =	shalt  }
0x76: {  	_ =	shalt  }
0x77: {  	_ =	shalt  }
0x78: {  	_ =	shalt  }
0x79: {  	_ =	shalt  }
0x7a: {  	_ =	shalt  }
0x7b: {  	_ =	shalt  }
0x7c: {  	_ =	shalt  }
0x7d: {  	_ =	shalt  }
0x7e: {  	_ =	shalt  }
0x7f: {  	_ =	shalt  }
0x80: {  	_ =	shalt  }
0x81: {  	_ =	shalt  }
0x82: {  	_ =	shalt  }
0x83: {  	_ =	shalt  }
0x84: {  	_ =	shalt  }
0x85: {  	_ =	shalt  }
0x86: {  	_ =	shalt  }
0x87: {  	_ =	shalt  }
.Lfunc_end0:
.L_simem_size_0:
called_computation_lowered:
.L_overlay_start_0:
0x88: {  	s2 =	sld [smem:$0x3FD9]  }
0x89: {  	s3 =	sld [smem:$0x3FFE];
	_ =	sdelay $0x1  }
0x8a: {  	s1 =	srdreg.scid  }
0x8b: {  	s0 =	sand.u32 $0x1, s1  }
0x8c: {  	s17 =	sshll.u32 s0, $0xA;
	s2 =	sadd.s32 s3, s2  }
0x8d: {  	s2 =	sadd.s32 s2, s17  }
0x8e: {  	[smem:$0x3FC5] =	sst s2  }
0x8f: {  	_ = 	snop  }
0x90: {  	s2 =	sld [smem:$0x3FD0];
	(tm) =	ssettm $0x1  }
0x91: {  	s18 =	sld [smem:$0x3FFB];
	_ =	sdelay $0x3  }
0x92: {  	_ =	strace s18  }
0x93: {  	s3 =	sld [smem:$0x3FFC];
	_ =	sdelay $0x3  }
0x94: {  	_ =	strace s3  }
0x95: {  	s3 =	sld [smem:$0x3FFD];
	_ =	sdelay $0x3  }
0x96: {  	_ =	strace s3  }
0x97: {  	_ =	strace $0x8FFFFFFF  }
0x98: {  	s19 =	sld [smem:$0x3FDB];
	_ =	sdelay $0x1  }
0x99: {  	s4 =	simm.s32 $_scs_section_size  }
0x9a: {  	s5 =	simm.s32 $_size__tile_overlayer_lowered;
	s6 =	simm.s32 $_tile_overlayer_lowered  }
0x9b: {  	s22 =	simm.s32 $0x1BFF;
	s21 =	sshll.u32 s6, $0x1;
	s3 =	sadd.s32 s4, s19  }
0x9c: {  	s7 =	simm.s32 $0x0;
	s20 =	sshll.u32 s5, $0x1;
	s5 =	sadd.s32 s21, s3  }
0x9d: {  	[timem:s7], [sflag:s22] =	dma.local [hbm:s5], s20  }
0x9e: {  	_ =	swait.ge [sflag:s22], s20  }
0x9f: {  	s4 =	ssub.s32 $0x0, s20;
	[sflag:s22] =	ssyncset.done $0x0  }
0xa0: {  	[sflag:s22] =	ssyncadd.s32 s4;
	_ =	sdelay $0x1  }
0xa1: {  	s23 =	simm.s32 $0x1B8B  }
0xa2: {  	_ =	swait.ge [sflag:s23], $0x1  }
0xa3: {  	[sflag:s23] =	ssyncset.done $0x0  }
0xa4: {  	s25 =	simm.s32 $0x1B8E;
	s24 =	sld [smem:$0x3FFE];
	[sflag:s23] =	ssyncadd.s32 $0xFFFFFFFF  }
0xa5: {  	s26 =	simm.s32 $execute0_lowered;
	[smem:$0x3FD2] =	sst s25  }
0xa6: {  	s5 =	sshll.u32 s26, $0x1;
	_ =	strace $0x80000046;
	[dreg:$0x1] =	wrdreg $0xFFFFFFFF  }
0xa7: {  	s28 =	simm.s32 $_size_execute0_lowered;
	s3 =	sadd.s32 s3, s5;
	[dreg:$0x0] =	wrdreg $0x0  }
0xa8: {  	s5 =	sshll.u32 s28, $0x1;
	[dreg:$0x2] =	wrdreg s3  }
0xa9: {  	[dreg:$0x3] =	wrdreg s5  }
0xaa: {  	[dreg:$0x4] =	wrdreg $0xC0  }
0xab: {  	_ =	task [dreg:s7], $0x5FFFF  }
0xac: {  	[dreg:$0x1] =	wrdreg $0xFFFFFFFF  }
0xad: {  	[dreg:$0x0] =	wrdreg $0x60  }
0xae: {  	[dreg:$0x2] =	wrdreg s24  }
0xaf: {  	[dreg:$0x3] =	wrdreg s2  }
0xb0: {  	[dreg:$0x4] =	wrdreg $0x9  }
0xb1: {  	_ =	task.clear_ibuf [dreg:s7], $0x5FFFF;
	_ =	strace $0x90000046  }
0xb2: {  	s29 =	simm.s32 $0x9;
	_ =	strace $0x80000048  }
0xb3: {  	_ =	swait.ge [sflag:s29], $0x1  }
0xb4: {  	[sflag:s29] =	ssyncadd.s32 $0xFFFFFFFF  }
0xb5: {  	_ =	strace $0x90000048  }
0xb6: {  	_ =	sfence  }
0xb7: {  	s30 =	sld [smem:$0x0];
	_ =	sdelay $0x2  }
0xb8: {  	s31 =	sshll.u32 s1, $0xD;
	s1 =	sshrl.u32 s1, $0x2  }
0xb9: {  	s3 =	sand.u32 $0x4000, s31;
	s1 =	sadd.s32 s1, s30  }
0xba: {  	s0 =	sor.u32 s3, s0;
	s1 =	sshll.u32 s1, $0x11  }
0xbb: {  	s0 =	sor.u32 s1, s0  }
0xbc: {  	s0 =	sadd.s32 $0x8F2B, s0  }
0xbd: {  	[sflag:s0] =	ssyncadd.remote.s32 $0x1  }
0xbe: {  	_ =	sfence.sel $0xFFFF  }
0xbf: {  	[dreg:$0x0] =	wrdreg $0xFFFFFFFF;
	(pc) =	sbr.abs _section_cstart, $3  }
0xc0: {  	[dreg:$0x1] =	wrdreg $0xFFFFFFFF  }
0xc1: {  	_ =	task.clear_ibuf [dreg:s7], $0x2FFFF;
	_ =	strace $0x9FFFFFFF  }
0xc2: {  	(tm) =	ssettm $0x7FFFFFFF  }
0xc3: {  	_ =	shalt  }
tec
execute0_lowered:
.L_overlay_start_1:
0x0: {  	(tag) =	ssettag $0x1  }
0x1: {  	s0 =	rddreg [dreg:$0x0]  }
0x2: {  	s1 =	rddreg [dreg:$0x1];
	s2 =	simm.s32 $0x0;
	s22 =	srdreg.scid  }
0x3: {  	s3 =	stileid.u32;
	s11 =	simm.s32 $0x5;
	s12 =	simm.s32 $0x28  }
0x4: {  	s13 =	simm.s32 $0x640;
	s29 =	simm.s32 $0x1;
	s30 =	simm.s32 $0x320  }
0x5: {  	s31 =	simm.s32 $0xCE40;
	s9 =	simm.s32 $0x550;
	s14 =	simm.s32 $0x15A40  }
0x6: {  	s15 =	simm.s32 $0x578;
	s16 =	simm.s32 $0x16440;
	s17 =	simm.s32 $0x5A0  }
0x7: {  	s18 =	simm.s32 $0x16E40;
	s19 =	simm.s32 $0x5C8;
	s20 =	simm.s32 $0x17840  }
0x8: {  	s21 =	simm.s32 $0x5F0;
	s28 =	simm.s32 $0x2;
	[smem:$0x7FF] =	sst s2  }
0x9: {  	s2 =	sand.u32 $0x1, s22;
	s3 =	sshll.u32 s3, $0x1;
	s4 =	sadd.s32 $0x800, s0  }
0xa: {  	s23 =	sadd.s32 $0x19800, s0;
	s6 =	sadd.s32 $0xF42C00, s0;
	s22 =	simm.s32 $0x18240  }
0xb: {  	_ =	strace $0x80000047;
	s5 =	ssub.s32 $0x2, s2;
	s2 =	sor.u32 s2, s3  }
0xc: {  	[dreg:$0x3] =	wrdreg s23;
	s23 =	simm.s32 $0x618;
	s8 =	smul.u32 $0xC80, s2  }
0xd: {  	s3 =	simm.s32 $0x3;
	s24 =	sshrl.u32 s5, $0x1;
	s7 =	sshll.u32 s2, $0x5  }
0xe: {  	s25 =	ssub.s32 s5, s24;
	s24 =	simm.s32 $0x18C40;
	s26 =	sadd.s32 s4, s8  }
0xf: {  	s5 =	simm.s32 $0x0;
	s0 =	smax.u32 s25, $0x1;
	[dreg:$0x4] =	wrdreg s26  }
0x10: {  	s25 =	simm.s32 $0x40;
	[dreg:$0x5] =	wrdreg s0;
	s26 =	simm.s32 $0x80  }
.LBB2_1:
0x11: {  	[dreg:$0x6] =	wrdreg s5  }
0x12: {  	s0 =	simm.s32 $0x0;
	s2 =	rddreg [dreg:$0x3];
	s10 =	simm.s32 $0x19640  }
0x13: {  	[tilespmem:s10], [sflag:$0x5] =	stream.linear.gather [hbm4b:s2+s0], $0x3200, $0x38;
	[tilespmem:$0x1C840] =	vst v63  }
0x14: {  	_ =	swait.ge [sflag:s11], $0x3200  }
0x15: {  	[sflag:s11] =	ssyncset.done $0x0  }
0x16: {  	s8 =	rddreg [dreg:$0x4];
	[sflag:s11] =	ssyncadd.s32 $0xFFFFCE00  }
0x17: {  	[tilespmem:s0], [sflag:$0x5] =	stream.linear.gather [hbm4b:s8+s0], $0x320, $0x38;
	[tilespmem:$0x1C840] =	vst v63  }
0x18: {  	_ =	swait.ge [sflag:s11], $0x320  }
0x19: {  	[sflag:s11] =	ssyncset.done $0x0  }
0x1a: {  	[sflag:s11] =	ssyncadd.s32 $0xFFFFFCE0  }
0x1b: {  	[tilespmem:s13], [sflag:$0x1] =	stream.indirect.gather [hbm4b:s6+s12], $0x40, s0, s12, $0xb8;
	[tilespmem:$0x1C840] =	vst v63  }
0x1c: {  	s10 =	simm.s32 $0x1040  }
0x1d: {  	[tilespmem:s10], [sflag:$0x1] =	stream.indirect.gather [hbm4b:s6+s12], $0x40, s12, s12, $0xb8;
	[tilespmem:$0x1C840] =	vst v63  }
0x1e: {  	s5 =	simm.s32 $0x1A40;
	s2 =	simm.s32 $0x50  }
0x1f: {  	[tilespmem:s5], [sflag:$0x1] =	stream.indirect.gather [hbm4b:s6+s12], $0x40, s2, s12, $0xb8;
	[tilespmem:$0x1C840] =	vst v63  }
0x20: {  	s8 =	simm.s32 $0x78;
	s10 =	simm.s32 $0x2440  }
0x21: {  	[tilespmem:s10], [sflag:$0x1] =	stream.indirect.gather [hbm4b:s6+s12], $0x40, s8, s12, $0xb8;
	[tilespmem:$0x1C840] =	vst v63  }
0x22: {  	s2 =	simm.s32 $0xA0;
	s5 =	simm.s32 $0x2E40  }
0x23: {  	[tilespmem:s5], [sflag:$0x1] =	stream.indirect.gather [hbm4b:s6+s12], $0x40, s2, s12, $0xb8;
	[tilespmem:$0x1C840] =	vst v63  }
0x24: {  	s8 =	simm.s32 $0xC8;
	s10 =	simm.s32 $0x3840  }
0x25: {  	[tilespmem:s10], [sflag:$0x1] =	stream.indirect.gather [hbm4b:s6+s12], $0x40, s8, s12, $0xb8;
	[tilespmem:$0x1C840] =	vst v63  }
0x26: {  	s2 =	simm.s32 $0xF0;
	s5 =	simm.s32 $0x4240  }
0x27: {  	[tilespmem:s5], [sflag:$0x1] =	stream.indirect.gather [hbm4b:s6+s12], $0x40, s2, s12, $0xb8;
	[tilespmem:$0x1C840] =	vst v63  }
0x28: {  	s8 =	simm.s32 $0x118;
	s10 =	simm.s32 $0x4C40  }
0x29: {  	[tilespmem:s10], [sflag:$0x1] =	stream.indirect.gather [hbm4b:s6+s12], $0x40, s8, s12, $0xb8;
	[tilespmem:$0x1C840] =	vst v63  }
0x2a: {  	s2 =	simm.s32 $0x140;
	s5 =	simm.s32 $0x5640  }
0x2b: {  	[tilespmem:s5], [sflag:$0x1] =	stream.indirect.gather [hbm4b:s6+s12], $0x40, s2, s12, $0xb8;
	[tilespmem:$0x1C840] =	vst v63  }
0x2c: {  	s8 =	simm.s32 $0x168;
	s10 =	simm.s32 $0x6040  }
0x2d: {  	[tilespmem:s10], [sflag:$0x1] =	stream.indirect.gather [hbm4b:s6+s12], $0x40, s8, s12, $0xb8;
	[tilespmem:$0x1C840] =	vst v63  }
0x2e: {  	s2 =	simm.s32 $0x190;
	s5 =	simm.s32 $0x6A40  }
0x2f: {  	[tilespmem:s5], [sflag:$0x1] =	stream.indirect.gather [hbm4b:s6+s12], $0x40, s2, s12, $0xb8;
	[tilespmem:$0x1C840] =	vst v63  }
0x30: {  	s8 =	simm.s32 $0x1B8;
	s10 =	simm.s32 $0x7440  }
0x31: {  	[tilespmem:s10], [sflag:$0x1] =	stream.indirect.gather [hbm4b:s6+s12], $0x40, s8, s12, $0xb8;
	[tilespmem:$0x1C840] =	vst v63  }
0x32: {  	s2 =	simm.s32 $0x1E0;
	s5 =	simm.s32 $0x7E40  }
0x33: {  	[tilespmem:s5], [sflag:$0x1] =	stream.indirect.gather [hbm4b:s6+s12], $0x40, s2, s12, $0xb8;
	[tilespmem:$0x1C840] =	vst v63  }
0x34: {  	s8 =	simm.s32 $0x208;
	s10 =	simm.s32 $0x8840  }
0x35: {  	[tilespmem:s10], [sflag:$0x1] =	stream.indirect.gather [hbm4b:s6+s12], $0x40, s8, s12, $0xb8;
	[tilespmem:$0x1C840] =	vst v63  }
0x36: {  	s2 =	simm.s32 $0x230;
	s5 =	simm.s32 $0x9240  }
0x37: {  	[tilespmem:s5], [sflag:$0x1] =	stream.indirect.gather [hbm4b:s6+s12], $0x40, s2, s12, $0xb8;
	[tilespmem:$0x1C840] =	vst v63  }
0x38: {  	s8 =	simm.s32 $0x258;
	s10 =	simm.s32 $0x9C40  }
0x39: {  	[tilespmem:s10], [sflag:$0x1] =	stream.indirect.gather [hbm4b:s6+s12], $0x40, s8, s12, $0xb8;
	[tilespmem:$0x1C840] =	vst v63  }
0x3a: {  	s2 =	simm.s32 $0x280;
	s5 =	simm.s32 $0xA640  }
0x3b: {  	[tilespmem:s5], [sflag:$0x1] =	stream.indirect.gather [hbm4b:s6+s12], $0x40, s2, s12, $0xb8;
	[tilespmem:$0x1C840] =	vst v63  }
0x3c: {  	s8 =	simm.s32 $0x2A8;
	s10 =	simm.s32 $0xB040  }
0x3d: {  	[tilespmem:s10], [sflag:$0x1] =	stream.indirect.gather [hbm4b:s6+s12], $0x40, s8, s12, $0xb8;
	[tilespmem:$0x1C840] =	vst v63  }
0x3e: {  	s2 =	simm.s32 $0x2D0;
	s5 =	simm.s32 $0xBA40  }
0x3f: {  	[tilespmem:s5], [sflag:$0x1] =	stream.indirect.gather [hbm4b:s6+s12], $0x40, s2, s12, $0xb8;
	[tilespmem:$0x1C840] =	vst v63  }
0x40: {  	s0 =	simm.s32 $0x0;
	s8 =	simm.s32 $0x2F8;
	s10 =	simm.s32 $0xC440  }
0x41: {  	[tilespmem:s10], [sflag:$0x1] =	stream.indirect.gather [hbm4b:s6+s12], $0x40, s8, s12, $0xb8;
	[tilespmem:$0x1C840] =	vst v63  }
.LBB2_2:
0x42: {  	_ =	swait.ge [sflag:s29], $0xA00  }
0x43: {  	[sflag:s29] =	ssyncset.done $0x0  }
0x44: {  	[sflag:s29] =	ssyncadd.s32 $0xFFFFF600  }
0x45: {  	_ =	swait.ge [sflag:s29], $0xA00  }
0x46: {  	[sflag:s29] =	ssyncset.done $0x0  }
0x47: {  	[sflag:s29] =	ssyncadd.s32 $0xFFFFF600  }
0x48: {  	_ =	swait.ge [sflag:s29], $0xA00  }
0x49: {  	[sflag:s29] =	ssyncset.done $0x0  }
0x4a: {  	[sflag:s29] =	ssyncadd.s32 $0xFFFFF600  }
0x4b: {  	_ =	swait.ge [sflag:s29], $0xA00  }
0x4c: {  	[sflag:s29] =	ssyncset.done $0x0  }
0x4d: {  	[sflag:s29] =	ssyncadd.s32 $0xFFFFF600  }
0x4e: {  	_ =	swait.ge [sflag:s29], $0xA00  }
0x4f: {  	[sflag:s29] =	ssyncset.done $0x0  }
0x50: {  	[sflag:s29] =	ssyncadd.s32 $0xFFFFF600  }
0x51: {  	_ =	swait.ge [sflag:s29], $0xA00  }
0x52: {  	[sflag:s29] =	ssyncset.done $0x0  }
0x53: {  	[sflag:s29] =	ssyncadd.s32 $0xFFFFF600  }
0x54: {  	_ =	swait.ge [sflag:s29], $0xA00  }
0x55: {  	[sflag:s29] =	ssyncset.done $0x0  }
0x56: {  	[sflag:s29] =	ssyncadd.s32 $0xFFFFF600  }
0x57: {  	_ =	swait.ge [sflag:s29], $0xA00  }
0x58: {  	[sflag:s29] =	ssyncset.done $0x0  }
0x59: {  	[sflag:s29] =	ssyncadd.s32 $0xFFFFF600  }
0x5a: {  	_ =	swait.ge [sflag:s29], $0xA00  }
0x5b: {  	[sflag:s29] =	ssyncset.done $0x0  }
0x5c: {  	[sflag:s29] =	ssyncadd.s32 $0xFFFFF600  }
0x5d: {  	_ =	swait.ge [sflag:s29], $0xA00  }
0x5e: {  	[sflag:s29] =	ssyncset.done $0x0  }
0x5f: {  	[sflag:s29] =	ssyncadd.s32 $0xFFFFF600  }
0x60: {  	_ =	swait.ge [sflag:s29], $0xA00  }
0x61: {  	[sflag:s29] =	ssyncset.done $0x0  }
0x62: {  	[sflag:s29] =	ssyncadd.s32 $0xFFFFF600  }
0x63: {  	_ =	swait.ge [sflag:s29], $0xA00  }
0x64: {  	[sflag:s29] =	ssyncset.done $0x0  }
0x65: {  	[sflag:s29] =	ssyncadd.s32 $0xFFFFF600  }
0x66: {  	_ =	swait.ge [sflag:s29], $0xA00  }
0x67: {  	[sflag:s29] =	ssyncset.done $0x0  }
0x68: {  	[sflag:s29] =	ssyncadd.s32 $0xFFFFF600  }
0x69: {  	_ =	swait.ge [sflag:s29], $0xA00  }
0x6a: {  	[sflag:s29] =	ssyncset.done $0x0  }
0x6b: {  	[sflag:s29] =	ssyncadd.s32 $0xFFFFF600  }
0x6c: {  	_ =	swait.ge [sflag:s29], $0xA00  }
0x6d: {  	[sflag:s29] =	ssyncset.done $0x0  }
0x6e: {  	[sflag:s29] =	ssyncadd.s32 $0xFFFFF600  }
0x6f: {  	_ =	swait.ge [sflag:s29], $0xA00  }
0x70: {  	[sflag:s29] =	ssyncset.done $0x0  }
0x71: {  	[sflag:s29] =	ssyncadd.s32 $0xFFFFF600  }
0x72: {  	_ =	swait.ge [sflag:s29], $0xA00  }
0x73: {  	[sflag:s29] =	ssyncset.done $0x0  }
0x74: {  	[sflag:s29] =	ssyncadd.s32 $0xFFFFF600  }
0x75: {  	_ =	swait.ge [sflag:s29], $0xA00  }
0x76: {  	[sflag:s29] =	ssyncset.done $0x0  }
0x77: {  	[sflag:s29] =	ssyncadd.s32 $0xFFFFF600  }
0x78: {  	_ =	swait.ge [sflag:s29], $0xA00  }
0x79: {  	[sflag:s29] =	ssyncset.done $0x0  }
0x7a: {  	s2 =	sshll.u32 s0, $0x1;
	[sflag:s29] =	ssyncadd.s32 $0xFFFFF600  }
0x7b: {  	s2 =	sor.u32 s7, s2;
	_ =	swait.ge [sflag:s29], $0xA00  }
0x7c: {  	p0 =	seq.s32 s0, $0x0;
	s5 =	smul.u32 $0x320, s2;
	[sflag:s29] =	ssyncset.done $0x0  }
0x7d: {  	s10 =	simm.s32 @!p0 $0x4;
	[sflag:s29] =	ssyncadd.s32 $0xFFFFF600  }
0x7e: {  	s5 =	sshrl.u32 s5, $0x3;
	_ =	swait.ge @!p0 [sflag:s10], $0xC800  }
0x7f: {  	s5 =	sadd.s32 s4, s5;
	[sflag:s10] =	ssyncset.done @!p0 $0x0  }
0x80: {  	s8 =	simm.s32 $0x0;
	s5 =	sadd.s32 $0x64, s5;
	[sflag:s10] =	ssyncadd.s32 @!p0 $0xFFFF3800  }
0x81: {  	[tilespmem:s30], [sflag:$0x5] =	stream.linear.gather [hbm4b:s5+s8], $0x320, $0x38;
	[tilespmem:$0x1C840] =	vst v63  }
0x82: {  	_ =	swait.ge [sflag:s11], $0x320  }
0x83: {  	[sflag:s11] =	ssyncset.done $0x0  }
0x84: {  	[sflag:s11] =	ssyncadd.s32 $0xFFFFFCE0  }
0x85: {  	[tilespmem:s31], [sflag:$0x2] =	stream.indirect.gather [hbm4b:s6+s12], $0x40, s30, s12, $0xb8;
	[tilespmem:$0x1C840] =	vst v63  }
0x86: {  	s10 =	simm.s32 $0x348;
	s8 =	simm.s32 $0xD840  }
0x87: {  	[tilespmem:s8], [sflag:$0x2] =	stream.indirect.gather [hbm4b:s6+s12], $0x40, s10, s12, $0xb8;
	[tilespmem:$0x1C840] =	vst v63  }
0x88: {  	s8 =	simm.s32 $0x370;
	s10 =	simm.s32 $0xE240  }
0x89: {  	[tilespmem:s10], [sflag:$0x2] =	stream.indirect.gather [hbm4b:s6+s12], $0x40, s8, s12, $0xb8;
	[tilespmem:$0x1C840] =	vst v63  }
0x8a: {  	s8 =	simm.s32 $0x398;
	s10 =	simm.s32 $0xEC40  }
0x8b: {  	[tilespmem:s10], [sflag:$0x2] =	stream.indirect.gather [hbm4b:s6+s12], $0x40, s8, s12, $0xb8;
	[tilespmem:$0x1C840] =	vst v63  }
0x8c: {  	s8 =	simm.s32 $0x3C0;
	s10 =	simm.s32 $0xF640  }
0x8d: {  	[tilespmem:s10], [sflag:$0x2] =	stream.indirect.gather [hbm4b:s6+s12], $0x40, s8, s12, $0xb8;
	[tilespmem:$0x1C840] =	vst v63  }
0x8e: {  	s8 =	simm.s32 $0x3E8;
	s10 =	simm.s32 $0x10040  }
0x8f: {  	[tilespmem:s10], [sflag:$0x2] =	stream.indirect.gather [hbm4b:s6+s12], $0x40, s8, s12, $0xb8;
	[tilespmem:$0x1C840] =	vst v63  }
0x90: {  	s8 =	simm.s32 $0x410;
	s10 =	simm.s32 $0x10A40  }
0x91: {  	[tilespmem:s10], [sflag:$0x2] =	stream.indirect.gather [hbm4b:s6+s12], $0x40, s8, s12, $0xb8;
	[tilespmem:$0x1C840] =	vst v63  }
0x92: {  	s8 =	simm.s32 $0x438;
	s10 =	simm.s32 $0x11440  }
0x93: {  	[tilespmem:s10], [sflag:$0x2] =	stream.indirect.gather [hbm4b:s6+s12], $0x40, s8, s12, $0xb8;
	[tilespmem:$0x1C840] =	vst v63  }
0x94: {  	s8 =	simm.s32 $0x460;
	s10 =	simm.s32 $0x11E40  }
0x95: {  	[tilespmem:s10], [sflag:$0x2] =	stream.indirect.gather [hbm4b:s6+s12], $0x40, s8, s12, $0xb8;
	[tilespmem:$0x1C840] =	vst v63  }
0x96: {  	s8 =	simm.s32 $0x488;
	s10 =	simm.s32 $0x12840  }
0x97: {  	[tilespmem:s10], [sflag:$0x2] =	stream.indirect.gather [hbm4b:s6+s12], $0x40, s8, s12, $0xb8;
	[tilespmem:$0x1C840] =	vst v63  }
0x98: {  	s8 =	simm.s32 $0x4B0;
	s10 =	simm.s32 $0x13240  }
0x99: {  	[tilespmem:s10], [sflag:$0x2] =	stream.indirect.gather [hbm4b:s6+s12], $0x40, s8, s12, $0xb8;
	[tilespmem:$0x1C840] =	vst v63  }
0x9a: {  	s8 =	simm.s32 $0x4D8;
	s10 =	simm.s32 $0x13C40  }
0x9b: {  	[tilespmem:s10], [sflag:$0x2] =	stream.indirect.gather [hbm4b:s6+s12], $0x40, s8, s12, $0xb8;
	[tilespmem:$0x1C840] =	vst v63  }
0x9c: {  	s8 =	simm.s32 $0x500;
	s10 =	simm.s32 $0x14640  }
0x9d: {  	[tilespmem:s10], [sflag:$0x2] =	stream.indirect.gather [hbm4b:s6+s12], $0x40, s8, s12, $0xb8;
	[tilespmem:$0x1C840] =	vst v63  }
0x9e: {  	s8 =	simm.s32 $0x528;
	s10 =	simm.s32 $0x15040  }
0x9f: {  	[tilespmem:s10], [sflag:$0x2] =	stream.indirect.gather [hbm4b:s6+s12], $0x40, s8, s12, $0xb8;
	[tilespmem:$0x1C840] =	vst v63  }
0xa0: {  	_ = 	snop  }
0xa1: {  	[tilespmem:s14], [sflag:$0x2] =	stream.indirect.gather [hbm4b:s6+s12], $0x40, s9, s12, $0xb8;
	[tilespmem:$0x1C840] =	vst v63  }
0xa2: {  	_ = 	snop  }
0xa3: {  	[tilespmem:s16], [sflag:$0x2] =	stream.indirect.gather [hbm4b:s6+s12], $0x40, s15, s12, $0xb8;
	[tilespmem:$0x1C840] =	vst v63  }
0xa4: {  	_ = 	snop  }
0xa5: {  	[tilespmem:s18], [sflag:$0x2] =	stream.indirect.gather [hbm4b:s6+s12], $0x40, s17, s12, $0xb8;
	[tilespmem:$0x1C840] =	vst v63  }
0xa6: {  	_ = 	snop  }
0xa7: {  	[tilespmem:s20], [sflag:$0x2] =	stream.indirect.gather [hbm4b:s6+s12], $0x40, s19, s12, $0xb8;
	[tilespmem:$0x1C840] =	vst v63  }
0xa8: {  	_ = 	snop  }
0xa9: {  	[tilespmem:s22], [sflag:$0x2] =	stream.indirect.gather [hbm4b:s6+s12], $0x40, s21, s12, $0xb8;
	[tilespmem:$0x1C840] =	vst v63  }
0xaa: {  	s10 =	simm.s32 $0x0  }
0xab: {  	[tilespmem:s24], [sflag:$0x2] =	stream.indirect.gather [hbm4b:s6+s12], $0x40, s23, s12, $0xb8;
	[tilespmem:$0x1C840] =	vst v63  }
0xac: {  	v6 =	vld [tilespmem:s10+$0x19640]  }
0xad: {  	v8 =	vld [tilespmem:s10+$0x19650]  }
0xae: {  	v9 =	vld [tilespmem:s10+$0x19660]  }
0xaf: {  	v7 =	vld [tilespmem:s10+$0x19670]  }
0xb0: {  	v10 =	vld [tilespmem:s10+$0x19670]  }
0xb1: {  	v11 =	vld [tilespmem:s10+$0x19640]  }
0xb2: {  	v13 =	vld [tilespmem:s10+$0x19650]  }
0xb3: {  	v5 =	vld [tilespmem:s10+$0x19660]  }
0xb4: {  	v4 =	vld [tilespmem:s10+$0x19670]  }
0xb5: {  	v3 =	vld [tilespmem:s10+$0x19640]  }
0xb6: {  	v2 =	vld [tilespmem:s10+$0x19650]  }
0xb7: {  	v1 =	vld [tilespmem:s10+$0x19660]  }
0xb8: {  	v0 =	vld [tilespmem:s10+$0x19670]  }
0xb9: {  	v12 =	vld [tilespmem:s10+$0x640]  }
0xba: {  	v14 =	vld [tilespmem:s10+$0x650]  }
0xbb: {  	v15 =	vld [tilespmem:s10+$0x660]  }
0xbc: {  	v16 =	vld [tilespmem:s10+$0x670]  }
0xbd: {  	v17 =	vld [tilespmem:s10+$0x3840]  }
0xbe: {  	v18 =	vld [tilespmem:s10+$0x3850];
	v12 =	vadd.f32 v6, v12  }
0xbf: {  	v19 =	vld [tilespmem:s10+$0x3860];
	v14 =	vadd.f32 v8, v14  }
0xc0: {  	v15 =	vadd.f32 v9, v15;
	[tilespmem:s10+$0x640] =	vst v12;
	v12 =	vld [tilespmem:s10+$0x3870]  }
0xc1: {  	v7 =	vadd.f32 v7, v16;
	[tilespmem:s10+$0x650] =	vst v14;
	v14 =	vld [tilespmem:s10+$0x6A40]  }
0xc2: {  	v6 =	vadd.f32 v6, v17;
	[tilespmem:s10+$0x660] =	vst v15;
	v15 =	vld [tilespmem:s10+$0x6A50]  }
0xc3: {  	v8 =	vadd.f32 v8, v18;
	[tilespmem:s10+$0x670] =	vst v7;
	v7 =	vld [tilespmem:s10+$0x6A60]  }
0xc4: {  	v9 =	vadd.f32 v9, v19;
	[tilespmem:s10+$0x3840] =	vst v6;
	v6 =	vld [tilespmem:s10+$0x6A70]  }
0xc5: {  	[tilespmem:s10+$0x3850] =	vst v8;
	v8 =	vld [tilespmem:s10+$0x9C40];
	v10 =	vadd.f32 v10, v12  }
0xc6: {  	[tilespmem:s10+$0x3860] =	vst v9;
	v9 =	vld [tilespmem:s10+$0x9C50];
	v12 =	vadd.f32 v11, v14  }
0xc7: {  	s5 =	simm.s32 $0x100;
	v11 =	vadd.f32 v13, v15;
	[tilespmem:s10+$0x3870] =	vst v10;
	v10 =	vld [tilespmem:s10+$0x9C60]  }
.LBB2_3:
0xc8: {  	s8 =	sshra.s32 s5, $0x2;
	p0 =	sne.s32 s5, $0xC700;
	[tilespmem:s10+$0x6A40] =	vst v12;
	v5 =	vadd.f32 v5, v7;
	v7 =	vld [tilespmem:s10+$0x9C70]  }
0xc9: {  	v12 =	vld [tilespmem:s8+$0x19640];
	[tilespmem:s10+$0x6A50] =	vst v11;
	v4 =	vadd.f32 v4, v6  }
0xca: {  	v6 =	vld [tilespmem:s8+$0x19650];
	[tilespmem:s10+$0x6A60] =	vst v5;
	v3 =	vadd.f32 v3, v8  }
0xcb: {  	v8 =	vld [tilespmem:s8+$0x19660];
	[tilespmem:s10+$0x6A70] =	vst v4;
	v2 =	vadd.f32 v2, v9  }
0xcc: {  	v9 =	vld [tilespmem:s8+$0x19670];
	[tilespmem:s10+$0x9C40] =	vst v3;
	v1 =	vadd.f32 v1, v10  }
0xcd: {  	v10 =	vld [tilespmem:s8+$0x19670];
	[tilespmem:s10+$0x9C50] =	vst v2;
	v0 =	vadd.f32 v0, v7  }
0xce: {  	v11 =	vld [tilespmem:s8+$0x19640];
	[tilespmem:s10+$0x9C60] =	vst v1  }
0xcf: {  	v13 =	vld [tilespmem:s8+$0x19650];
	[tilespmem:s10+$0x9C70] =	vst v0;
	s10 =	smov.u32 s8  }
0xd0: {  	v5 =	vld [tilespmem:s10+$0x19660]  }
0xd1: {  	v4 =	vld [tilespmem:s10+$0x19670]  }
0xd2: {  	v3 =	vld [tilespmem:s10+$0x19640]  }
0xd3: {  	v2 =	vld [tilespmem:s10+$0x19650]  }
0xd4: {  	v1 =	vld [tilespmem:s10+$0x19660]  }
0xd5: {  	v0 =	vld [tilespmem:s10+$0x19670]  }
0xd6: {  	v7 =	vld [tilespmem:s10+$0x640]  }
0xd7: {  	v14 =	vld [tilespmem:s10+$0x650]  }
0xd8: {  	v15 =	vld [tilespmem:s10+$0x660]  }
0xd9: {  	v16 =	vld [tilespmem:s10+$0x670]  }
0xda: {  	v17 =	vld [tilespmem:s10+$0x3840]  }
0xdb: {  	v7 =	vadd.f32 v12, v7;
	v18 =	vld [tilespmem:s10+$0x3850]  }
0xdc: {  	v14 =	vadd.f32 v6, v14;
	v19 =	vld [tilespmem:s10+$0x3860]  }
0xdd: {  	[tilespmem:s10+$0x640] =	vst v7;
	v7 =	vadd.f32 v8, v15;
	v15 =	vld [tilespmem:s10+$0x3870]  }
0xde: {  	[tilespmem:s10+$0x650] =	vst v14;
	v9 =	vadd.f32 v9, v16;
	v14 =	vld [tilespmem:s10+$0x6A40]  }
0xdf: {  	[tilespmem:s10+$0x660] =	vst v7;
	v12 =	vadd.f32 v12, v17;
	v16 =	vld [tilespmem:s10+$0x6A50]  }
.Ltmp0:
0xe0: {  	[tilespmem:s10+$0x670] =	vst v9;
	v9 =	vadd.f32 v6, v18;
	v7 =	vld [tilespmem:s10+$0x6A60];
	(pc) =	sbr.rel @p0 .LBB2_3-.Ltmp0, $4  }
0xe1: {  	[tilespmem:s10+$0x3840] =	vst v12;
	v12 =	vadd.f32 v8, v19;
	v6 =	vld [tilespmem:s10+$0x6A70]  }
0xe2: {  	[tilespmem:s10+$0x3850] =	vst v9;
	v10 =	vadd.f32 v10, v15;
	v8 =	vld [tilespmem:s10+$0x9C40]  }
0xe3: {  	[tilespmem:s10+$0x3860] =	vst v12;
	v12 =	vadd.f32 v11, v14;
	v9 =	vld [tilespmem:s10+$0x9C50]  }
0xe4: {  	s5 =	sadd.s32 $0x100, s5;
	[tilespmem:s10+$0x3870] =	vst v10;
	v11 =	vadd.f32 v13, v16;
	v10 =	vld [tilespmem:s10+$0x9C60]  }
0xe5: {  	[tilespmem:s10+$0x6A40] =	vst v12;
	v5 =	vadd.f32 v5, v7;
	v63 =	vld [tilespmem:s10+$0x9C70]  }
0xe6: {  	[tilespmem:s10+$0x6A50] =	vst v11;
	v4 =	vadd.f32 v4, v6  }
0xe7: {  	[tilespmem:s10+$0x6A60] =	vst v5;
	v3 =	vadd.f32 v3, v8  }
0xe8: {  	[tilespmem:s10+$0x6A70] =	vst v4;
	v2 =	vadd.f32 v2, v9  }
0xe9: {  	[tilespmem:s10+$0x9C40] =	vst v3;
	v1 =	vadd.f32 v1, v10  }
0xea: {  	s5 =	smul.u32 $0x3200, s2;
	[tilespmem:s10+$0x9C50] =	vst v2;
	v0 =	vadd.f32 v0, v63  }
0xeb: {  	[tilespmem:s10+$0x9C60] =	vst v1  }
0xec: {  	s5 =	sadd.s32 s1, s5;
	[tilespmem:s10+$0x9C70] =	vst v0  }
0xed: {  	[hbm4b:s5+s25] =	stream.strided.scatter [tilespmem:s13], [sflag:$0x3], $0xC800, s26, s25, $0x38;
	[tilespmem:$0x1C840] =	vst v63  }
0xee: {  	_ =	swait.ge [sflag:s28], $0xA00  }
0xef: {  	[sflag:s28] =	ssyncset.done $0x0  }
0xf0: {  	[sflag:s28] =	ssyncadd.s32 $0xFFFFF600  }
0xf1: {  	_ =	swait.ge [sflag:s28], $0xA00  }
0xf2: {  	[sflag:s28] =	ssyncset.done $0x0  }
0xf3: {  	[sflag:s28] =	ssyncadd.s32 $0xFFFFF600  }
0xf4: {  	_ =	swait.ge [sflag:s28], $0xA00  }
0xf5: {  	[sflag:s28] =	ssyncset.done $0x0  }
0xf6: {  	[sflag:s28] =	ssyncadd.s32 $0xFFFFF600  }
0xf7: {  	_ =	swait.ge [sflag:s28], $0xA00  }
0xf8: {  	[sflag:s28] =	ssyncset.done $0x0  }
0xf9: {  	[sflag:s28] =	ssyncadd.s32 $0xFFFFF600  }
0xfa: {  	_ =	swait.ge [sflag:s28], $0xA00  }
0xfb: {  	[sflag:s28] =	ssyncset.done $0x0  }
0xfc: {  	[sflag:s28] =	ssyncadd.s32 $0xFFFFF600  }
0xfd: {  	_ =	swait.ge [sflag:s28], $0xA00  }
0xfe: {  	[sflag:s28] =	ssyncset.done $0x0  }
0xff: {  	[sflag:s28] =	ssyncadd.s32 $0xFFFFF600  }
0x100: {  	_ =	swait.ge [sflag:s28], $0xA00  }
0x101: {  	[sflag:s28] =	ssyncset.done $0x0  }
0x102: {  	[sflag:s28] =	ssyncadd.s32 $0xFFFFF600  }
0x103: {  	_ =	swait.ge [sflag:s28], $0xA00  }
0x104: {  	[sflag:s28] =	ssyncset.done $0x0  }
0x105: {  	[sflag:s28] =	ssyncadd.s32 $0xFFFFF600  }
0x106: {  	_ =	swait.ge [sflag:s28], $0xA00  }
0x107: {  	[sflag:s28] =	ssyncset.done $0x0  }
0x108: {  	[sflag:s28] =	ssyncadd.s32 $0xFFFFF600  }
0x109: {  	_ =	swait.ge [sflag:s28], $0xA00  }
0x10a: {  	[sflag:s28] =	ssyncset.done $0x0  }
0x10b: {  	[sflag:s28] =	ssyncadd.s32 $0xFFFFF600  }
0x10c: {  	_ =	swait.ge [sflag:s28], $0xA00  }
0x10d: {  	[sflag:s28] =	ssyncset.done $0x0  }
0x10e: {  	[sflag:s28] =	ssyncadd.s32 $0xFFFFF600  }
0x10f: {  	_ =	swait.ge [sflag:s28], $0xA00  }
0x110: {  	[sflag:s28] =	ssyncset.done $0x0  }
0x111: {  	[sflag:s28] =	ssyncadd.s32 $0xFFFFF600  }
0x112: {  	_ =	swait.ge [sflag:s28], $0xA00  }
0x113: {  	[sflag:s28] =	ssyncset.done $0x0  }
0x114: {  	[sflag:s28] =	ssyncadd.s32 $0xFFFFF600  }
0x115: {  	_ =	swait.ge [sflag:s28], $0xA00  }
0x116: {  	[sflag:s28] =	ssyncset.done $0x0  }
0x117: {  	[sflag:s28] =	ssyncadd.s32 $0xFFFFF600  }
0x118: {  	_ =	swait.ge [sflag:s28], $0xA00  }
0x119: {  	[sflag:s28] =	ssyncset.done $0x0  }
0x11a: {  	[sflag:s28] =	ssyncadd.s32 $0xFFFFF600  }
0x11b: {  	_ =	swait.ge [sflag:s28], $0xA00  }
0x11c: {  	[sflag:s28] =	ssyncset.done $0x0  }
0x11d: {  	[sflag:s28] =	ssyncadd.s32 $0xFFFFF600  }
0x11e: {  	_ =	swait.ge [sflag:s28], $0xA00  }
0x11f: {  	[sflag:s28] =	ssyncset.done $0x0  }
0x120: {  	[sflag:s28] =	ssyncadd.s32 $0xFFFFF600  }
0x121: {  	_ =	swait.ge [sflag:s28], $0xA00  }
0x122: {  	[sflag:s28] =	ssyncset.done $0x0  }
0x123: {  	[sflag:s28] =	ssyncadd.s32 $0xFFFFF600  }
0x124: {  	_ =	swait.ge [sflag:s28], $0xA00  }
0x125: {  	[sflag:s28] =	ssyncset.done $0x0  }
0x126: {  	[sflag:s28] =	ssyncadd.s32 $0xFFFFF600  }
0x127: {  	p0 =	seq.s32 s0, $0xF;
	_ =	swait.ge [sflag:s28], $0xA00  }
.Ltmp1:
0x128: {  	[sflag:s28] =	ssyncset.done $0x0;
	(pc) =	sbr.rel @p0 .LBB2_6-.Ltmp1, $4  }
0x129: {  	[sflag:s28] =	ssyncadd.s32 $0xFFFFF600  }
0x12a: {  	_ =	swait.ge [sflag:s3], $0xC800  }
0x12b: {  	[sflag:s3] =	ssyncset.done $0x0  }
0x12c: {  	s2 =	sor.u32 $0x1, s2;
	[sflag:s3] =	ssyncadd.s32 $0xFFFF3800  }
0x12d: {  	s5 =	smul.u32 $0x320, s2;
	_ =	sdelay $0x1  }
0x12e: {  	s5 =	sshrl.u32 s5, $0x3  }
0x12f: {  	s5 =	sadd.s32 s4, s5  }
0x130: {  	s8 =	simm.s32 $0x0;
	s5 =	sadd.s32 $0x64, s5  }
0x131: {  	[tilespmem:s8], [sflag:$0x5] =	stream.linear.gather [hbm4b:s5+s8], $0x320, $0x38;
	[tilespmem:$0x1C840] =	vst v63  }
0x132: {  	_ =	swait.ge [sflag:s11], $0x320  }
0x133: {  	[sflag:s11] =	ssyncset.done $0x0  }
0x134: {  	[sflag:s11] =	ssyncadd.s32 $0xFFFFFCE0  }
0x135: {  	[tilespmem:s13], [sflag:$0x1] =	stream.indirect.gather [hbm4b:s6+s12], $0x40, s8, s12, $0xb8;
	[tilespmem:$0x1C840] =	vst v63  }
0x136: {  	s10 =	simm.s32 $0x1040  }
0x137: {  	[tilespmem:s10], [sflag:$0x1] =	stream.indirect.gather [hbm4b:s6+s12], $0x40, s12, s12, $0xb8;
	[tilespmem:$0x1C840] =	vst v63  }
0x138: {  	s8 =	simm.s32 $0x50;
	s10 =	simm.s32 $0x1A40  }
0x139: {  	[tilespmem:s10], [sflag:$0x1] =	stream.indirect.gather [hbm4b:s6+s12], $0x40, s8, s12, $0xb8;
	[tilespmem:$0x1C840] =	vst v63  }
0x13a: {  	s8 =	simm.s32 $0x78;
	s10 =	simm.s32 $0x2440  }
0x13b: {  	[tilespmem:s10], [sflag:$0x1] =	stream.indirect.gather [hbm4b:s6+s12], $0x40, s8, s12, $0xb8;
	[tilespmem:$0x1C840] =	vst v63  }
0x13c: {  	s8 =	simm.s32 $0xA0;
	s10 =	simm.s32 $0x2E40  }
0x13d: {  	[tilespmem:s10], [sflag:$0x1] =	stream.indirect.gather [hbm4b:s6+s12], $0x40, s8, s12, $0xb8;
	[tilespmem:$0x1C840] =	vst v63  }
0x13e: {  	s8 =	simm.s32 $0xC8;
	s10 =	simm.s32 $0x3840  }
0x13f: {  	[tilespmem:s10], [sflag:$0x1] =	stream.indirect.gather [hbm4b:s6+s12], $0x40, s8, s12, $0xb8;
	[tilespmem:$0x1C840] =	vst v63  }
0x140: {  	s8 =	simm.s32 $0xF0;
	s10 =	simm.s32 $0x4240  }
0x141: {  	[tilespmem:s10], [sflag:$0x1] =	stream.indirect.gather [hbm4b:s6+s12], $0x40, s8, s12, $0xb8;
	[tilespmem:$0x1C840] =	vst v63  }
0x142: {  	s8 =	simm.s32 $0x118;
	s10 =	simm.s32 $0x4C40  }
0x143: {  	[tilespmem:s10], [sflag:$0x1] =	stream.indirect.gather [hbm4b:s6+s12], $0x40, s8, s12, $0xb8;
	[tilespmem:$0x1C840] =	vst v63  }
0x144: {  	s8 =	simm.s32 $0x140;
	s10 =	simm.s32 $0x5640  }
0x145: {  	[tilespmem:s10], [sflag:$0x1] =	stream.indirect.gather [hbm4b:s6+s12], $0x40, s8, s12, $0xb8;
	[tilespmem:$0x1C840] =	vst v63  }
0x146: {  	s8 =	simm.s32 $0x168;
	s10 =	simm.s32 $0x6040  }
0x147: {  	[tilespmem:s10], [sflag:$0x1] =	stream.indirect.gather [hbm4b:s6+s12], $0x40, s8, s12, $0xb8;
	[tilespmem:$0x1C840] =	vst v63  }
0x148: {  	s8 =	simm.s32 $0x190;
	s10 =	simm.s32 $0x6A40  }
0x149: {  	[tilespmem:s10], [sflag:$0x1] =	stream.indirect.gather [hbm4b:s6+s12], $0x40, s8, s12, $0xb8;
	[tilespmem:$0x1C840] =	vst v63  }
0x14a: {  	s8 =	simm.s32 $0x1B8;
	s10 =	simm.s32 $0x7440  }
0x14b: {  	[tilespmem:s10], [sflag:$0x1] =	stream.indirect.gather [hbm4b:s6+s12], $0x40, s8, s12, $0xb8;
	[tilespmem:$0x1C840] =	vst v63  }
0x14c: {  	s8 =	simm.s32 $0x1E0;
	s10 =	simm.s32 $0x7E40  }
0x14d: {  	[tilespmem:s10], [sflag:$0x1] =	stream.indirect.gather [hbm4b:s6+s12], $0x40, s8, s12, $0xb8;
	[tilespmem:$0x1C840] =	vst v63  }
0x14e: {  	s8 =	simm.s32 $0x208;
	s10 =	simm.s32 $0x8840  }
0x14f: {  	[tilespmem:s10], [sflag:$0x1] =	stream.indirect.gather [hbm4b:s6+s12], $0x40, s8, s12, $0xb8;
	[tilespmem:$0x1C840] =	vst v63  }
0x150: {  	s8 =	simm.s32 $0x230;
	s10 =	simm.s32 $0x9240  }
0x151: {  	[tilespmem:s10], [sflag:$0x1] =	stream.indirect.gather [hbm4b:s6+s12], $0x40, s8, s12, $0xb8;
	[tilespmem:$0x1C840] =	vst v63  }
0x152: {  	s8 =	simm.s32 $0x258;
	s10 =	simm.s32 $0x9C40  }
0x153: {  	[tilespmem:s10], [sflag:$0x1] =	stream.indirect.gather [hbm4b:s6+s12], $0x40, s8, s12, $0xb8;
	[tilespmem:$0x1C840] =	vst v63  }
0x154: {  	s8 =	simm.s32 $0x280;
	s10 =	simm.s32 $0xA640  }
0x155: {  	[tilespmem:s10], [sflag:$0x1] =	stream.indirect.gather [hbm4b:s6+s12], $0x40, s8, s12, $0xb8;
	[tilespmem:$0x1C840] =	vst v63  }
0x156: {  	s8 =	simm.s32 $0x2A8;
	s10 =	simm.s32 $0xB040  }
0x157: {  	[tilespmem:s10], [sflag:$0x1] =	stream.indirect.gather [hbm4b:s6+s12], $0x40, s8, s12, $0xb8;
	[tilespmem:$0x1C840] =	vst v63  }
0x158: {  	s8 =	simm.s32 $0x2D0;
	s10 =	simm.s32 $0xBA40  }
0x159: {  	[tilespmem:s10], [sflag:$0x1] =	stream.indirect.gather [hbm4b:s6+s12], $0x40, s8, s12, $0xb8;
	[tilespmem:$0x1C840] =	vst v63  }
0x15a: {  	s8 =	simm.s32 $0x2F8;
	s10 =	simm.s32 $0xC440  }
0x15b: {  	[tilespmem:s10], [sflag:$0x1] =	stream.indirect.gather [hbm4b:s6+s12], $0x40, s8, s12, $0xb8;
	[tilespmem:$0x1C840] =	vst v63  }
.LBB2_6:
0x15c: {  	s10 =	simm.s32 $0x0  }
0x15d: {  	v6 =	vld [tilespmem:s10+$0x19640]  }
0x15e: {  	v8 =	vld [tilespmem:s10+$0x19650]  }
0x15f: {  	v7 =	vld [tilespmem:s10+$0x19660]  }
0x160: {  	v9 =	vld [tilespmem:s10+$0x19670]  }
0x161: {  	v10 =	vld [tilespmem:s10+$0x19660]  }
0x162: {  	v11 =	vld [tilespmem:s10+$0x19670]  }
0x163: {  	v12 =	vld [tilespmem:s10+$0x19640]  }
0x164: {  	v13 =	vld [tilespmem:s10+$0x19650]  }
0x165: {  	v5 =	vld [tilespmem:s10+$0x19660]  }
0x166: {  	v4 =	vld [tilespmem:s10+$0x19670]  }
0x167: {  	v3 =	vld [tilespmem:s10+$0x19640]  }
0x168: {  	v2 =	vld [tilespmem:s10+$0x19650]  }
0x169: {  	v1 =	vld [tilespmem:s10+$0x19660]  }
0x16a: {  	v0 =	vld [tilespmem:s10+$0x19670]  }
0x16b: {  	v14 =	vld [tilespmem:s10+$0xCE40]  }
0x16c: {  	v15 =	vld [tilespmem:s10+$0xCE50]  }
0x16d: {  	v16 =	vld [tilespmem:s10+$0xCE60]  }
0x16e: {  	v17 =	vld [tilespmem:s10+$0xCE70]  }
0x16f: {  	v18 =	vld [tilespmem:s10+$0x10040]  }
0x170: {  	v19 =	vld [tilespmem:s10+$0x10050];
	v14 =	vadd.f32 v6, v14  }
0x171: {  	v20 =	vld [tilespmem:s10+$0x10060];
	v15 =	vadd.f32 v8, v15  }
0x172: {  	v7 =	vadd.f32 v7, v16;
	[tilespmem:s10+$0xCE40] =	vst v14;
	v14 =	vld [tilespmem:s10+$0x10070]  }
0x173: {  	v9 =	vadd.f32 v9, v17;
	[tilespmem:s10+$0xCE50] =	vst v15;
	v15 =	vld [tilespmem:s10+$0x13240]  }
0x174: {  	v63 =	vld [tilespmem:s10+$0x13250];
	v6 =	vadd.f32 v6, v18;
	[tilespmem:s10+$0xCE60] =	vst v7  }
0x175: {  	v8 =	vadd.f32 v8, v19;
	[tilespmem:s10+$0xCE70] =	vst v9;
	v7 =	vld [tilespmem:s10+$0x13260]  }
0x176: {  	[tilespmem:s10+$0x10040] =	vst v6;
	v6 =	vld [tilespmem:s10+$0x13270];
	v9 =	vadd.f32 v10, v20  }
0x177: {  	[tilespmem:s10+$0x10050] =	vst v8;
	v8 =	vld [tilespmem:s10+$0x16440];
	v10 =	vadd.f32 v11, v14  }
0x178: {  	[tilespmem:s10+$0x10060] =	vst v9;
	v9 =	vld [tilespmem:s10+$0x16450];
	v12 =	vadd.f32 v12, v15  }
0x179: {  	s5 =	simm.s32 $0x100;
	v11 =	vadd.f32 v13, v63;
	[tilespmem:s10+$0x10070] =	vst v10;
	v10 =	vld [tilespmem:s10+$0x16460]  }
.LBB2_7:
0x17a: {  	s8 =	sshra.s32 s5, $0x2;
	p0 =	sne.s32 s5, $0xC700;
	[tilespmem:s10+$0x13240] =	vst v12;
	v5 =	vadd.f32 v5, v7;
	v7 =	vld [tilespmem:s10+$0x16470]  }
0x17b: {  	v12 =	vld [tilespmem:s8+$0x19640];
	[tilespmem:s10+$0x13250] =	vst v11;
	v4 =	vadd.f32 v4, v6  }
0x17c: {  	v6 =	vld [tilespmem:s8+$0x19650];
	[tilespmem:s10+$0x13260] =	vst v5;
	v3 =	vadd.f32 v3, v8  }
0x17d: {  	v8 =	vld [tilespmem:s8+$0x19660];
	[tilespmem:s10+$0x13270] =	vst v4;
	v2 =	vadd.f32 v2, v9  }
0x17e: {  	v9 =	vld [tilespmem:s8+$0x19670];
	[tilespmem:s10+$0x16440] =	vst v3;
	v1 =	vadd.f32 v1, v10  }
0x17f: {  	v10 =	vld [tilespmem:s8+$0x19660];
	[tilespmem:s10+$0x16450] =	vst v2;
	v0 =	vadd.f32 v0, v7  }
0x180: {  	v11 =	vld [tilespmem:s8+$0x19670];
	[tilespmem:s10+$0x16460] =	vst v1  }
0x181: {  	v13 =	vld [tilespmem:s8+$0x19640];
	[tilespmem:s10+$0x16470] =	vst v0;
	s10 =	smov.u32 s8  }
0x182: {  	v14 =	vld [tilespmem:s10+$0x19650]  }
0x183: {  	v5 =	vld [tilespmem:s10+$0x19660]  }
0x184: {  	v4 =	vld [tilespmem:s10+$0x19670]  }
0x185: {  	v3 =	vld [tilespmem:s10+$0x19640]  }
0x186: {  	v2 =	vld [tilespmem:s10+$0x19650]  }
0x187: {  	v1 =	vld [tilespmem:s10+$0x19660]  }
0x188: {  	v0 =	vld [tilespmem:s10+$0x19670]  }
0x189: {  	v7 =	vld [tilespmem:s10+$0xCE40]  }
0x18a: {  	v15 =	vld [tilespmem:s10+$0xCE50]  }
0x18b: {  	v16 =	vld [tilespmem:s10+$0xCE60]  }
0x18c: {  	v17 =	vld [tilespmem:s10+$0xCE70]  }
0x18d: {  	v18 =	vld [tilespmem:s10+$0x10040]  }
0x18e: {  	v7 =	vadd.f32 v12, v7;
	v19 =	vld [tilespmem:s10+$0x10050]  }
0x18f: {  	v15 =	vadd.f32 v6, v15;
	v20 =	vld [tilespmem:s10+$0x10060]  }
0x190: {  	[tilespmem:s10+$0xCE40] =	vst v7;
	v7 =	vadd.f32 v8, v16;
	v8 =	vld [tilespmem:s10+$0x10070]  }
0x191: {  	[tilespmem:s10+$0xCE50] =	vst v15;
	v9 =	vadd.f32 v9, v17;
	v15 =	vld [tilespmem:s10+$0x13240]  }
0x192: {  	[tilespmem:s10+$0xCE60] =	vst v7;
	v12 =	vadd.f32 v12, v18;
	v16 =	vld [tilespmem:s10+$0x13250]  }
.Ltmp2:
0x193: {  	[tilespmem:s10+$0xCE70] =	vst v9;
	v9 =	vadd.f32 v6, v19;
	v7 =	vld [tilespmem:s10+$0x13260];
	(pc) =	sbr.rel @p0 .LBB2_7-.Ltmp2, $4  }
0x194: {  	[tilespmem:s10+$0x10040] =	vst v12;
	v10 =	vadd.f32 v10, v20;
	v6 =	vld [tilespmem:s10+$0x13270]  }
0x195: {  	[tilespmem:s10+$0x10050] =	vst v9;
	v11 =	vadd.f32 v11, v8;
	v8 =	vld [tilespmem:s10+$0x16440]  }
0x196: {  	[tilespmem:s10+$0x10060] =	vst v10;
	v12 =	vadd.f32 v13, v15;
	v9 =	vld [tilespmem:s10+$0x16450]  }
0x197: {  	s5 =	sadd.s32 $0x100, s5;
	[tilespmem:s10+$0x10070] =	vst v11;
	v11 =	vadd.f32 v14, v16;
	v10 =	vld [tilespmem:s10+$0x16460]  }
0x198: {  	[tilespmem:s10+$0x13240] =	vst v12;
	v5 =	vadd.f32 v5, v7;
	v63 =	vld [tilespmem:s10+$0x16470]  }
0x199: {  	[tilespmem:s10+$0x13250] =	vst v11;
	v4 =	vadd.f32 v4, v6  }
0x19a: {  	s0 =	sadd.s32 $0x1, s0;
	[tilespmem:s10+$0x13260] =	vst v5;
	v3 =	vadd.f32 v3, v8  }
0x19b: {  	p0 =	sne.s32 s0, $0x10;
	[tilespmem:s10+$0x13270] =	vst v4;
	v2 =	vadd.f32 v2, v9  }
.Ltmp3:
0x19c: {  	[tilespmem:s10+$0x16440] =	vst v3;
	v1 =	vadd.f32 v1, v10;
	(pc) =	sbr.rel @p0 .LBB2_2-.Ltmp3, $4  }
0x19d: {  	s2 =	smul.u32 $0x3200, s2;
	[tilespmem:s10+$0x16450] =	vst v2;
	v0 =	vadd.f32 v0, v63  }
0x19e: {  	[tilespmem:s10+$0x16460] =	vst v1  }
0x19f: {  	s2 =	sadd.s32 s1, s2;
	[tilespmem:s10+$0x16470] =	vst v0  }
0x1a0: {  	[hbm4b:s2+s25] =	stream.strided.scatter [tilespmem:s31], [sflag:$0x4], $0xC800, s26, s25, $0x38;
	[tilespmem:$0x1C840] =	vst v63  }
0x1a1: {  	s2 =	simm.s32 $0x4  }
0x1a2: {  	_ =	swait.ge [sflag:s2], $0xC800  }
0x1a3: {  	s5 =	rddreg [dreg:$0x6]  }
0x1a4: {  	s0 =	rddreg [dreg:$0x5];
	s5 =	sadd.s32 $0x1, s5  }
0x1a5: {  	p0 =	sne.s32 s5, s0  }
.Ltmp4:
0x1a6: {  	_ = 	snop;
	(pc) =	sbr.rel @p0 .LBB2_1-.Ltmp4, $3  }
0x1a7: {  	_ =	sdelay $0x1  }
0x1a8: {  	[sflag:s2] =	ssyncset.done $0x0  }
0x1a9: {  	[sflag:s2] =	ssyncadd.s32 $0xFFFF3800  }
0x1aa: {  	_ =	sfence.sel $0x180000  }
0x1ab: {  	[bflag:$0x0] =	sbarrier.arrive $0xFFFF  }
0x1ac: {  	_ =	strace $0x90000047  }
0x1ad: {  	s0 =	stileid.u32;
	[bflag:$0x2] =	sbarrier.arrive $0xFFFF  }
0x1ae: {  	p0 =	sne.s32 s0, $0x0;
	s0 =	rddreg [dreg:$0x2]  }
0x1af: {  	s0 =	sadd.s32 @!p0 $0x100000, s0  }
0x1b0: {  	[sflag:s0] =	ssyncadd.tile.s32 @!p0 $0x1;
	_ =	shalt  }
.Lfunc_end2:
_tile_overlayer_lowered:
.L_overlay_start_2:
0x1b1: {  	(tag) =	ssettag $0x2  }
0x1b2: {  	s0 =	rddreg [dreg:$0x0];
	s2 =	stileid.u32  }
0x1b3: {  	s1 =	rddreg [dreg:$0x1];
	p0 =	sne.s32 s2, $0x0  }
0x1b4: {  	s3 =	rddreg [dreg:$0x2];
	[bflag:$0x3] =	sbarrier.arrive $0xFFFF;
	s2 =	simm.s32 @!p0 $0x1C05  }
0x1b5: {  	[timem:s3], [sflag:s2] =	dma.local @!p0 [hbm:s0], s1  }
0x1b6: {  	s0 =	simm.s32 @!p0 $0x5  }
0x1b7: {  	_ =	swait.ge @!p0 [sflag:s0], s1  }
0x1b8: {  	s1 =	ssub.s32 @!p0 $0x0, s1;
	[sflag:s0] =	ssyncset.done @!p0 $0x0  }
0x1b9: {  	[sflag:s0] =	ssyncadd.s32 @!p0 s1  }
0x1ba: {  	[bflag:$0x3] =	sbarrier.arrive $0xFFFF  }
0x1bb: {  	_ =	shalt  }

</sc_bundles>
